<compile_context>
chip_gen: v7x
topology: tpu7x:2x2x1
jax: 0.10.2.dev20260603
libtpu: 0.0.44.dev20260713+nightly
codegen_flags: <defaults>
</compile_context>

<pallas_src>
import functools

import jax
import jax.numpy as jnp
from jax import lax
from jax.experimental import pallas as pl
from jax.experimental.pallas import tpu as pltpu
from jax.experimental.pallas import tpu_sc as plsc

_NC, _NS = 2, 16
_NW = _NC * _NS


def _vtab_body(v_ref, ws_ref, wr_ref, b_ref, o_ref):
    wsr = (ws_ref[...] + wr_ref[...]).astype(jnp.bfloat16)
    o_ref[...] = (
        jnp.dot(
            v_ref[...].astype(jnp.bfloat16), wsr, preferred_element_type=jnp.float32
        )
        + b_ref[...]
    )


def _combine_body(g_ref, e_ref, we_ref, o_ref):
    o_ref[...] = g_ref[...] + jnp.dot(
        e_ref[...].astype(jnp.bfloat16),
        we_ref[...].astype(jnp.bfloat16),
        preferred_element_type=jnp.float32,
    )


def _combine_alias_body(prev_ref, g_ref, e_ref, we_ref, o_ref):
    del prev_ref
    _combine_body(g_ref, e_ref, we_ref, o_ref)


def _make_gather(nch, C, D, koff):
    per_w = nch * C
    NBUF = 5
    LOOK = 2
    assert nch % NBUF == 0 and nch >= NBUF and C % 8 == 0 and C <= 128
    mesh = plsc.VectorSubcoreMesh(core_axis_name="c", subcore_axis_name="s")

    scratch = [pltpu.VMEM((per_w,), jnp.int32)]
    scratch += [pltpu.VMEM((C, D), jnp.float32) for _ in range(NBUF)]
    scratch += [pltpu.SemaphoreType.DMA for _ in range(2 * NBUF)]

    @functools.partial(
        pl.kernel,
        out_type=jax.ShapeDtypeStruct((per_w * _NW, D), jnp.float32),
        mesh=mesh,
        scratch_types=scratch,
    )
    def gather(vtab_hbm, idx_hbm, out_hbm, idx_v, *bufs_sems):
        rows = bufs_sems[:NBUF]
        gsem = bufs_sems[NBUF : 2 * NBUF]
        ssem = bufs_sems[2 * NBUF :]
        wid = lax.axis_index("s") * _NC + lax.axis_index("c")
        base = wid * per_w
        pltpu.sync_copy(idx_hbm.at[pl.ds(koff + base, per_w)], idx_v)

        def issue_gather(g, b):
            pltpu.async_copy(vtab_hbm.at[idx_v.at[pl.ds(g * C, C)]], rows[b], gsem[b])

        def wait_gather(g, b):
            pltpu.make_async_copy(
                vtab_hbm.at[idx_v.at[pl.ds(g * C, C)]], rows[b], gsem[b]
            ).wait()

        def wait_store(b):
            pltpu.make_async_copy(rows[b], out_hbm.at[pl.ds(base, C)], ssem[b]).wait()

        for p in range(LOOK):
            issue_gather(p, p)

        @pl.loop(0, nch, step=NBUF)
        def _(o):
            for b in range(NBUF):
                g = o + b
                wait_gather(g, b)
                pltpu.async_copy(rows[b], out_hbm.at[pl.ds(base + g * C, C)], ssem[b])
                bn = (b + LOOK) % NBUF
                gn = g + LOOK

                @pl.when(gn < nch)
                def _():
                    @pl.when(gn >= NBUF)
                    def _():
                        wait_store(bn)

                    issue_gather(gn, bn)

        for b in range(NBUF):
            wait_store(b)

    return gather


def kernel(edge_data, vertex_data, sender_idx, receiver_idx, W, b):
    B, E, D_EDGE = edge_data.shape
    _, N, D_FEAT = vertex_data.shape
    D_OUT = W.shape[1]

    edge2 = edge_data.reshape(E, D_EDGE)
    vert2 = vertex_data.reshape(N, D_FEAT)
    idx1 = sender_idx.reshape(E)
    We = W[:D_EDGE]
    Ws = W[D_EDGE : D_EDGE + D_FEAT]
    Wr = W[D_EDGE + D_FEAT :]
    b2 = b.reshape(1, D_OUT)

    BV = 2000
    vtab = pl.pallas_call(
        _vtab_body,
        grid=(N // BV,),
        in_specs=[
            pl.BlockSpec((BV, D_FEAT), lambda i: (i, 0)),
            pl.BlockSpec((D_FEAT, D_OUT), lambda i: (0, 0)),
            pl.BlockSpec((D_FEAT, D_OUT), lambda i: (0, 0)),
            pl.BlockSpec((1, D_OUT), lambda i: (0, 0)),
        ],
        out_specs=pl.BlockSpec((BV, D_OUT), lambda i: (i, 0)),
        out_shape=jax.ShapeDtypeStruct((N, D_OUT), jnp.float32),
    )(vert2, Ws, Wr, b2)

    C = 80
    SLICES = (25, 25, 25, 25, 25)
    assert sum(SLICES) * C * _NW == E
    BE = 6400

    Gs, starts = [], []
    koff = 0
    for nch in SLICES:
        starts.append(koff)
        Gs.append(_make_gather(nch, C, D_OUT, koff)(vtab, idx1))
        koff += nch * C * _NW

    out = None
    for k, nch in enumerate(SLICES):
        Ek = nch * C * _NW
        nblk = Ek // BE
        off = starts[k] // BE
        in_specs = [
            pl.BlockSpec((BE, D_OUT), lambda i: (i, 0)),
            pl.BlockSpec((BE, D_EDGE), lambda i, off=off: (off + i, 0)),
            pl.BlockSpec((D_EDGE, D_OUT), lambda i: (0, 0)),
        ]
        args = [Gs[k], edge2, We]
        if out is None:
            body, kwargs = _combine_body, {}
        else:
            body, kwargs = _combine_alias_body, {"input_output_aliases": {0: 0}}
            in_specs = [pl.BlockSpec(memory_space=pl.ANY)] + in_specs
            args = [out] + args
        out = pl.pallas_call(
            body,
            grid=(nblk,),
            in_specs=in_specs,
            out_specs=pl.BlockSpec((BE, D_OUT), lambda i, off=off: (off + i, 0)),
            out_shape=jax.ShapeDtypeStruct((E, D_OUT), jnp.float32),
            **kwargs,
        )(*args)

    return out.reshape(B, E, D_OUT)

# --- scband reference (transcript-rebuilt; emitter-appended) ---
"""Pipeline reference for scband-edge-block-2740189135079 (READ-ONLY COPY).

The authoritative reference and input builder live on the scoring server;
editing this copy changes nothing except your own understanding.
"""

import jax, jax.numpy as jnp
import numpy as np

B = 1
N = 10000
E = 320000
D_FEAT = 128
D_EDGE = 16
D_OUT = 128
D_IN = D_EDGE + 2 * D_FEAT  # 272


def setup_inputs(seed: int = 0) -> dict:
    key = jax.random.key(seed)
    k1, k2, k3, k4, k5, k6 = jax.random.split(key, 6)
    edge_data = jax.random.normal(k1, (B, E, D_EDGE), dtype=jnp.float32)
    vertex_data = jax.random.normal(k2, (B, N, D_FEAT), dtype=jnp.float32)
    sender_idx = jax.random.randint(k3, (B, E), 0, N, dtype=jnp.int32)
    receiver_idx = jax.random.randint(k4, (B, E), 0, N, dtype=jnp.int32)
    # updater MLP params (nn.Linear(D_IN, D_OUT))
    W = jax.random.normal(k5, (D_IN, D_OUT), dtype=jnp.float32) * (1.0 / np.sqrt(D_IN))
    b = jax.random.normal(k6, (D_OUT,), dtype=jnp.float32) * 0.01
    return {
        "edge_data": edge_data,
        "vertex_data": vertex_data,
        "sender_idx": sender_idx,
        "receiver_idx": receiver_idx,
        "W": W,
        "b": b,
    }


def reference(edge_data, vertex_data, sender_idx, receiver_idx, W, b):
    # Non-independent EdgeBlock, single vertex type, single edge type, no context.
    # Gather per-edge sender and receiver vertex features.
    # NOTE: the original torch code computes receiver_ids from einfo[...].sender.id
    # (an upstream bug); we replicate that exactly: both gathers use sender_idx.
    sender_data = jnp.take_along_axis(vertex_data, sender_idx[:, :, None], axis=1)
    receiver_data = jnp.take_along_axis(vertex_data, sender_idx[:, :, None], axis=1)
    # etin = cat((edata, sender_data, receiver_data), dim=2)
    etin = jnp.concatenate((edge_data, sender_data, receiver_data), axis=2)
    # updater: linear layer applied per edge
    etout = jnp.einsum("bef,fo->beo", etin, W) + b
    # out is a list (per graph) of dicts (per edge type); here B graphs, one
    # edge type 'edge' -> return the stacked tensor [B, E, D_OUT]
    return etout

if __name__ == "__main__":
    import jax
    _d = setup_inputs()
    print(jax.jit(kernel)(*tuple(_d.values())))

</pallas_src>

<mosaic_0001>
#map = affine_map<(d0, d1) -> (0, 0)>
#map1 = affine_map<(d0, d1) -> (0)>
module attributes {stable_mosaic.version = 14 : i64} {
  func.func @gather(%arg0: i32, %arg1: i32, %arg2: memref<10000x128xf32, #tpu.memory_space<hbm>>, %arg3: memref<320000xi32, #tpu.memory_space<hbm>>, %arg4: memref<64000x128xf32, #tpu.memory_space<hbm>>, %arg5: memref<2000xi32, #tpu.memory_space<vmem>>, %arg6: memref<80x128xf32, #tpu.memory_space<vmem>>, %arg7: memref<80x128xf32, #tpu.memory_space<vmem>>, %arg8: memref<80x128xf32, #tpu.memory_space<vmem>>, %arg9: memref<80x128xf32, #tpu.memory_space<vmem>>, %arg10: memref<80x128xf32, #tpu.memory_space<vmem>>, %arg11: memref<!tpu.dma_semaphore, #tpu.memory_space<semaphore_mem>>, %arg12: memref<!tpu.dma_semaphore, #tpu.memory_space<semaphore_mem>>, %arg13: memref<!tpu.dma_semaphore, #tpu.memory_space<semaphore_mem>>, %arg14: memref<!tpu.dma_semaphore, #tpu.memory_space<semaphore_mem>>, %arg15: memref<!tpu.dma_semaphore, #tpu.memory_space<semaphore_mem>>, %arg16: memref<!tpu.dma_semaphore, #tpu.memory_space<semaphore_mem>>, %arg17: memref<!tpu.dma_semaphore, #tpu.memory_space<semaphore_mem>>, %arg18: memref<!tpu.dma_semaphore, #tpu.memory_space<semaphore_mem>>, %arg19: memref<!tpu.dma_semaphore, #tpu.memory_space<semaphore_mem>>, %arg20: memref<!tpu.dma_semaphore, #tpu.memory_space<semaphore_mem>>) attributes {dimension_semantics = [#tpu.dimension_semantics<core_parallel>, #tpu.dimension_semantics<subcore_parallel>], iteration_bounds = array<i64: 2, 16>, scalar_prefetch = 0 : i64, scratch_operands = 16 : i64, tpu.core_type = #tpu.core_type<sc_vector_subcore>, window_params = [{transform_indices = #map}, {transform_indices = #map1}, {transform_indices = #map}]} {
    %mul3A = arith.constant 2 : i32
    %mul3A_0 = arith.muli %arg1, %mul3A : i32
    %add3A = arith.addi %mul3A_0, %arg0 : i32
    %mul3A_1 = arith.constant 2000 : i32
    %mul3A_2 = arith.muli %add3A, %mul3A_1 : i32
    %add3A_3 = arith.constant 0 : i32
    %add3A_4 = arith.addi %add3A_3, %mul3A_2 : i32
    "tpu.region"() ({
      %run_scoped3A = tpu.sem_alloc : memref<!tpu.dma_semaphore, #tpu.memory_space<semaphore_mem>>
      %dma_start3A_37 = tpu.memref_slice %arg3[%add3A_4] : memref<320000xi32, #tpu.memory_space<hbm>> -> memref<2000xi32, #tpu.memory_space<hbm>>
      %dma_start3A_38 = tpu.memref_slice %arg3[%add3A_4] : memref<320000xi32, #tpu.memory_space<hbm>> -> memref<2000xi32, #tpu.memory_space<hbm>>
      tpu.enqueue_dma source(%dma_start3A_38 : memref<2000xi32, #tpu.memory_space<hbm>>) target(%arg5 : memref<2000xi32, #tpu.memory_space<vmem>>) target_semaphore(%run_scoped3A : memref<!tpu.dma_semaphore, #tpu.memory_space<semaphore_mem>>)
      %dma_wait3A_39 = tpu.memref_slice %arg3[%add3A_4] : memref<320000xi32, #tpu.memory_space<hbm>> -> memref<2000xi32, #tpu.memory_space<hbm>>
      %dma_wait3A_40 = tpu.memref_slice %arg3[%add3A_4] : memref<320000xi32, #tpu.memory_space<hbm>> -> memref<2000xi32, #tpu.memory_space<hbm>>
      tpu.wait_dma2 semaphore(%run_scoped3A : memref<!tpu.dma_semaphore, #tpu.memory_space<semaphore_mem>>) src(%dma_wait3A_40 : memref<2000xi32, #tpu.memory_space<hbm>>) dst(%arg5 : memref<2000xi32, #tpu.memory_space<vmem>>)
      tpu.yield
    }) : () -> ()
    %dma_start3A = arith.constant 0 : i32
    %dma_start3A_5 = tpu.memref_slice %arg5[%dma_start3A] : memref<2000xi32, #tpu.memory_space<vmem>> -> memref<80xi32, #tpu.memory_space<vmem>>
    %dma_start3A_6 = arith.constant 0 : i32
    %dma_start3A_7 = arith.constant 0 : i32
    %dma_start3A_8 = tpu.memref_slice %arg2[%dma_start3A_6, %dma_start3A_7] : memref<10000x128xf32, #tpu.memory_space<hbm>> -> memref<10000x128xf32, #tpu.memory_space<hbm>>
    tpu.enqueue_indirect_dma source(%dma_start3A_8 : memref<10000x128xf32, #tpu.memory_space<hbm>>) target(%arg6 : memref<80x128xf32, #tpu.memory_space<vmem>>) offsets(%dma_start3A_5 : memref<80xi32, #tpu.memory_space<vmem>>) semaphore(%arg11 : memref<!tpu.dma_semaphore, #tpu.memory_space<semaphore_mem>>)
    %dma_start3A_9 = arith.constant 80 : i32
    %dma_start3A_10 = tpu.memref_slice %arg5[%dma_start3A_9] : memref<2000xi32, #tpu.memory_space<vmem>> -> memref<80xi32, #tpu.memory_space<vmem>>
    %dma_start3A_11 = arith.constant 0 : i32
    %dma_start3A_12 = arith.constant 0 : i32
    %dma_start3A_13 = tpu.memref_slice %arg2[%dma_start3A_11, %dma_start3A_12] : memref<10000x128xf32, #tpu.memory_space<hbm>> -> memref<10000x128xf32, #tpu.memory_space<hbm>>
    tpu.enqueue_indirect_dma source(%dma_start3A_13 : memref<10000x128xf32, #tpu.memory_space<hbm>>) target(%arg7 : memref<80x128xf32, #tpu.memory_space<vmem>>) offsets(%dma_start3A_10 : memref<80xi32, #tpu.memory_space<vmem>>) semaphore(%arg12 : memref<!tpu.dma_semaphore, #tpu.memory_space<semaphore_mem>>)
    %scan3A = arith.constant 0 : i32
    %scan3A_14 = arith.constant 5 : i32
    %scan3A_15 = arith.addi %scan3A, %scan3A_14 : i32
    %scan3A_16 = arith.constant 1 : i32
    scf.for %scan3A_37 = %scan3A to %scan3A_15 step %scan3A_16  : i32 {
      %mul3A_38 = arith.constant 5 : i32
      %mul3A_39 = arith.muli %scan3A_37, %mul3A_38 : i32
      %add3A_40 = arith.constant 0 : i32
      %add3A_41 = arith.addi %add3A_40, %mul3A_39 : i32
      %add3A_42 = arith.constant 0 : i32
      %add3A_43 = arith.addi %add3A_41, %add3A_42 : i32
      %mul3A_44 = arith.constant 80 : i32
      %mul3A_45 = arith.muli %add3A_43, %mul3A_44 : i32
      %dma_wait3A_46 = tpu.memref_slice %arg5[%mul3A_45] : memref<2000xi32, #tpu.memory_space<vmem>> -> memref<80xi32, #tpu.memory_space<vmem>>
      %dma_wait3A_47 = arith.constant 0 : i32
      %dma_wait3A_48 = arith.constant 0 : i32
      %dma_wait3A_49 = tpu.memref_slice %arg2[%dma_wait3A_47, %dma_wait3A_48] : memref<10000x128xf32, #tpu.memory_space<hbm>> -> memref<10000x128xf32, #tpu.memory_space<hbm>>
      tpu.wait_indirect_dma semaphore(%arg11 : memref<!tpu.dma_semaphore, #tpu.memory_space<semaphore_mem>>) src(%dma_wait3A_49 : memref<10000x128xf32, #tpu.memory_space<hbm>>) dst(%arg6 : memref<80x128xf32, #tpu.memory_space<vmem>>)
      %mul3A_50 = arith.constant 80 : i32
      %mul3A_51 = arith.muli %add3A_43, %mul3A_50 : i32
      %add3A_52 = arith.addi %mul3A_2, %mul3A_51 : i32
      %dma_start3A_53 = arith.constant 0 : i32
      %dma_start3A_54 = tpu.memref_slice %arg4[%add3A_52, %dma_start3A_53] : memref<64000x128xf32, #tpu.memory_space<hbm>> -> memref<80x128xf32, #tpu.memory_space<hbm>>
      %dma_start3A_55 = arith.constant 0 : i32
      %dma_start3A_56 = tpu.memref_slice %arg4[%add3A_52, %dma_start3A_55] : memref<64000x128xf32, #tpu.memory_space<hbm>> -> memref<80x128xf32, #tpu.memory_space<hbm>>
      tpu.enqueue_dma source(%arg6 : memref<80x128xf32, #tpu.memory_space<vmem>>) target(%dma_start3A_56 : memref<80x128xf32, #tpu.memory_space<hbm>>) target_semaphore(%arg16 : memref<!tpu.dma_semaphore, #tpu.memory_space<semaphore_mem>>)
      %add3A_57 = arith.constant 2 : i32
      %add3A_58 = arith.addi %add3A_43, %add3A_57 : i32
      %lt3A = arith.constant 25 : i32
      %lt3A_59 = arith.cmpi slt, %add3A_58, %lt3A : i32
      %convert_element_type3A = arith.extui %lt3A_59 : i1 to i32
      %cond3A = arith.constant 0 : i32
      %cond3A_60 = arith.cmpi ne, %convert_element_type3A, %cond3A : i32
      scf.if %cond3A_60 {
        %ge3A = arith.constant 5 : i32
        %ge3A_149 = arith.cmpi sge, %add3A_58, %ge3A : i32
        %convert_element_type3A_150 = arith.extui %ge3A_149 : i1 to i32
        %cond3A_151 = arith.constant 0 : i32
        %cond3A_152 = arith.cmpi ne, %convert_element_type3A_150, %cond3A_151 : i32
        scf.if %cond3A_152 {
          %dma_wait3A_159 = arith.constant 0 : i32
          %dma_wait3A_160 = tpu.memref_slice %arg4[%mul3A_2, %dma_wait3A_159] : memref<64000x128xf32, #tpu.memory_space<hbm>> -> memref<80x128xf32, #tpu.memory_space<hbm>>
          %dma_wait3A_161 = arith.constant 0 : i32
          %dma_wait3A_162 = tpu.memref_slice %arg4[%mul3A_2, %dma_wait3A_161] : memref<64000x128xf32, #tpu.memory_space<hbm>> -> memref<80x128xf32, #tpu.memory_space<hbm>>
          tpu.wait_dma2 semaphore(%arg18 : memref<!tpu.dma_semaphore, #tpu.memory_space<semaphore_mem>>) src(%arg8 : memref<80x128xf32, #tpu.memory_space<vmem>>) dst(%dma_wait3A_162 : memref<80x128xf32, #tpu.memory_space<hbm>>)
        } else {
        }
        %mul3A_153 = arith.constant 80 : i32
        %mul3A_154 = arith.muli %add3A_58, %mul3A_153 : i32
        %dma_start3A_155 = tpu.memref_slice %arg5[%mul3A_154] : memref<2000xi32, #tpu.memory_space<vmem>> -> memref<80xi32, #tpu.memory_space<vmem>>
        %dma_start3A_156 = arith.constant 0 : i32
        %dma_start3A_157 = arith.constant 0 : i32
        %dma_start3A_158 = tpu.memref_slice %arg2[%dma_start3A_156, %dma_start3A_157] : memref<10000x128xf32, #tpu.memory_space<hbm>> -> memref<10000x128xf32, #tpu.memory_space<hbm>>
        tpu.enqueue_indirect_dma source(%dma_start3A_158 : memref<10000x128xf32, #tpu.memory_space<hbm>>) target(%arg8 : memref<80x128xf32, #tpu.memory_space<vmem>>) offsets(%dma_start3A_155 : memref<80xi32, #tpu.memory_space<vmem>>) semaphore(%arg13 : memref<!tpu.dma_semaphore, #tpu.memory_space<semaphore_mem>>)
      } else {
      }
      %add3A_61 = arith.constant 1 : i32
      %add3A_62 = arith.addi %add3A_41, %add3A_61 : i32
      %mul3A_63 = arith.constant 80 : i32
      %mul3A_64 = arith.muli %add3A_62, %mul3A_63 : i32
      %dma_wait3A_65 = tpu.memref_slice %arg5[%mul3A_64] : memref<2000xi32, #tpu.memory_space<vmem>> -> memref<80xi32, #tpu.memory_space<vmem>>
      %dma_wait3A_66 = arith.constant 0 : i32
      %dma_wait3A_67 = arith.constant 0 : i32
      %dma_wait3A_68 = tpu.memref_slice %arg2[%dma_wait3A_66, %dma_wait3A_67] : memref<10000x128xf32, #tpu.memory_space<hbm>> -> memref<10000x128xf32, #tpu.memory_space<hbm>>
      tpu.wait_indirect_dma semaphore(%arg12 : memref<!tpu.dma_semaphore, #tpu.memory_space<semaphore_mem>>) src(%dma_wait3A_68 : memref<10000x128xf32, #tpu.memory_space<hbm>>) dst(%arg7 : memref<80x128xf32, #tpu.memory_space<vmem>>)
      %mul3A_69 = arith.constant 80 : i32
      %mul3A_70 = arith.muli %add3A_62, %mul3A_69 : i32
      %add3A_71 = arith.addi %mul3A_2, %mul3A_70 : i32
      %dma_start3A_72 = arith.constant 0 : i32
      %dma_start3A_73 = tpu.memref_slice %arg4[%add3A_71, %dma_start3A_72] : memref<64000x128xf32, #tpu.memory_space<hbm>> -> memref<80x128xf32, #tpu.memory_space<hbm>>
      %dma_start3A_74 = arith.constant 0 : i32
      %dma_start3A_75 = tpu.memref_slice %arg4[%add3A_71, %dma_start3A_74] : memref<64000x128xf32, #tpu.memory_space<hbm>> -> memref<80x128xf32, #tpu.memory_space<hbm>>
      tpu.enqueue_dma source(%arg7 : memref<80x128xf32, #tpu.memory_space<vmem>>) target(%dma_start3A_75 : memref<80x128xf32, #tpu.memory_space<hbm>>) target_semaphore(%arg17 : memref<!tpu.dma_semaphore, #tpu.memory_space<semaphore_mem>>)
      %add3A_76 = arith.constant 2 : i32
      %add3A_77 = arith.addi %add3A_62, %add3A_76 : i32
      %lt3A_78 = arith.constant 25 : i32
      %lt3A_79 = arith.cmpi slt, %add3A_77, %lt3A_78 : i32
      %convert_element_type3A_80 = arith.extui %lt3A_79 : i1 to i32
      %cond3A_81 = arith.constant 0 : i32
      %cond3A_82 = arith.cmpi ne, %convert_element_type3A_80, %cond3A_81 : i32
      scf.if %cond3A_82 {
        %ge3A = arith.constant 5 : i32
        %ge3A_149 = arith.cmpi sge, %add3A_77, %ge3A : i32
        %convert_element_type3A_150 = arith.extui %ge3A_149 : i1 to i32
        %cond3A_151 = arith.constant 0 : i32
        %cond3A_152 = arith.cmpi ne, %convert_element_type3A_150, %cond3A_151 : i32
        scf.if %cond3A_152 {
          %dma_wait3A_159 = arith.constant 0 : i32
          %dma_wait3A_160 = tpu.memref_slice %arg4[%mul3A_2, %dma_wait3A_159] : memref<64000x128xf32, #tpu.memory_space<hbm>> -> memref<80x128xf32, #tpu.memory_space<hbm>>
          %dma_wait3A_161 = arith.constant 0 : i32
          %dma_wait3A_162 = tpu.memref_slice %arg4[%mul3A_2, %dma_wait3A_161] : memref<64000x128xf32, #tpu.memory_space<hbm>> -> memref<80x128xf32, #tpu.memory_space<hbm>>
          tpu.wait_dma2 semaphore(%arg19 : memref<!tpu.dma_semaphore, #tpu.memory_space<semaphore_mem>>) src(%arg9 : memref<80x128xf32, #tpu.memory_space<vmem>>) dst(%dma_wait3A_162 : memref<80x128xf32, #tpu.memory_space<hbm>>)
        } else {
        }
        %mul3A_153 = arith.constant 80 : i32
        %mul3A_154 = arith.muli %add3A_77, %mul3A_153 : i32
        %dma_start3A_155 = tpu.memref_slice %arg5[%mul3A_154] : memref<2000xi32, #tpu.memory_space<vmem>> -> memref<80xi32, #tpu.memory_space<vmem>>
        %dma_start3A_156 = arith.constant 0 : i32
        %dma_start3A_157 = arith.constant 0 : i32
        %dma_start3A_158 = tpu.memref_slice %arg2[%dma_start3A_156, %dma_start3A_157] : memref<10000x128xf32, #tpu.memory_space<hbm>> -> memref<10000x128xf32, #tpu.memory_space<hbm>>
        tpu.enqueue_indirect_dma source(%dma_start3A_158 : memref<10000x128xf32, #tpu.memory_space<hbm>>) target(%arg9 : memref<80x128xf32, #tpu.memory_space<vmem>>) offsets(%dma_start3A_155 : memref<80xi32, #tpu.memory_space<vmem>>) semaphore(%arg14 : memref<!tpu.dma_semaphore, #tpu.memory_space<semaphore_mem>>)
      } else {
      }
      %add3A_83 = arith.constant 2 : i32
      %add3A_84 = arith.addi %add3A_41, %add3A_83 : i32
      %mul3A_85 = arith.constant 80 : i32
      %mul3A_86 = arith.muli %add3A_84, %mul3A_85 : i32
      %dma_wait3A_87 = tpu.memref_slice %arg5[%mul3A_86] : memref<2000xi32, #tpu.memory_space<vmem>> -> memref<80xi32, #tpu.memory_space<vmem>>
      %dma_wait3A_88 = arith.constant 0 : i32
      %dma_wait3A_89 = arith.constant 0 : i32
      %dma_wait3A_90 = tpu.memref_slice %arg2[%dma_wait3A_88, %dma_wait3A_89] : memref<10000x128xf32, #tpu.memory_space<hbm>> -> memref<10000x128xf32, #tpu.memory_space<hbm>>
      tpu.wait_indirect_dma semaphore(%arg13 : memref<!tpu.dma_semaphore, #tpu.memory_space<semaphore_mem>>) src(%dma_wait3A_90 : memref<10000x128xf32, #tpu.memory_space<hbm>>) dst(%arg8 : memref<80x128xf32, #tpu.memory_space<vmem>>)
      %mul3A_91 = arith.constant 80 : i32
      %mul3A_92 = arith.muli %add3A_84, %mul3A_91 : i32
      %add3A_93 = arith.addi %mul3A_2, %mul3A_92 : i32
      %dma_start3A_94 = arith.constant 0 : i32
      %dma_start3A_95 = tpu.memref_slice %arg4[%add3A_93, %dma_start3A_94] : memref<64000x128xf32, #tpu.memory_space<hbm>> -> memref<80x128xf32, #tpu.memory_space<hbm>>
      %dma_start3A_96 = arith.constant 0 : i32
      %dma_start3A_97 = tpu.memref_slice %arg4[%add3A_93, %dma_start3A_96] : memref<64000x128xf32, #tpu.memory_space<hbm>> -> memref<80x128xf32, #tpu.memory_space<hbm>>
      tpu.enqueue_dma source(%arg8 : memref<80x128xf32, #tpu.memory_space<vmem>>) target(%dma_start3A_97 : memref<80x128xf32, #tpu.memory_space<hbm>>) target_semaphore(%arg18 : memref<!tpu.dma_semaphore, #tpu.memory_space<semaphore_mem>>)
      %add3A_98 = arith.constant 2 : i32
      %add3A_99 = arith.addi %add3A_84, %add3A_98 : i32
      %lt3A_100 = arith.constant 25 : i32
      %lt3A_101 = arith.cmpi slt, %add3A_99, %lt3A_100 : i32
      %convert_element_type3A_102 = arith.extui %lt3A_101 : i1 to i32
      %cond3A_103 = arith.constant 0 : i32
      %cond3A_104 = arith.cmpi ne, %convert_element_type3A_102, %cond3A_103 : i32
      scf.if %cond3A_104 {
        %ge3A = arith.constant 5 : i32
        %ge3A_149 = arith.cmpi sge, %add3A_99, %ge3A : i32
        %convert_element_type3A_150 = arith.extui %ge3A_149 : i1 to i32
        %cond3A_151 = arith.constant 0 : i32
        %cond3A_152 = arith.cmpi ne, %convert_element_type3A_150, %cond3A_151 : i32
        scf.if %cond3A_152 {
          %dma_wait3A_159 = arith.constant 0 : i32
          %dma_wait3A_160 = tpu.memref_slice %arg4[%mul3A_2, %dma_wait3A_159] : memref<64000x128xf32, #tpu.memory_space<hbm>> -> memref<80x128xf32, #tpu.memory_space<hbm>>
          %dma_wait3A_161 = arith.constant 0 : i32
          %dma_wait3A_162 = tpu.memref_slice %arg4[%mul3A_2, %dma_wait3A_161] : memref<64000x128xf32, #tpu.memory_space<hbm>> -> memref<80x128xf32, #tpu.memory_space<hbm>>
          tpu.wait_dma2 semaphore(%arg20 : memref<!tpu.dma_semaphore, #tpu.memory_space<semaphore_mem>>) src(%arg10 : memref<80x128xf32, #tpu.memory_space<vmem>>) dst(%dma_wait3A_162 : memref<80x128xf32, #tpu.memory_space<hbm>>)
        } else {
        }
        %mul3A_153 = arith.constant 80 : i32
        %mul3A_154 = arith.muli %add3A_99, %mul3A_153 : i32
        %dma_start3A_155 = tpu.memref_slice %arg5[%mul3A_154] : memref<2000xi32, #tpu.memory_space<vmem>> -> memref<80xi32, #tpu.memory_space<vmem>>
        %dma_start3A_156 = arith.constant 0 : i32
        %dma_start3A_157 = arith.constant 0 : i32
        %dma_start3A_158 = tpu.memref_slice %arg2[%dma_start3A_156, %dma_start3A_157] : memref<10000x128xf32, #tpu.memory_space<hbm>> -> memref<10000x128xf32, #tpu.memory_space<hbm>>
        tpu.enqueue_indirect_dma source(%dma_start3A_158 : memref<10000x128xf32, #tpu.memory_space<hbm>>) target(%arg10 : memref<80x128xf32, #tpu.memory_space<vmem>>) offsets(%dma_start3A_155 : memref<80xi32, #tpu.memory_space<vmem>>) semaphore(%arg15 : memref<!tpu.dma_semaphore, #tpu.memory_space<semaphore_mem>>)
      } else {
      }
      %add3A_105 = arith.constant 3 : i32
      %add3A_106 = arith.addi %add3A_41, %add3A_105 : i32
      %mul3A_107 = arith.constant 80 : i32
      %mul3A_108 = arith.muli %add3A_106, %mul3A_107 : i32
      %dma_wait3A_109 = tpu.memref_slice %arg5[%mul3A_108] : memref<2000xi32, #tpu.memory_space<vmem>> -> memref<80xi32, #tpu.memory_space<vmem>>
      %dma_wait3A_110 = arith.constant 0 : i32
      %dma_wait3A_111 = arith.constant 0 : i32
      %dma_wait3A_112 = tpu.memref_slice %arg2[%dma_wait3A_110, %dma_wait3A_111] : memref<10000x128xf32, #tpu.memory_space<hbm>> -> memref<10000x128xf32, #tpu.memory_space<hbm>>
      tpu.wait_indirect_dma semaphore(%arg14 : memref<!tpu.dma_semaphore, #tpu.memory_space<semaphore_mem>>) src(%dma_wait3A_112 : memref<10000x128xf32, #tpu.memory_space<hbm>>) dst(%arg9 : memref<80x128xf32, #tpu.memory_space<vmem>>)
      %mul3A_113 = arith.constant 80 : i32
      %mul3A_114 = arith.muli %add3A_106, %mul3A_113 : i32
      %add3A_115 = arith.addi %mul3A_2, %mul3A_114 : i32
      %dma_start3A_116 = arith.constant 0 : i32
      %dma_start3A_117 = tpu.memref_slice %arg4[%add3A_115, %dma_start3A_116] : memref<64000x128xf32, #tpu.memory_space<hbm>> -> memref<80x128xf32, #tpu.memory_space<hbm>>
      %dma_start3A_118 = arith.constant 0 : i32
      %dma_start3A_119 = tpu.memref_slice %arg4[%add3A_115, %dma_start3A_118] : memref<64000x128xf32, #tpu.memory_space<hbm>> -> memref<80x128xf32, #tpu.memory_space<hbm>>
      tpu.enqueue_dma source(%arg9 : memref<80x128xf32, #tpu.memory_space<vmem>>) target(%dma_start3A_119 : memref<80x128xf32, #tpu.memory_space<hbm>>) target_semaphore(%arg19 : memref<!tpu.dma_semaphore, #tpu.memory_space<semaphore_mem>>)
      %add3A_120 = arith.constant 2 : i32
      %add3A_121 = arith.addi %add3A_106, %add3A_120 : i32
      %lt3A_122 = arith.constant 25 : i32
      %lt3A_123 = arith.cmpi slt, %add3A_121, %lt3A_122 : i32
      %convert_element_type3A_124 = arith.extui %lt3A_123 : i1 to i32
      %cond3A_125 = arith.constant 0 : i32
      %cond3A_126 = arith.cmpi ne, %convert_element_type3A_124, %cond3A_125 : i32
      scf.if %cond3A_126 {
        %ge3A = arith.constant 5 : i32
        %ge3A_149 = arith.cmpi sge, %add3A_121, %ge3A : i32
        %convert_element_type3A_150 = arith.extui %ge3A_149 : i1 to i32
        %cond3A_151 = arith.constant 0 : i32
        %cond3A_152 = arith.cmpi ne, %convert_element_type3A_150, %cond3A_151 : i32
        scf.if %cond3A_152 {
          %dma_wait3A_159 = arith.constant 0 : i32
          %dma_wait3A_160 = tpu.memref_slice %arg4[%mul3A_2, %dma_wait3A_159] : memref<64000x128xf32, #tpu.memory_space<hbm>> -> memref<80x128xf32, #tpu.memory_space<hbm>>
          %dma_wait3A_161 = arith.constant 0 : i32
          %dma_wait3A_162 = tpu.memref_slice %arg4[%mul3A_2, %dma_wait3A_161] : memref<64000x128xf32, #tpu.memory_space<hbm>> -> memref<80x128xf32, #tpu.memory_space<hbm>>
          tpu.wait_dma2 semaphore(%arg16 : memref<!tpu.dma_semaphore, #tpu.memory_space<semaphore_mem>>) src(%arg6 : memref<80x128xf32, #tpu.memory_space<vmem>>) dst(%dma_wait3A_162 : memref<80x128xf32, #tpu.memory_space<hbm>>)
        } else {
        }
        %mul3A_153 = arith.constant 80 : i32
        %mul3A_154 = arith.muli %add3A_121, %mul3A_153 : i32
        %dma_start3A_155 = tpu.memref_slice %arg5[%mul3A_154] : memref<2000xi32, #tpu.memory_space<vmem>> -> memref<80xi32, #tpu.memory_space<vmem>>
        %dma_start3A_156 = arith.constant 0 : i32
        %dma_start3A_157 = arith.constant 0 : i32
        %dma_start3A_158 = tpu.memref_slice %arg2[%dma_start3A_156, %dma_start3A_157] : memref<10000x128xf32, #tpu.memory_space<hbm>> -> memref<10000x128xf32, #tpu.memory_space<hbm>>
        tpu.enqueue_indirect_dma source(%dma_start3A_158 : memref<10000x128xf32, #tpu.memory_space<hbm>>) target(%arg6 : memref<80x128xf32, #tpu.memory_space<vmem>>) offsets(%dma_start3A_155 : memref<80xi32, #tpu.memory_space<vmem>>) semaphore(%arg11 : memref<!tpu.dma_semaphore, #tpu.memory_space<semaphore_mem>>)
      } else {
      }
      %add3A_127 = arith.constant 4 : i32
      %add3A_128 = arith.addi %add3A_41, %add3A_127 : i32
      %mul3A_129 = arith.constant 80 : i32
      %mul3A_130 = arith.muli %add3A_128, %mul3A_129 : i32
      %dma_wait3A_131 = tpu.memref_slice %arg5[%mul3A_130] : memref<2000xi32, #tpu.memory_space<vmem>> -> memref<80xi32, #tpu.memory_space<vmem>>
      %dma_wait3A_132 = arith.constant 0 : i32
      %dma_wait3A_133 = arith.constant 0 : i32
      %dma_wait3A_134 = tpu.memref_slice %arg2[%dma_wait3A_132, %dma_wait3A_133] : memref<10000x128xf32, #tpu.memory_space<hbm>> -> memref<10000x128xf32, #tpu.memory_space<hbm>>
      tpu.wait_indirect_dma semaphore(%arg15 : memref<!tpu.dma_semaphore, #tpu.memory_space<semaphore_mem>>) src(%dma_wait3A_134 : memref<10000x128xf32, #tpu.memory_space<hbm>>) dst(%arg10 : memref<80x128xf32, #tpu.memory_space<vmem>>)
      %mul3A_135 = arith.constant 80 : i32
      %mul3A_136 = arith.muli %add3A_128, %mul3A_135 : i32
      %add3A_137 = arith.addi %mul3A_2, %mul3A_136 : i32
      %dma_start3A_138 = arith.constant 0 : i32
      %dma_start3A_139 = tpu.memref_slice %arg4[%add3A_137, %dma_start3A_138] : memref<64000x128xf32, #tpu.memory_space<hbm>> -> memref<80x128xf32, #tpu.memory_space<hbm>>
      %dma_start3A_140 = arith.constant 0 : i32
      %dma_start3A_141 = tpu.memref_slice %arg4[%add3A_137, %dma_start3A_140] : memref<64000x128xf32, #tpu.memory_space<hbm>> -> memref<80x128xf32, #tpu.memory_space<hbm>>
      tpu.enqueue_dma source(%arg10 : memref<80x128xf32, #tpu.memory_space<vmem>>) target(%dma_start3A_141 : memref<80x128xf32, #tpu.memory_space<hbm>>) target_semaphore(%arg20 : memref<!tpu.dma_semaphore, #tpu.memory_space<semaphore_mem>>)
      %add3A_142 = arith.constant 2 : i32
      %add3A_143 = arith.addi %add3A_128, %add3A_142 : i32
      %lt3A_144 = arith.constant 25 : i32
      %lt3A_145 = arith.cmpi slt, %add3A_143, %lt3A_144 : i32
      %convert_element_type3A_146 = arith.extui %lt3A_145 : i1 to i32
      %cond3A_147 = arith.constant 0 : i32
      %cond3A_148 = arith.cmpi ne, %convert_element_type3A_146, %cond3A_147 : i32
      scf.if %cond3A_148 {
        %ge3A = arith.constant 5 : i32
        %ge3A_149 = arith.cmpi sge, %add3A_143, %ge3A : i32
        %convert_element_type3A_150 = arith.extui %ge3A_149 : i1 to i32
        %cond3A_151 = arith.constant 0 : i32
        %cond3A_152 = arith.cmpi ne, %convert_element_type3A_150, %cond3A_151 : i32
        scf.if %cond3A_152 {
          %dma_wait3A_159 = arith.constant 0 : i32
          %dma_wait3A_160 = tpu.memref_slice %arg4[%mul3A_2, %dma_wait3A_159] : memref<64000x128xf32, #tpu.memory_space<hbm>> -> memref<80x128xf32, #tpu.memory_space<hbm>>
          %dma_wait3A_161 = arith.constant 0 : i32
          %dma_wait3A_162 = tpu.memref_slice %arg4[%mul3A_2, %dma_wait3A_161] : memref<64000x128xf32, #tpu.memory_space<hbm>> -> memref<80x128xf32, #tpu.memory_space<hbm>>
          tpu.wait_dma2 semaphore(%arg17 : memref<!tpu.dma_semaphore, #tpu.memory_space<semaphore_mem>>) src(%arg7 : memref<80x128xf32, #tpu.memory_space<vmem>>) dst(%dma_wait3A_162 : memref<80x128xf32, #tpu.memory_space<hbm>>)
        } else {
        }
        %mul3A_153 = arith.constant 80 : i32
        %mul3A_154 = arith.muli %add3A_143, %mul3A_153 : i32
        %dma_start3A_155 = tpu.memref_slice %arg5[%mul3A_154] : memref<2000xi32, #tpu.memory_space<vmem>> -> memref<80xi32, #tpu.memory_space<vmem>>
        %dma_start3A_156 = arith.constant 0 : i32
        %dma_start3A_157 = arith.constant 0 : i32
        %dma_start3A_158 = tpu.memref_slice %arg2[%dma_start3A_156, %dma_start3A_157] : memref<10000x128xf32, #tpu.memory_space<hbm>> -> memref<10000x128xf32, #tpu.memory_space<hbm>>
        tpu.enqueue_indirect_dma source(%dma_start3A_158 : memref<10000x128xf32, #tpu.memory_space<hbm>>) target(%arg7 : memref<80x128xf32, #tpu.memory_space<vmem>>) offsets(%dma_start3A_155 : memref<80xi32, #tpu.memory_space<vmem>>) semaphore(%arg12 : memref<!tpu.dma_semaphore, #tpu.memory_space<semaphore_mem>>)
      } else {
      }
    }
    %scan3A_17 = arith.constant 5 : i32
    %dma_wait3A = arith.constant 0 : i32
    %dma_wait3A_18 = tpu.memref_slice %arg4[%mul3A_2, %dma_wait3A] : memref<64000x128xf32, #tpu.memory_space<hbm>> -> memref<80x128xf32, #tpu.memory_space<hbm>>
    %dma_wait3A_19 = arith.constant 0 : i32
    %dma_wait3A_20 = tpu.memref_slice %arg4[%mul3A_2, %dma_wait3A_19] : memref<64000x128xf32, #tpu.memory_space<hbm>> -> memref<80x128xf32, #tpu.memory_space<hbm>>
    tpu.wait_dma2 semaphore(%arg16 : memref<!tpu.dma_semaphore, #tpu.memory_space<semaphore_mem>>) src(%arg6 : memref<80x128xf32, #tpu.memory_space<vmem>>) dst(%dma_wait3A_20 : memref<80x128xf32, #tpu.memory_space<hbm>>)
    %dma_wait3A_21 = arith.constant 0 : i32
    %dma_wait3A_22 = tpu.memref_slice %arg4[%mul3A_2, %dma_wait3A_21] : memref<64000x128xf32, #tpu.memory_space<hbm>> -> memref<80x128xf32, #tpu.memory_space<hbm>>
    %dma_wait3A_23 = arith.constant 0 : i32
    %dma_wait3A_24 = tpu.memref_slice %arg4[%mul3A_2, %dma_wait3A_23] : memref<64000x128xf32, #tpu.memory_space<hbm>> -> memref<80x128xf32, #tpu.memory_space<hbm>>
    tpu.wait_dma2 semaphore(%arg17 : memref<!tpu.dma_semaphore, #tpu.memory_space<semaphore_mem>>) src(%arg7 : memref<80x128xf32, #tpu.memory_space<vmem>>) dst(%dma_wait3A_24 : memref<80x128xf32, #tpu.memory_space<hbm>>)
    %dma_wait3A_25 = arith.constant 0 : i32
    %dma_wait3A_26 = tpu.memref_slice %arg4[%mul3A_2, %dma_wait3A_25] : memref<64000x128xf32, #tpu.memory_space<hbm>> -> memref<80x128xf32, #tpu.memory_space<hbm>>
    %dma_wait3A_27 = arith.constant 0 : i32
    %dma_wait3A_28 = tpu.memref_slice %arg4[%mul3A_2, %dma_wait3A_27] : memref<64000x128xf32, #tpu.memory_space<hbm>> -> memref<80x128xf32, #tpu.memory_space<hbm>>
    tpu.wait_dma2 semaphore(%arg18 : memref<!tpu.dma_semaphore, #tpu.memory_space<semaphore_mem>>) src(%arg8 : memref<80x128xf32, #tpu.memory_space<vmem>>) dst(%dma_wait3A_28 : memref<80x128xf32, #tpu.memory_space<hbm>>)
    %dma_wait3A_29 = arith.constant 0 : i32
    %dma_wait3A_30 = tpu.memref_slice %arg4[%mul3A_2, %dma_wait3A_29] : memref<64000x128xf32, #tpu.memory_space<hbm>> -> memref<80x128xf32, #tpu.memory_space<hbm>>
    %dma_wait3A_31 = arith.constant 0 : i32
    %dma_wait3A_32 = tpu.memref_slice %arg4[%mul3A_2, %dma_wait3A_31] : memref<64000x128xf32, #tpu.memory_space<hbm>> -> memref<80x128xf32, #tpu.memory_space<hbm>>
    tpu.wait_dma2 semaphore(%arg19 : memref<!tpu.dma_semaphore, #tpu.memory_space<semaphore_mem>>) src(%arg9 : memref<80x128xf32, #tpu.memory_space<vmem>>) dst(%dma_wait3A_32 : memref<80x128xf32, #tpu.memory_space<hbm>>)
    %dma_wait3A_33 = arith.constant 0 : i32
    %dma_wait3A_34 = tpu.memref_slice %arg4[%mul3A_2, %dma_wait3A_33] : memref<64000x128xf32, #tpu.memory_space<hbm>> -> memref<80x128xf32, #tpu.memory_space<hbm>>
    %dma_wait3A_35 = arith.constant 0 : i32
    %dma_wait3A_36 = tpu.memref_slice %arg4[%mul3A_2, %dma_wait3A_35] : memref<64000x128xf32, #tpu.memory_space<hbm>> -> memref<80x128xf32, #tpu.memory_space<hbm>>
    tpu.wait_dma2 semaphore(%arg20 : memref<!tpu.dma_semaphore, #tpu.memory_space<semaphore_mem>>) src(%arg10 : memref<80x128xf32, #tpu.memory_space<vmem>>) dst(%dma_wait3A_36 : memref<80x128xf32, #tpu.memory_space<hbm>>)
    return
  }
}

#map = affine_map<(d0, d1) -> (0, 0)>
#map1 = affine_map<(d0, d1) -> (0)>
module attributes {stable_mosaic.version = 14 : i64} {
  func.func @gather(%arg0: i32, %arg1: i32, %arg2: memref<10000x128xf32, #tpu.memory_space<hbm>>, %arg3: memref<320000xi32, #tpu.memory_space<hbm>>, %arg4: memref<64000x128xf32, #tpu.memory_space<hbm>>, %arg5: memref<2000xi32, #tpu.memory_space<vmem>>, %arg6: memref<80x128xf32, #tpu.memory_space<vmem>>, %arg7: memref<80x128xf32, #tpu.memory_space<vmem>>, %arg8: memref<80x128xf32, #tpu.memory_space<vmem>>, %arg9: memref<80x128xf32, #tpu.memory_space<vmem>>, %arg10: memref<80x128xf32, #tpu.memory_space<vmem>>, %arg11: memref<!tpu.dma_semaphore, #tpu.memory_space<semaphore_mem>>, %arg12: memref<!tpu.dma_semaphore, #tpu.memory_space<semaphore_mem>>, %arg13: memref<!tpu.dma_semaphore, #tpu.memory_space<semaphore_mem>>, %arg14: memref<!tpu.dma_semaphore, #tpu.memory_space<semaphore_mem>>, %arg15: memref<!tpu.dma_semaphore, #tpu.memory_space<semaphore_mem>>, %arg16: memref<!tpu.dma_semaphore, #tpu.memory_space<semaphore_mem>>, %arg17: memref<!tpu.dma_semaphore, #tpu.memory_space<semaphore_mem>>, %arg18: memref<!tpu.dma_semaphore, #tpu.memory_space<semaphore_mem>>, %arg19: memref<!tpu.dma_semaphore, #tpu.memory_space<semaphore_mem>>, %arg20: memref<!tpu.dma_semaphore, #tpu.memory_space<semaphore_mem>>) attributes {dimension_semantics = [#tpu.dimension_semantics<core_parallel>, #tpu.dimension_semantics<subcore_parallel>], iteration_bounds = array<i64: 2, 16>, scalar_prefetch = 0 : i64, scratch_operands = 16 : i64, tpu.core_type = #tpu.core_type<sc_vector_subcore>, window_params = [{transform_indices = #map}, {transform_indices = #map1}, {transform_indices = #map}]} {
    %mul3A = arith.constant 2 : i32
    %mul3A_0 = arith.muli %arg1, %mul3A : i32
    %add3A = arith.addi %mul3A_0, %arg0 : i32
    %mul3A_1 = arith.constant 2000 : i32
    %mul3A_2 = arith.muli %add3A, %mul3A_1 : i32
    %add3A_3 = arith.constant 128000 : i32
    %add3A_4 = arith.addi %add3A_3, %mul3A_2 : i32
    "tpu.region"() ({
      %run_scoped3A = tpu.sem_alloc : memref<!tpu.dma_semaphore, #tpu.memory_space<semaphore_mem>>
      %dma_start3A_37 = tpu.memref_slice %arg3[%add3A_4] : memref<320000xi32, #tpu.memory_space<hbm>> -> memref<2000xi32, #tpu.memory_space<hbm>>
      %dma_start3A_38 = tpu.memref_slice %arg3[%add3A_4] : memref<320000xi32, #tpu.memory_space<hbm>> -> memref<2000xi32, #tpu.memory_space<hbm>>
      tpu.enqueue_dma source(%dma_start3A_38 : memref<2000xi32, #tpu.memory_space<hbm>>) target(%arg5 : memref<2000xi32, #tpu.memory_space<vmem>>) target_semaphore(%run_scoped3A : memref<!tpu.dma_semaphore, #tpu.memory_space<semaphore_mem>>)
      %dma_wait3A_39 = tpu.memref_slice %arg3[%add3A_4] : memref<320000xi32, #tpu.memory_space<hbm>> -> memref<2000xi32, #tpu.memory_space<hbm>>
      %dma_wait3A_40 = tpu.memref_slice %arg3[%add3A_4] : memref<320000xi32, #tpu.memory_space<hbm>> -> memref<2000xi32, #tpu.memory_space<hbm>>
      tpu.wait_dma2 semaphore(%run_scoped3A : memref<!tpu.dma_semaphore, #tpu.memory_space<semaphore_mem>>) src(%dma_wait3A_40 : memref<2000xi32, #tpu.memory_space<hbm>>) dst(%arg5 : memref<2000xi32, #tpu.memory_space<vmem>>)
      tpu.yield
    }) : () -> ()
    %dma_start3A = arith.constant 0 : i32
    %dma_start3A_5 = tpu.memref_slice %arg5[%dma_start3A] : memref<2000xi32, #tpu.memory_space<vmem>> -> memref<80xi32, #tpu.memory_space<vmem>>
    %dma_start3A_6 = arith.constant 0 : i32
    %dma_start3A_7 = arith.constant 0 : i32
    %dma_start3A_8 = tpu.memref_slice %arg2[%dma_start3A_6, %dma_start3A_7] : memref<10000x128xf32, #tpu.memory_space<hbm>> -> memref<10000x128xf32, #tpu.memory_space<hbm>>
    tpu.enqueue_indirect_dma source(%dma_start3A_8 : memref<10000x128xf32, #tpu.memory_space<hbm>>) target(%arg6 : memref<80x128xf32, #tpu.memory_space<vmem>>) offsets(%dma_start3A_5 : memref<80xi32, #tpu.memory_space<vmem>>) semaphore(%arg11 : memref<!tpu.dma_semaphore, #tpu.memory_space<semaphore_mem>>)
    %dma_start3A_9 = arith.constant 80 : i32
    %dma_start3A_10 = tpu.memref_slice %arg5[%dma_start3A_9] : memref<2000xi32, #tpu.memory_space<vmem>> -> memref<80xi32, #tpu.memory_space<vmem>>
    %dma_start3A_11 = arith.constant 0 : i32
    %dma_start3A_12 = arith.constant 0 : i32
    %dma_start3A_13 = tpu.memref_slice %arg2[%dma_start3A_11, %dma_start3A_12] : memref<10000x128xf32, #tpu.memory_space<hbm>> -> memref<10000x128xf32, #tpu.memory_space<hbm>>
    tpu.enqueue_indirect_dma source(%dma_start3A_13 : memref<10000x128xf32, #tpu.memory_space<hbm>>) target(%arg7 : memref<80x128xf32, #tpu.memory_space<vmem>>) offsets(%dma_start3A_10 : memref<80xi32, #tpu.memory_space<vmem>>) semaphore(%arg12 : memref<!tpu.dma_semaphore, #tpu.memory_space<semaphore_mem>>)
    %scan3A = arith.constant 0 : i32
    %scan3A_14 = arith.constant 5 : i32
    %scan3A_15 = arith.addi %scan3A, %scan3A_14 : i32
    %scan3A_16 = arith.constant 1 : i32
    scf.for %scan3A_37 = %scan3A to %scan3A_15 step %scan3A_16  : i32 {
      %mul3A_38 = arith.constant 5 : i32
      %mul3A_39 = arith.muli %scan3A_37, %mul3A_38 : i32
      %add3A_40 = arith.constant 0 : i32
      %add3A_41 = arith.addi %add3A_40, %mul3A_39 : i32
      %add3A_42 = arith.constant 0 : i32
      %add3A_43 = arith.addi %add3A_41, %add3A_42 : i32
      %mul3A_44 = arith.constant 80 : i32
      %mul3A_45 = arith.muli %add3A_43, %mul3A_44 : i32
      %dma_wait3A_46 = tpu.memref_slice %arg5[%mul3A_45] : memref<2000xi32, #tpu.memory_space<vmem>> -> memref<80xi32, #tpu.memory_space<vmem>>
      %dma_wait3A_47 = arith.constant 0 : i32
      %dma_wait3A_48 = arith.constant 0 : i32
      %dma_wait3A_49 = tpu.memref_slice %arg2[%dma_wait3A_47, %dma_wait3A_48] : memref<10000x128xf32, #tpu.memory_space<hbm>> -> memref<10000x128xf32, #tpu.memory_space<hbm>>
      tpu.wait_indirect_dma semaphore(%arg11 : memref<!tpu.dma_semaphore, #tpu.memory_space<semaphore_mem>>) src(%dma_wait3A_49 : memref<10000x128xf32, #tpu.memory_space<hbm>>) dst(%arg6 : memref<80x128xf32, #tpu.memory_space<vmem>>)
      %mul3A_50 = arith.constant 80 : i32
      %mul3A_51 = arith.muli %add3A_43, %mul3A_50 : i32
      %add3A_52 = arith.addi %mul3A_2, %mul3A_51 : i32
      %dma_start3A_53 = arith.constant 0 : i32
      %dma_start3A_54 = tpu.memref_slice %arg4[%add3A_52, %dma_start3A_53] : memref<64000x128xf32, #tpu.memory_space<hbm>> -> memref<80x128xf32, #tpu.memory_space<hbm>>
      %dma_start3A_55 = arith.constant 0 : i32
      %dma_start3A_56 = tpu.memref_slice %arg4[%add3A_52, %dma_start3A_55] : memref<64000x128xf32, #tpu.memory_space<hbm>> -> memref<80x128xf32, #tpu.memory_space<hbm>>
      tpu.enqueue_dma source(%arg6 : memref<80x128xf32, #tpu.memory_space<vmem>>) target(%dma_start3A_56 : memref<80x128xf32, #tpu.memory_space<hbm>>) target_semaphore(%arg16 : memref<!tpu.dma_semaphore, #tpu.memory_space<semaphore_mem>>)
      %add3A_57 = arith.constant 2 : i32
      %add3A_58 = arith.addi %add3A_43, %add3A_57 : i32
      %lt3A = arith.constant 25 : i32
      %lt3A_59 = arith.cmpi slt, %add3A_58, %lt3A : i32
      %convert_element_type3A = arith.extui %lt3A_59 : i1 to i32
      %cond3A = arith.constant 0 : i32
      %cond3A_60 = arith.cmpi ne, %convert_element_type3A, %cond3A : i32
      scf.if %cond3A_60 {
        %ge3A = arith.constant 5 : i32
        %ge3A_149 = arith.cmpi sge, %add3A_58, %ge3A : i32
        %convert_element_type3A_150 = arith.extui %ge3A_149 : i1 to i32
        %cond3A_151 = arith.constant 0 : i32
        %cond3A_152 = arith.cmpi ne, %convert_element_type3A_150, %cond3A_151 : i32
        scf.if %cond3A_152 {
          %dma_wait3A_159 = arith.constant 0 : i32
          %dma_wait3A_160 = tpu.memref_slice %arg4[%mul3A_2, %dma_wait3A_159] : memref<64000x128xf32, #tpu.memory_space<hbm>> -> memref<80x128xf32, #tpu.memory_space<hbm>>
          %dma_wait3A_161 = arith.constant 0 : i32
          %dma_wait3A_162 = tpu.memref_slice %arg4[%mul3A_2, %dma_wait3A_161] : memref<64000x128xf32, #tpu.memory_space<hbm>> -> memref<80x128xf32, #tpu.memory_space<hbm>>
          tpu.wait_dma2 semaphore(%arg18 : memref<!tpu.dma_semaphore, #tpu.memory_space<semaphore_mem>>) src(%arg8 : memref<80x128xf32, #tpu.memory_space<vmem>>) dst(%dma_wait3A_162 : memref<80x128xf32, #tpu.memory_space<hbm>>)
        } else {
        }
        %mul3A_153 = arith.constant 80 : i32
        %mul3A_154 = arith.muli %add3A_58, %mul3A_153 : i32
        %dma_start3A_155 = tpu.memref_slice %arg5[%mul3A_154] : memref<2000xi32, #tpu.memory_space<vmem>> -> memref<80xi32, #tpu.memory_space<vmem>>
        %dma_start3A_156 = arith.constant 0 : i32
        %dma_start3A_157 = arith.constant 0 : i32
        %dma_start3A_158 = tpu.memref_slice %arg2[%dma_start3A_156, %dma_start3A_157] : memref<10000x128xf32, #tpu.memory_space<hbm>> -> memref<10000x128xf32, #tpu.memory_space<hbm>>
        tpu.enqueue_indirect_dma source(%dma_start3A_158 : memref<10000x128xf32, #tpu.memory_space<hbm>>) target(%arg8 : memref<80x128xf32, #tpu.memory_space<vmem>>) offsets(%dma_start3A_155 : memref<80xi32, #tpu.memory_space<vmem>>) semaphore(%arg13 : memref<!tpu.dma_semaphore, #tpu.memory_space<semaphore_mem>>)
      } else {
      }
      %add3A_61 = arith.constant 1 : i32
      %add3A_62 = arith.addi %add3A_41, %add3A_61 : i32
      %mul3A_63 = arith.constant 80 : i32
      %mul3A_64 = arith.muli %add3A_62, %mul3A_63 : i32
      %dma_wait3A_65 = tpu.memref_slice %arg5[%mul3A_64] : memref<2000xi32, #tpu.memory_space<vmem>> -> memref<80xi32, #tpu.memory_space<vmem>>
      %dma_wait3A_66 = arith.constant 0 : i32
      %dma_wait3A_67 = arith.constant 0 : i32
      %dma_wait3A_68 = tpu.memref_slice %arg2[%dma_wait3A_66, %dma_wait3A_67] : memref<10000x128xf32, #tpu.memory_space<hbm>> -> memref<10000x128xf32, #tpu.memory_space<hbm>>
      tpu.wait_indirect_dma semaphore(%arg12 : memref<!tpu.dma_semaphore, #tpu.memory_space<semaphore_mem>>) src(%dma_wait3A_68 : memref<10000x128xf32, #tpu.memory_space<hbm>>) dst(%arg7 : memref<80x128xf32, #tpu.memory_space<vmem>>)
      %mul3A_69 = arith.constant 80 : i32
      %mul3A_70 = arith.muli %add3A_62, %mul3A_69 : i32
      %add3A_71 = arith.addi %mul3A_2, %mul3A_70 : i32
      %dma_start3A_72 = arith.constant 0 : i32
      %dma_start3A_73 = tpu.memref_slice %arg4[%add3A_71, %dma_start3A_72] : memref<64000x128xf32, #tpu.memory_space<hbm>> -> memref<80x128xf32, #tpu.memory_space<hbm>>
      %dma_start3A_74 = arith.constant 0 : i32
      %dma_start3A_75 = tpu.memref_slice %arg4[%add3A_71, %dma_start3A_74] : memref<64000x128xf32, #tpu.memory_space<hbm>> -> memref<80x128xf32, #tpu.memory_space<hbm>>
      tpu.enqueue_dma source(%arg7 : memref<80x128xf32, #tpu.memory_space<vmem>>) target(%dma_start3A_75 : memref<80x128xf32, #tpu.memory_space<hbm>>) target_semaphore(%arg17 : memref<!tpu.dma_semaphore, #tpu.memory_space<semaphore_mem>>)
      %add3A_76 = arith.constant 2 : i32
      %add3A_77 = arith.addi %add3A_62, %add3A_76 : i32
      %lt3A_78 = arith.constant 25 : i32
      %lt3A_79 = arith.cmpi slt, %add3A_77, %lt3A_78 : i32
      %convert_element_type3A_80 = arith.extui %lt3A_79 : i1 to i32
      %cond3A_81 = arith.constant 0 : i32
      %cond3A_82 = arith.cmpi ne, %convert_element_type3A_80, %cond3A_81 : i32
      scf.if %cond3A_82 {
        %ge3A = arith.constant 5 : i32
        %ge3A_149 = arith.cmpi sge, %add3A_77, %ge3A : i32
        %convert_element_type3A_150 = arith.extui %ge3A_149 : i1 to i32
        %cond3A_151 = arith.constant 0 : i32
        %cond3A_152 = arith.cmpi ne, %convert_element_type3A_150, %cond3A_151 : i32
        scf.if %cond3A_152 {
          %dma_wait3A_159 = arith.constant 0 : i32
          %dma_wait3A_160 = tpu.memref_slice %arg4[%mul3A_2, %dma_wait3A_159] : memref<64000x128xf32, #tpu.memory_space<hbm>> -> memref<80x128xf32, #tpu.memory_space<hbm>>
          %dma_wait3A_161 = arith.constant 0 : i32
          %dma_wait3A_162 = tpu.memref_slice %arg4[%mul3A_2, %dma_wait3A_161] : memref<64000x128xf32, #tpu.memory_space<hbm>> -> memref<80x128xf32, #tpu.memory_space<hbm>>
          tpu.wait_dma2 semaphore(%arg19 : memref<!tpu.dma_semaphore, #tpu.memory_space<semaphore_mem>>) src(%arg9 : memref<80x128xf32, #tpu.memory_space<vmem>>) dst(%dma_wait3A_162 : memref<80x128xf32, #tpu.memory_space<hbm>>)
        } else {
        }
        %mul3A_153 = arith.constant 80 : i32
        %mul3A_154 = arith.muli %add3A_77, %mul3A_153 : i32
        %dma_start3A_155 = tpu.memref_slice %arg5[%mul3A_154] : memref<2000xi32, #tpu.memory_space<vmem>> -> memref<80xi32, #tpu.memory_space<vmem>>
        %dma_start3A_156 = arith.constant 0 : i32
        %dma_start3A_157 = arith.constant 0 : i32
        %dma_start3A_158 = tpu.memref_slice %arg2[%dma_start3A_156, %dma_start3A_157] : memref<10000x128xf32, #tpu.memory_space<hbm>> -> memref<10000x128xf32, #tpu.memory_space<hbm>>
        tpu.enqueue_indirect_dma source(%dma_start3A_158 : memref<10000x128xf32, #tpu.memory_space<hbm>>) target(%arg9 : memref<80x128xf32, #tpu.memory_space<vmem>>) offsets(%dma_start3A_155 : memref<80xi32, #tpu.memory_space<vmem>>) semaphore(%arg14 : memref<!tpu.dma_semaphore, #tpu.memory_space<semaphore_mem>>)
      } else {
      }
      %add3A_83 = arith.constant 2 : i32
      %add3A_84 = arith.addi %add3A_41, %add3A_83 : i32
      %mul3A_85 = arith.constant 80 : i32
      %mul3A_86 = arith.muli %add3A_84, %mul3A_85 : i32
      %dma_wait3A_87 = tpu.memref_slice %arg5[%mul3A_86] : memref<2000xi32, #tpu.memory_space<vmem>> -> memref<80xi32, #tpu.memory_space<vmem>>
      %dma_wait3A_88 = arith.constant 0 : i32
      %dma_wait3A_89 = arith.constant 0 : i32
      %dma_wait3A_90 = tpu.memref_slice %arg2[%dma_wait3A_88, %dma_wait3A_89] : memref<10000x128xf32, #tpu.memory_space<hbm>> -> memref<10000x128xf32, #tpu.memory_space<hbm>>
      tpu.wait_indirect_dma semaphore(%arg13 : memref<!tpu.dma_semaphore, #tpu.memory_space<semaphore_mem>>) src(%dma_wait3A_90 : memref<10000x128xf32, #tpu.memory_space<hbm>>) dst(%arg8 : memref<80x128xf32, #tpu.memory_space<vmem>>)
      %mul3A_91 = arith.constant 80 : i32
      %mul3A_92 = arith.muli %add3A_84, %mul3A_91 : i32
      %add3A_93 = arith.addi %mul3A_2, %mul3A_92 : i32
      %dma_start3A_94 = arith.constant 0 : i32
      %dma_start3A_95 = tpu.memref_slice %arg4[%add3A_93, %dma_start3A_94] : memref<64000x128xf32, #tpu.memory_space<hbm>> -> memref<80x128xf32, #tpu.memory_space<hbm>>
      %dma_start3A_96 = arith.constant 0 : i32
      %dma_start3A_97 = tpu.memref_slice %arg4[%add3A_93, %dma_start3A_96] : memref<64000x128xf32, #tpu.memory_space<hbm>> -> memref<80x128xf32, #tpu.memory_space<hbm>>
      tpu.enqueue_dma source(%arg8 : memref<80x128xf32, #tpu.memory_space<vmem>>) target(%dma_start3A_97 : memref<80x128xf32, #tpu.memory_space<hbm>>) target_semaphore(%arg18 : memref<!tpu.dma_semaphore, #tpu.memory_space<semaphore_mem>>)
      %add3A_98 = arith.constant 2 : i32
      %add3A_99 = arith.addi %add3A_84, %add3A_98 : i32
      %lt3A_100 = arith.constant 25 : i32
      %lt3A_101 = arith.cmpi slt, %add3A_99, %lt3A_100 : i32
      %convert_element_type3A_102 = arith.extui %lt3A_101 : i1 to i32
      %cond3A_103 = arith.constant 0 : i32
      %cond3A_104 = arith.cmpi ne, %convert_element_type3A_102, %cond3A_103 : i32
      scf.if %cond3A_104 {
        %ge3A = arith.constant 5 : i32
        %ge3A_149 = arith.cmpi sge, %add3A_99, %ge3A : i32
        %convert_element_type3A_150 = arith.extui %ge3A_149 : i1 to i32
        %cond3A_151 = arith.constant 0 : i32
        %cond3A_152 = arith.cmpi ne, %convert_element_type3A_150, %cond3A_151 : i32
        scf.if %cond3A_152 {
          %dma_wait3A_159 = arith.constant 0 : i32
          %dma_wait3A_160 = tpu.memref_slice %arg4[%mul3A_2, %dma_wait3A_159] : memref<64000x128xf32, #tpu.memory_space<hbm>> -> memref<80x128xf32, #tpu.memory_space<hbm>>
          %dma_wait3A_161 = arith.constant 0 : i32
          %dma_wait3A_162 = tpu.memref_slice %arg4[%mul3A_2, %dma_wait3A_161] : memref<64000x128xf32, #tpu.memory_space<hbm>> -> memref<80x128xf32, #tpu.memory_space<hbm>>
          tpu.wait_dma2 semaphore(%arg20 : memref<!tpu.dma_semaphore, #tpu.memory_space<semaphore_mem>>) src(%arg10 : memref<80x128xf32, #tpu.memory_space<vmem>>) dst(%dma_wait3A_162 : memref<80x128xf32, #tpu.memory_space<hbm>>)
        } else {
        }
        %mul3A_153 = arith.constant 80 : i32
        %mul3A_154 = arith.muli %add3A_99, %mul3A_153 : i32
        %dma_start3A_155 = tpu.memref_slice %arg5[%mul3A_154] : memref<2000xi32, #tpu.memory_space<vmem>> -> memref<80xi32, #tpu.memory_space<vmem>>
        %dma_start3A_156 = arith.constant 0 : i32
        %dma_start3A_157 = arith.constant 0 : i32
        %dma_start3A_158 = tpu.memref_slice %arg2[%dma_start3A_156, %dma_start3A_157] : memref<10000x128xf32, #tpu.memory_space<hbm>> -> memref<10000x128xf32, #tpu.memory_space<hbm>>
        tpu.enqueue_indirect_dma source(%dma_start3A_158 : memref<10000x128xf32, #tpu.memory_space<hbm>>) target(%arg10 : memref<80x128xf32, #tpu.memory_space<vmem>>) offsets(%dma_start3A_155 : memref<80xi32, #tpu.memory_space<vmem>>) semaphore(%arg15 : memref<!tpu.dma_semaphore, #tpu.memory_space<semaphore_mem>>)
      } else {
      }
      %add3A_105 = arith.constant 3 : i32
      %add3A_106 = arith.addi %add3A_41, %add3A_105 : i32
      %mul3A_107 = arith.constant 80 : i32
      %mul3A_108 = arith.muli %add3A_106, %mul3A_107 : i32
      %dma_wait3A_109 = tpu.memref_slice %arg5[%mul3A_108] : memref<2000xi32, #tpu.memory_space<vmem>> -> memref<80xi32, #tpu.memory_space<vmem>>
      %dma_wait3A_110 = arith.constant 0 : i32
      %dma_wait3A_111 = arith.constant 0 : i32
      %dma_wait3A_112 = tpu.memref_slice %arg2[%dma_wait3A_110, %dma_wait3A_111] : memref<10000x128xf32, #tpu.memory_space<hbm>> -> memref<10000x128xf32, #tpu.memory_space<hbm>>
      tpu.wait_indirect_dma semaphore(%arg14 : memref<!tpu.dma_semaphore, #tpu.memory_space<semaphore_mem>>) src(%dma_wait3A_112 : memref<10000x128xf32, #tpu.memory_space<hbm>>) dst(%arg9 : memref<80x128xf32, #tpu.memory_space<vmem>>)
      %mul3A_113 = arith.constant 80 : i32
      %mul3A_114 = arith.muli %add3A_106, %mul3A_113 : i32
      %add3A_115 = arith.addi %mul3A_2, %mul3A_114 : i32
      %dma_start3A_116 = arith.constant 0 : i32
      %dma_start3A_117 = tpu.memref_slice %arg4[%add3A_115, %dma_start3A_116] : memref<64000x128xf32, #tpu.memory_space<hbm>> -> memref<80x128xf32, #tpu.memory_space<hbm>>
      %dma_start3A_118 = arith.constant 0 : i32
      %dma_start3A_119 = tpu.memref_slice %arg4[%add3A_115, %dma_start3A_118] : memref<64000x128xf32, #tpu.memory_space<hbm>> -> memref<80x128xf32, #tpu.memory_space<hbm>>
      tpu.enqueue_dma source(%arg9 : memref<80x128xf32, #tpu.memory_space<vmem>>) target(%dma_start3A_119 : memref<80x128xf32, #tpu.memory_space<hbm>>) target_semaphore(%arg19 : memref<!tpu.dma_semaphore, #tpu.memory_space<semaphore_mem>>)
      %add3A_120 = arith.constant 2 : i32
      %add3A_121 = arith.addi %add3A_106, %add3A_120 : i32
      %lt3A_122 = arith.constant 25 : i32
      %lt3A_123 = arith.cmpi slt, %add3A_121, %lt3A_122 : i32
      %convert_element_type3A_124 = arith.extui %lt3A_123 : i1 to i32
      %cond3A_125 = arith.constant 0 : i32
      %cond3A_126 = arith.cmpi ne, %convert_element_type3A_124, %cond3A_125 : i32
      scf.if %cond3A_126 {
        %ge3A = arith.constant 5 : i32
        %ge3A_149 = arith.cmpi sge, %add3A_121, %ge3A : i32
        %convert_element_type3A_150 = arith.extui %ge3A_149 : i1 to i32
        %cond3A_151 = arith.constant 0 : i32
        %cond3A_152 = arith.cmpi ne, %convert_element_type3A_150, %cond3A_151 : i32
        scf.if %cond3A_152 {
          %dma_wait3A_159 = arith.constant 0 : i32
          %dma_wait3A_160 = tpu.memref_slice %arg4[%mul3A_2, %dma_wait3A_159] : memref<64000x128xf32, #tpu.memory_space<hbm>> -> memref<80x128xf32, #tpu.memory_space<hbm>>
          %dma_wait3A_161 = arith.constant 0 : i32
          %dma_wait3A_162 = tpu.memref_slice %arg4[%mul3A_2, %dma_wait3A_161] : memref<64000x128xf32, #tpu.memory_space<hbm>> -> memref<80x128xf32, #tpu.memory_space<hbm>>
          tpu.wait_dma2 semaphore(%arg16 : memref<!tpu.dma_semaphore, #tpu.memory_space<semaphore_mem>>) src(%arg6 : memref<80x128xf32, #tpu.memory_space<vmem>>) dst(%dma_wait3A_162 : memref<80x128xf32, #tpu.memory_space<hbm>>)
        } else {
        }
        %mul3A_153 = arith.constant 80 : i32
        %mul3A_154 = arith.muli %add3A_121, %mul3A_153 : i32
        %dma_start3A_155 = tpu.memref_slice %arg5[%mul3A_154] : memref<2000xi32, #tpu.memory_space<vmem>> -> memref<80xi32, #tpu.memory_space<vmem>>
        %dma_start3A_156 = arith.constant 0 : i32
        %dma_start3A_157 = arith.constant 0 : i32
        %dma_start3A_158 = tpu.memref_slice %arg2[%dma_start3A_156, %dma_start3A_157] : memref<10000x128xf32, #tpu.memory_space<hbm>> -> memref<10000x128xf32, #tpu.memory_space<hbm>>
        tpu.enqueue_indirect_dma source(%dma_start3A_158 : memref<10000x128xf32, #tpu.memory_space<hbm>>) target(%arg6 : memref<80x128xf32, #tpu.memory_space<vmem>>) offsets(%dma_start3A_155 : memref<80xi32, #tpu.memory_space<vmem>>) semaphore(%arg11 : memref<!tpu.dma_semaphore, #tpu.memory_space<semaphore_mem>>)
      } else {
      }
      %add3A_127 = arith.constant 4 : i32
      %add3A_128 = arith.addi %add3A_41, %add3A_127 : i32
      %mul3A_129 = arith.constant 80 : i32
      %mul3A_130 = arith.muli %add3A_128, %mul3A_129 : i32
      %dma_wait3A_131 = tpu.memref_slice %arg5[%mul3A_130] : memref<2000xi32, #tpu.memory_space<vmem>> -> memref<80xi32, #tpu.memory_space<vmem>>
      %dma_wait3A_132 = arith.constant 0 : i32
      %dma_wait3A_133 = arith.constant 0 : i32
      %dma_wait3A_134 = tpu.memref_slice %arg2[%dma_wait3A_132, %dma_wait3A_133] : memref<10000x128xf32, #tpu.memory_space<hbm>> -> memref<10000x128xf32, #tpu.memory_space<hbm>>
      tpu.wait_indirect_dma semaphore(%arg15 : memref<!tpu.dma_semaphore, #tpu.memory_space<semaphore_mem>>) src(%dma_wait3A_134 : memref<10000x128xf32, #tpu.memory_space<hbm>>) dst(%arg10 : memref<80x128xf32, #tpu.memory_space<vmem>>)
      %mul3A_135 = arith.constant 80 : i32
      %mul3A_136 = arith.muli %add3A_128, %mul3A_135 : i32
      %add3A_137 = arith.addi %mul3A_2, %mul3A_136 : i32
      %dma_start3A_138 = arith.constant 0 : i32
      %dma_start3A_139 = tpu.memref_slice %arg4[%add3A_137, %dma_start3A_138] : memref<64000x128xf32, #tpu.memory_space<hbm>> -> memref<80x128xf32, #tpu.memory_space<hbm>>
      %dma_start3A_140 = arith.constant 0 : i32
      %dma_start3A_141 = tpu.memref_slice %arg4[%add3A_137, %dma_start3A_140] : memref<64000x128xf32, #tpu.memory_space<hbm>> -> memref<80x128xf32, #tpu.memory_space<hbm>>
      tpu.enqueue_dma source(%arg10 : memref<80x128xf32, #tpu.memory_space<vmem>>) target(%dma_start3A_141 : memref<80x128xf32, #tpu.memory_space<hbm>>) target_semaphore(%arg20 : memref<!tpu.dma_semaphore, #tpu.memory_space<semaphore_mem>>)
      %add3A_142 = arith.constant 2 : i32
      %add3A_143 = arith.addi %add3A_128, %add3A_142 : i32
      %lt3A_144 = arith.constant 25 : i32
      %lt3A_145 = arith.cmpi slt, %add3A_143, %lt3A_144 : i32
      %convert_element_type3A_146 = arith.extui %lt3A_145 : i1 to i32
      %cond3A_147 = arith.constant 0 : i32
      %cond3A_148 = arith.cmpi ne, %convert_element_type3A_146, %cond3A_147 : i32
      scf.if %cond3A_148 {
        %ge3A = arith.constant 5 : i32
        %ge3A_149 = arith.cmpi sge, %add3A_143, %ge3A : i32
        %convert_element_type3A_150 = arith.extui %ge3A_149 : i1 to i32
        %cond3A_151 = arith.constant 0 : i32
        %cond3A_152 = arith.cmpi ne, %convert_element_type3A_150, %cond3A_151 : i32
        scf.if %cond3A_152 {
          %dma_wait3A_159 = arith.constant 0 : i32
          %dma_wait3A_160 = tpu.memref_slice %arg4[%mul3A_2, %dma_wait3A_159] : memref<64000x128xf32, #tpu.memory_space<hbm>> -> memref<80x128xf32, #tpu.memory_space<hbm>>
          %dma_wait3A_161 = arith.constant 0 : i32
          %dma_wait3A_162 = tpu.memref_slice %arg4[%mul3A_2, %dma_wait3A_161] : memref<64000x128xf32, #tpu.memory_space<hbm>> -> memref<80x128xf32, #tpu.memory_space<hbm>>
          tpu.wait_dma2 semaphore(%arg17 : memref<!tpu.dma_semaphore, #tpu.memory_space<semaphore_mem>>) src(%arg7 : memref<80x128xf32, #tpu.memory_space<vmem>>) dst(%dma_wait3A_162 : memref<80x128xf32, #tpu.memory_space<hbm>>)
        } else {
        }
        %mul3A_153 = arith.constant 80 : i32
        %mul3A_154 = arith.muli %add3A_143, %mul3A_153 : i32
        %dma_start3A_155 = tpu.memref_slice %arg5[%mul3A_154] : memref<2000xi32, #tpu.memory_space<vmem>> -> memref<80xi32, #tpu.memory_space<vmem>>
        %dma_start3A_156 = arith.constant 0 : i32
        %dma_start3A_157 = arith.constant 0 : i32
        %dma_start3A_158 = tpu.memref_slice %arg2[%dma_start3A_156, %dma_start3A_157] : memref<10000x128xf32, #tpu.memory_space<hbm>> -> memref<10000x128xf32, #tpu.memory_space<hbm>>
        tpu.enqueue_indirect_dma source(%dma_start3A_158 : memref<10000x128xf32, #tpu.memory_space<hbm>>) target(%arg7 : memref<80x128xf32, #tpu.memory_space<vmem>>) offsets(%dma_start3A_155 : memref<80xi32, #tpu.memory_space<vmem>>) semaphore(%arg12 : memref<!tpu.dma_semaphore, #tpu.memory_space<semaphore_mem>>)
      } else {
      }
    }
    %scan3A_17 = arith.constant 5 : i32
    %dma_wait3A = arith.constant 0 : i32
    %dma_wait3A_18 = tpu.memref_slice %arg4[%mul3A_2, %dma_wait3A] : memref<64000x128xf32, #tpu.memory_space<hbm>> -> memref<80x128xf32, #tpu.memory_space<hbm>>
    %dma_wait3A_19 = arith.constant 0 : i32
    %dma_wait3A_20 = tpu.memref_slice %arg4[%mul3A_2, %dma_wait3A_19] : memref<64000x128xf32, #tpu.memory_space<hbm>> -> memref<80x128xf32, #tpu.memory_space<hbm>>
    tpu.wait_dma2 semaphore(%arg16 : memref<!tpu.dma_semaphore, #tpu.memory_space<semaphore_mem>>) src(%arg6 : memref<80x128xf32, #tpu.memory_space<vmem>>) dst(%dma_wait3A_20 : memref<80x128xf32, #tpu.memory_space<hbm>>)
    %dma_wait3A_21 = arith.constant 0 : i32
    %dma_wait3A_22 = tpu.memref_slice %arg4[%mul3A_2, %dma_wait3A_21] : memref<64000x128xf32, #tpu.memory_space<hbm>> -> memref<80x128xf32, #tpu.memory_space<hbm>>
    %dma_wait3A_23 = arith.constant 0 : i32
    %dma_wait3A_24 = tpu.memref_slice %arg4[%mul3A_2, %dma_wait3A_23] : memref<64000x128xf32, #tpu.memory_space<hbm>> -> memref<80x128xf32, #tpu.memory_space<hbm>>
    tpu.wait_dma2 semaphore(%arg17 : memref<!tpu.dma_semaphore, #tpu.memory_space<semaphore_mem>>) src(%arg7 : memref<80x128xf32, #tpu.memory_space<vmem>>) dst(%dma_wait3A_24 : memref<80x128xf32, #tpu.memory_space<hbm>>)
    %dma_wait3A_25 = arith.constant 0 : i32
    %dma_wait3A_26 = tpu.memref_slice %arg4[%mul3A_2, %dma_wait3A_25] : memref<64000x128xf32, #tpu.memory_space<hbm>> -> memref<80x128xf32, #tpu.memory_space<hbm>>
    %dma_wait3A_27 = arith.constant 0 : i32
    %dma_wait3A_28 = tpu.memref_slice %arg4[%mul3A_2, %dma_wait3A_27] : memref<64000x128xf32, #tpu.memory_space<hbm>> -> memref<80x128xf32, #tpu.memory_space<hbm>>
    tpu.wait_dma2 semaphore(%arg18 : memref<!tpu.dma_semaphore, #tpu.memory_space<semaphore_mem>>) src(%arg8 : memref<80x128xf32, #tpu.memory_space<vmem>>) dst(%dma_wait3A_28 : memref<80x128xf32, #tpu.memory_space<hbm>>)
    %dma_wait3A_29 = arith.constant 0 : i32
    %dma_wait3A_30 = tpu.memref_slice %arg4[%mul3A_2, %dma_wait3A_29] : memref<64000x128xf32, #tpu.memory_space<hbm>> -> memref<80x128xf32, #tpu.memory_space<hbm>>
    %dma_wait3A_31 = arith.constant 0 : i32
    %dma_wait3A_32 = tpu.memref_slice %arg4[%mul3A_2, %dma_wait3A_31] : memref<64000x128xf32, #tpu.memory_space<hbm>> -> memref<80x128xf32, #tpu.memory_space<hbm>>
    tpu.wait_dma2 semaphore(%arg19 : memref<!tpu.dma_semaphore, #tpu.memory_space<semaphore_mem>>) src(%arg9 : memref<80x128xf32, #tpu.memory_space<vmem>>) dst(%dma_wait3A_32 : memref<80x128xf32, #tpu.memory_space<hbm>>)
    %dma_wait3A_33 = arith.constant 0 : i32
    %dma_wait3A_34 = tpu.memref_slice %arg4[%mul3A_2, %dma_wait3A_33] : memref<64000x128xf32, #tpu.memory_space<hbm>> -> memref<80x128xf32, #tpu.memory_space<hbm>>
    %dma_wait3A_35 = arith.constant 0 : i32
    %dma_wait3A_36 = tpu.memref_slice %arg4[%mul3A_2, %dma_wait3A_35] : memref<64000x128xf32, #tpu.memory_space<hbm>> -> memref<80x128xf32, #tpu.memory_space<hbm>>
    tpu.wait_dma2 semaphore(%arg20 : memref<!tpu.dma_semaphore, #tpu.memory_space<semaphore_mem>>) src(%arg10 : memref<80x128xf32, #tpu.memory_space<vmem>>) dst(%dma_wait3A_36 : memref<80x128xf32, #tpu.memory_space<hbm>>)
    return
  }
}

#map = affine_map<(d0, d1) -> (0, 0)>
#map1 = affine_map<(d0, d1) -> (0)>
module attributes {stable_mosaic.version = 14 : i64} {
  func.func @gather(%arg0: i32, %arg1: i32, %arg2: memref<10000x128xf32, #tpu.memory_space<hbm>>, %arg3: memref<320000xi32, #tpu.memory_space<hbm>>, %arg4: memref<64000x128xf32, #tpu.memory_space<hbm>>, %arg5: memref<2000xi32, #tpu.memory_space<vmem>>, %arg6: memref<80x128xf32, #tpu.memory_space<vmem>>, %arg7: memref<80x128xf32, #tpu.memory_space<vmem>>, %arg8: memref<80x128xf32, #tpu.memory_space<vmem>>, %arg9: memref<80x128xf32, #tpu.memory_space<vmem>>, %arg10: memref<80x128xf32, #tpu.memory_space<vmem>>, %arg11: memref<!tpu.dma_semaphore, #tpu.memory_space<semaphore_mem>>, %arg12: memref<!tpu.dma_semaphore, #tpu.memory_space<semaphore_mem>>, %arg13: memref<!tpu.dma_semaphore, #tpu.memory_space<semaphore_mem>>, %arg14: memref<!tpu.dma_semaphore, #tpu.memory_space<semaphore_mem>>, %arg15: memref<!tpu.dma_semaphore, #tpu.memory_space<semaphore_mem>>, %arg16: memref<!tpu.dma_semaphore, #tpu.memory_space<semaphore_mem>>, %arg17: memref<!tpu.dma_semaphore, #tpu.memory_space<semaphore_mem>>, %arg18: memref<!tpu.dma_semaphore, #tpu.memory_space<semaphore_mem>>, %arg19: memref<!tpu.dma_semaphore, #tpu.memory_space<semaphore_mem>>, %arg20: memref<!tpu.dma_semaphore, #tpu.memory_space<semaphore_mem>>) attributes {dimension_semantics = [#tpu.dimension_semantics<core_parallel>, #tpu.dimension_semantics<subcore_parallel>], iteration_bounds = array<i64: 2, 16>, scalar_prefetch = 0 : i64, scratch_operands = 16 : i64, tpu.core_type = #tpu.core_type<sc_vector_subcore>, window_params = [{transform_indices = #map}, {transform_indices = #map1}, {transform_indices = #map}]} {
    %mul3A = arith.constant 2 : i32
    %mul3A_0 = arith.muli %arg1, %mul3A : i32
    %add3A = arith.addi %mul3A_0, %arg0 : i32
    %mul3A_1 = arith.constant 2000 : i32
    %mul3A_2 = arith.muli %add3A, %mul3A_1 : i32
    %add3A_3 = arith.constant 64000 : i32
    %add3A_4 = arith.addi %add3A_3, %mul3A_2 : i32
    "tpu.region"() ({
      %run_scoped3A = tpu.sem_alloc : memref<!tpu.dma_semaphore, #tpu.memory_space<semaphore_mem>>
      %dma_start3A_37 = tpu.memref_slice %arg3[%add3A_4] : memref<320000xi32, #tpu.memory_space<hbm>> -> memref<2000xi32, #tpu.memory_space<hbm>>
      %dma_start3A_38 = tpu.memref_slice %arg3[%add3A_4] : memref<320000xi32, #tpu.memory_space<hbm>> -> memref<2000xi32, #tpu.memory_space<hbm>>
      tpu.enqueue_dma source(%dma_start3A_38 : memref<2000xi32, #tpu.memory_space<hbm>>) target(%arg5 : memref<2000xi32, #tpu.memory_space<vmem>>) target_semaphore(%run_scoped3A : memref<!tpu.dma_semaphore, #tpu.memory_space<semaphore_mem>>)
      %dma_wait3A_39 = tpu.memref_slice %arg3[%add3A_4] : memref<320000xi32, #tpu.memory_space<hbm>> -> memref<2000xi32, #tpu.memory_space<hbm>>
      %dma_wait3A_40 = tpu.memref_slice %arg3[%add3A_4] : memref<320000xi32, #tpu.memory_space<hbm>> -> memref<2000xi32, #tpu.memory_space<hbm>>
      tpu.wait_dma2 semaphore(%run_scoped3A : memref<!tpu.dma_semaphore, #tpu.memory_space<semaphore_mem>>) src(%dma_wait3A_40 : memref<2000xi32, #tpu.memory_space<hbm>>) dst(%arg5 : memref<2000xi32, #tpu.memory_space<vmem>>)
      tpu.yield
    }) : () -> ()
    %dma_start3A = arith.constant 0 : i32
    %dma_start3A_5 = tpu.memref_slice %arg5[%dma_start3A] : memref<2000xi32, #tpu.memory_space<vmem>> -> memref<80xi32, #tpu.memory_space<vmem>>
    %dma_start3A_6 = arith.constant 0 : i32
    %dma_start3A_7 = arith.constant 0 : i32
    %dma_start3A_8 = tpu.memref_slice %arg2[%dma_start3A_6, %dma_start3A_7] : memref<10000x128xf32, #tpu.memory_space<hbm>> -> memref<10000x128xf32, #tpu.memory_space<hbm>>
    tpu.enqueue_indirect_dma source(%dma_start3A_8 : memref<10000x128xf32, #tpu.memory_space<hbm>>) target(%arg6 : memref<80x128xf32, #tpu.memory_space<vmem>>) offsets(%dma_start3A_5 : memref<80xi32, #tpu.memory_space<vmem>>) semaphore(%arg11 : memref<!tpu.dma_semaphore, #tpu.memory_space<semaphore_mem>>)
    %dma_start3A_9 = arith.constant 80 : i32
    %dma_start3A_10 = tpu.memref_slice %arg5[%dma_start3A_9] : memref<2000xi32, #tpu.memory_space<vmem>> -> memref<80xi32, #tpu.memory_space<vmem>>
    %dma_start3A_11 = arith.constant 0 : i32
    %dma_start3A_12 = arith.constant 0 : i32
    %dma_start3A_13 = tpu.memref_slice %arg2[%dma_start3A_11, %dma_start3A_12] : memref<10000x128xf32, #tpu.memory_space<hbm>> -> memref<10000x128xf32, #tpu.memory_space<hbm>>
    tpu.enqueue_indirect_dma source(%dma_start3A_13 : memref<10000x128xf32, #tpu.memory_space<hbm>>) target(%arg7 : memref<80x128xf32, #tpu.memory_space<vmem>>) offsets(%dma_start3A_10 : memref<80xi32, #tpu.memory_space<vmem>>) semaphore(%arg12 : memref<!tpu.dma_semaphore, #tpu.memory_space<semaphore_mem>>)
    %scan3A = arith.constant 0 : i32
    %scan3A_14 = arith.constant 5 : i32
    %scan3A_15 = arith.addi %scan3A, %scan3A_14 : i32
    %scan3A_16 = arith.constant 1 : i32
    scf.for %scan3A_37 = %scan3A to %scan3A_15 step %scan3A_16  : i32 {
      %mul3A_38 = arith.constant 5 : i32
      %mul3A_39 = arith.muli %scan3A_37, %mul3A_38 : i32
      %add3A_40 = arith.constant 0 : i32
      %add3A_41 = arith.addi %add3A_40, %mul3A_39 : i32
      %add3A_42 = arith.constant 0 : i32
      %add3A_43 = arith.addi %add3A_41, %add3A_42 : i32
      %mul3A_44 = arith.constant 80 : i32
      %mul3A_45 = arith.muli %add3A_43, %mul3A_44 : i32
      %dma_wait3A_46 = tpu.memref_slice %arg5[%mul3A_45] : memref<2000xi32, #tpu.memory_space<vmem>> -> memref<80xi32, #tpu.memory_space<vmem>>
      %dma_wait3A_47 = arith.constant 0 : i32
      %dma_wait3A_48 = arith.constant 0 : i32
      %dma_wait3A_49 = tpu.memref_slice %arg2[%dma_wait3A_47, %dma_wait3A_48] : memref<10000x128xf32, #tpu.memory_space<hbm>> -> memref<10000x128xf32, #tpu.memory_space<hbm>>
      tpu.wait_indirect_dma semaphore(%arg11 : memref<!tpu.dma_semaphore, #tpu.memory_space<semaphore_mem>>) src(%dma_wait3A_49 : memref<10000x128xf32, #tpu.memory_space<hbm>>) dst(%arg6 : memref<80x128xf32, #tpu.memory_space<vmem>>)
      %mul3A_50 = arith.constant 80 : i32
      %mul3A_51 = arith.muli %add3A_43, %mul3A_50 : i32
      %add3A_52 = arith.addi %mul3A_2, %mul3A_51 : i32
      %dma_start3A_53 = arith.constant 0 : i32
      %dma_start3A_54 = tpu.memref_slice %arg4[%add3A_52, %dma_start3A_53] : memref<64000x128xf32, #tpu.memory_space<hbm>> -> memref<80x128xf32, #tpu.memory_space<hbm>>
      %dma_start3A_55 = arith.constant 0 : i32
      %dma_start3A_56 = tpu.memref_slice %arg4[%add3A_52, %dma_start3A_55] : memref<64000x128xf32, #tpu.memory_space<hbm>> -> memref<80x128xf32, #tpu.memory_space<hbm>>
      tpu.enqueue_dma source(%arg6 : memref<80x128xf32, #tpu.memory_space<vmem>>) target(%dma_start3A_56 : memref<80x128xf32, #tpu.memory_space<hbm>>) target_semaphore(%arg16 : memref<!tpu.dma_semaphore, #tpu.memory_space<semaphore_mem>>)
      %add3A_57 = arith.constant 2 : i32
      %add3A_58 = arith.addi %add3A_43, %add3A_57 : i32
      %lt3A = arith.constant 25 : i32
      %lt3A_59 = arith.cmpi slt, %add3A_58, %lt3A : i32
      %convert_element_type3A = arith.extui %lt3A_59 : i1 to i32
      %cond3A = arith.constant 0 : i32
      %cond3A_60 = arith.cmpi ne, %convert_element_type3A, %cond3A : i32
      scf.if %cond3A_60 {
        %ge3A = arith.constant 5 : i32
        %ge3A_149 = arith.cmpi sge, %add3A_58, %ge3A : i32
        %convert_element_type3A_150 = arith.extui %ge3A_149 : i1 to i32
        %cond3A_151 = arith.constant 0 : i32
        %cond3A_152 = arith.cmpi ne, %convert_element_type3A_150, %cond3A_151 : i32
        scf.if %cond3A_152 {
          %dma_wait3A_159 = arith.constant 0 : i32
          %dma_wait3A_160 = tpu.memref_slice %arg4[%mul3A_2, %dma_wait3A_159] : memref<64000x128xf32, #tpu.memory_space<hbm>> -> memref<80x128xf32, #tpu.memory_space<hbm>>
          %dma_wait3A_161 = arith.constant 0 : i32
          %dma_wait3A_162 = tpu.memref_slice %arg4[%mul3A_2, %dma_wait3A_161] : memref<64000x128xf32, #tpu.memory_space<hbm>> -> memref<80x128xf32, #tpu.memory_space<hbm>>
          tpu.wait_dma2 semaphore(%arg18 : memref<!tpu.dma_semaphore, #tpu.memory_space<semaphore_mem>>) src(%arg8 : memref<80x128xf32, #tpu.memory_space<vmem>>) dst(%dma_wait3A_162 : memref<80x128xf32, #tpu.memory_space<hbm>>)
        } else {
        }
        %mul3A_153 = arith.constant 80 : i32
        %mul3A_154 = arith.muli %add3A_58, %mul3A_153 : i32
        %dma_start3A_155 = tpu.memref_slice %arg5[%mul3A_154] : memref<2000xi32, #tpu.memory_space<vmem>> -> memref<80xi32, #tpu.memory_space<vmem>>
        %dma_start3A_156 = arith.constant 0 : i32
        %dma_start3A_157 = arith.constant 0 : i32
        %dma_start3A_158 = tpu.memref_slice %arg2[%dma_start3A_156, %dma_start3A_157] : memref<10000x128xf32, #tpu.memory_space<hbm>> -> memref<10000x128xf32, #tpu.memory_space<hbm>>
        tpu.enqueue_indirect_dma source(%dma_start3A_158 : memref<10000x128xf32, #tpu.memory_space<hbm>>) target(%arg8 : memref<80x128xf32, #tpu.memory_space<vmem>>) offsets(%dma_start3A_155 : memref<80xi32, #tpu.memory_space<vmem>>) semaphore(%arg13 : memref<!tpu.dma_semaphore, #tpu.memory_space<semaphore_mem>>)
      } else {
      }
      %add3A_61 = arith.constant 1 : i32
      %add3A_62 = arith.addi %add3A_41, %add3A_61 : i32
      %mul3A_63 = arith.constant 80 : i32
      %mul3A_64 = arith.muli %add3A_62, %mul3A_63 : i32
      %dma_wait3A_65 = tpu.memref_slice %arg5[%mul3A_64] : memref<2000xi32, #tpu.memory_space<vmem>> -> memref<80xi32, #tpu.memory_space<vmem>>
      %dma_wait3A_66 = arith.constant 0 : i32
      %dma_wait3A_67 = arith.constant 0 : i32
      %dma_wait3A_68 = tpu.memref_slice %arg2[%dma_wait3A_66, %dma_wait3A_67] : memref<10000x128xf32, #tpu.memory_space<hbm>> -> memref<10000x128xf32, #tpu.memory_space<hbm>>
      tpu.wait_indirect_dma semaphore(%arg12 : memref<!tpu.dma_semaphore, #tpu.memory_space<semaphore_mem>>) src(%dma_wait3A_68 : memref<10000x128xf32, #tpu.memory_space<hbm>>) dst(%arg7 : memref<80x128xf32, #tpu.memory_space<vmem>>)
      %mul3A_69 = arith.constant 80 : i32
      %mul3A_70 = arith.muli %add3A_62, %mul3A_69 : i32
      %add3A_71 = arith.addi %mul3A_2, %mul3A_70 : i32
      %dma_start3A_72 = arith.constant 0 : i32
      %dma_start3A_73 = tpu.memref_slice %arg4[%add3A_71, %dma_start3A_72] : memref<64000x128xf32, #tpu.memory_space<hbm>> -> memref<80x128xf32, #tpu.memory_space<hbm>>
      %dma_start3A_74 = arith.constant 0 : i32
      %dma_start3A_75 = tpu.memref_slice %arg4[%add3A_71, %dma_start3A_74] : memref<64000x128xf32, #tpu.memory_space<hbm>> -> memref<80x128xf32, #tpu.memory_space<hbm>>
      tpu.enqueue_dma source(%arg7 : memref<80x128xf32, #tpu.memory_space<vmem>>) target(%dma_start3A_75 : memref<80x128xf32, #tpu.memory_space<hbm>>) target_semaphore(%arg17 : memref<!tpu.dma_semaphore, #tpu.memory_space<semaphore_mem>>)
      %add3A_76 = arith.constant 2 : i32
      %add3A_77 = arith.addi %add3A_62, %add3A_76 : i32
      %lt3A_78 = arith.constant 25 : i32
      %lt3A_79 = arith.cmpi slt, %add3A_77, %lt3A_78 : i32
      %convert_element_type3A_80 = arith.extui %lt3A_79 : i1 to i32
      %cond3A_81 = arith.constant 0 : i32
      %cond3A_82 = arith.cmpi ne, %convert_element_type3A_80, %cond3A_81 : i32
      scf.if %cond3A_82 {
        %ge3A = arith.constant 5 : i32
        %ge3A_149 = arith.cmpi sge, %add3A_77, %ge3A : i32
        %convert_element_type3A_150 = arith.extui %ge3A_149 : i1 to i32
        %cond3A_151 = arith.constant 0 : i32
        %cond3A_152 = arith.cmpi ne, %convert_element_type3A_150, %cond3A_151 : i32
        scf.if %cond3A_152 {
          %dma_wait3A_159 = arith.constant 0 : i32
          %dma_wait3A_160 = tpu.memref_slice %arg4[%mul3A_2, %dma_wait3A_159] : memref<64000x128xf32, #tpu.memory_space<hbm>> -> memref<80x128xf32, #tpu.memory_space<hbm>>
          %dma_wait3A_161 = arith.constant 0 : i32
          %dma_wait3A_162 = tpu.memref_slice %arg4[%mul3A_2, %dma_wait3A_161] : memref<64000x128xf32, #tpu.memory_space<hbm>> -> memref<80x128xf32, #tpu.memory_space<hbm>>
          tpu.wait_dma2 semaphore(%arg19 : memref<!tpu.dma_semaphore, #tpu.memory_space<semaphore_mem>>) src(%arg9 : memref<80x128xf32, #tpu.memory_space<vmem>>) dst(%dma_wait3A_162 : memref<80x128xf32, #tpu.memory_space<hbm>>)
        } else {
        }
        %mul3A_153 = arith.constant 80 : i32
        %mul3A_154 = arith.muli %add3A_77, %mul3A_153 : i32
        %dma_start3A_155 = tpu.memref_slice %arg5[%mul3A_154] : memref<2000xi32, #tpu.memory_space<vmem>> -> memref<80xi32, #tpu.memory_space<vmem>>
        %dma_start3A_156 = arith.constant 0 : i32
        %dma_start3A_157 = arith.constant 0 : i32
        %dma_start3A_158 = tpu.memref_slice %arg2[%dma_start3A_156, %dma_start3A_157] : memref<10000x128xf32, #tpu.memory_space<hbm>> -> memref<10000x128xf32, #tpu.memory_space<hbm>>
        tpu.enqueue_indirect_dma source(%dma_start3A_158 : memref<10000x128xf32, #tpu.memory_space<hbm>>) target(%arg9 : memref<80x128xf32, #tpu.memory_space<vmem>>) offsets(%dma_start3A_155 : memref<80xi32, #tpu.memory_space<vmem>>) semaphore(%arg14 : memref<!tpu.dma_semaphore, #tpu.memory_space<semaphore_mem>>)
      } else {
      }
      %add3A_83 = arith.constant 2 : i32
      %add3A_84 = arith.addi %add3A_41, %add3A_83 : i32
      %mul3A_85 = arith.constant 80 : i32
      %mul3A_86 = arith.muli %add3A_84, %mul3A_85 : i32
      %dma_wait3A_87 = tpu.memref_slice %arg5[%mul3A_86] : memref<2000xi32, #tpu.memory_space<vmem>> -> memref<80xi32, #tpu.memory_space<vmem>>
      %dma_wait3A_88 = arith.constant 0 : i32
      %dma_wait3A_89 = arith.constant 0 : i32
      %dma_wait3A_90 = tpu.memref_slice %arg2[%dma_wait3A_88, %dma_wait3A_89] : memref<10000x128xf32, #tpu.memory_space<hbm>> -> memref<10000x128xf32, #tpu.memory_space<hbm>>
      tpu.wait_indirect_dma semaphore(%arg13 : memref<!tpu.dma_semaphore, #tpu.memory_space<semaphore_mem>>) src(%dma_wait3A_90 : memref<10000x128xf32, #tpu.memory_space<hbm>>) dst(%arg8 : memref<80x128xf32, #tpu.memory_space<vmem>>)
      %mul3A_91 = arith.constant 80 : i32
      %mul3A_92 = arith.muli %add3A_84, %mul3A_91 : i32
      %add3A_93 = arith.addi %mul3A_2, %mul3A_92 : i32
      %dma_start3A_94 = arith.constant 0 : i32
      %dma_start3A_95 = tpu.memref_slice %arg4[%add3A_93, %dma_start3A_94] : memref<64000x128xf32, #tpu.memory_space<hbm>> -> memref<80x128xf32, #tpu.memory_space<hbm>>
      %dma_start3A_96 = arith.constant 0 : i32
      %dma_start3A_97 = tpu.memref_slice %arg4[%add3A_93, %dma_start3A_96] : memref<64000x128xf32, #tpu.memory_space<hbm>> -> memref<80x128xf32, #tpu.memory_space<hbm>>
      tpu.enqueue_dma source(%arg8 : memref<80x128xf32, #tpu.memory_space<vmem>>) target(%dma_start3A_97 : memref<80x128xf32, #tpu.memory_space<hbm>>) target_semaphore(%arg18 : memref<!tpu.dma_semaphore, #tpu.memory_space<semaphore_mem>>)
      %add3A_98 = arith.constant 2 : i32
      %add3A_99 = arith.addi %add3A_84, %add3A_98 : i32
      %lt3A_100 = arith.constant 25 : i32
      %lt3A_101 = arith.cmpi slt, %add3A_99, %lt3A_100 : i32
      %convert_element_type3A_102 = arith.extui %lt3A_101 : i1 to i32
      %cond3A_103 = arith.constant 0 : i32
      %cond3A_104 = arith.cmpi ne, %convert_element_type3A_102, %cond3A_103 : i32
      scf.if %cond3A_104 {
        %ge3A = arith.constant 5 : i32
        %ge3A_149 = arith.cmpi sge, %add3A_99, %ge3A : i32
        %convert_element_type3A_150 = arith.extui %ge3A_149 : i1 to i32
        %cond3A_151 = arith.constant 0 : i32
        %cond3A_152 = arith.cmpi ne, %convert_element_type3A_150, %cond3A_151 : i32
        scf.if %cond3A_152 {
          %dma_wait3A_159 = arith.constant 0 : i32
          %dma_wait3A_160 = tpu.memref_slice %arg4[%mul3A_2, %dma_wait3A_159] : memref<64000x128xf32, #tpu.memory_space<hbm>> -> memref<80x128xf32, #tpu.memory_space<hbm>>
          %dma_wait3A_161 = arith.constant 0 : i32
          %dma_wait3A_162 = tpu.memref_slice %arg4[%mul3A_2, %dma_wait3A_161] : memref<64000x128xf32, #tpu.memory_space<hbm>> -> memref<80x128xf32, #tpu.memory_space<hbm>>
          tpu.wait_dma2 semaphore(%arg20 : memref<!tpu.dma_semaphore, #tpu.memory_space<semaphore_mem>>) src(%arg10 : memref<80x128xf32, #tpu.memory_space<vmem>>) dst(%dma_wait3A_162 : memref<80x128xf32, #tpu.memory_space<hbm>>)
        } else {
        }
        %mul3A_153 = arith.constant 80 : i32
        %mul3A_154 = arith.muli %add3A_99, %mul3A_153 : i32
        %dma_start3A_155 = tpu.memref_slice %arg5[%mul3A_154] : memref<2000xi32, #tpu.memory_space<vmem>> -> memref<80xi32, #tpu.memory_space<vmem>>
        %dma_start3A_156 = arith.constant 0 : i32
        %dma_start3A_157 = arith.constant 0 : i32
        %dma_start3A_158 = tpu.memref_slice %arg2[%dma_start3A_156, %dma_start3A_157] : memref<10000x128xf32, #tpu.memory_space<hbm>> -> memref<10000x128xf32, #tpu.memory_space<hbm>>
        tpu.enqueue_indirect_dma source(%dma_start3A_158 : memref<10000x128xf32, #tpu.memory_space<hbm>>) target(%arg10 : memref<80x128xf32, #tpu.memory_space<vmem>>) offsets(%dma_start3A_155 : memref<80xi32, #tpu.memory_space<vmem>>) semaphore(%arg15 : memref<!tpu.dma_semaphore, #tpu.memory_space<semaphore_mem>>)
      } else {
      }
      %add3A_105 = arith.constant 3 : i32
      %add3A_106 = arith.addi %add3A_41, %add3A_105 : i32
      %mul3A_107 = arith.constant 80 : i32
      %mul3A_108 = arith.muli %add3A_106, %mul3A_107 : i32
      %dma_wait3A_109 = tpu.memref_slice %arg5[%mul3A_108] : memref<2000xi32, #tpu.memory_space<vmem>> -> memref<80xi32, #tpu.memory_space<vmem>>
      %dma_wait3A_110 = arith.constant 0 : i32
      %dma_wait3A_111 = arith.constant 0 : i32
      %dma_wait3A_112 = tpu.memref_slice %arg2[%dma_wait3A_110, %dma_wait3A_111] : memref<10000x128xf32, #tpu.memory_space<hbm>> -> memref<10000x128xf32, #tpu.memory_space<hbm>>
      tpu.wait_indirect_dma semaphore(%arg14 : memref<!tpu.dma_semaphore, #tpu.memory_space<semaphore_mem>>) src(%dma_wait3A_112 : memref<10000x128xf32, #tpu.memory_space<hbm>>) dst(%arg9 : memref<80x128xf32, #tpu.memory_space<vmem>>)
      %mul3A_113 = arith.constant 80 : i32
      %mul3A_114 = arith.muli %add3A_106, %mul3A_113 : i32
      %add3A_115 = arith.addi %mul3A_2, %mul3A_114 : i32
      %dma_start3A_116 = arith.constant 0 : i32
      %dma_start3A_117 = tpu.memref_slice %arg4[%add3A_115, %dma_start3A_116] : memref<64000x128xf32, #tpu.memory_space<hbm>> -> memref<80x128xf32, #tpu.memory_space<hbm>>
      %dma_start3A_118 = arith.constant 0 : i32
      %dma_start3A_119 = tpu.memref_slice %arg4[%add3A_115, %dma_start3A_118] : memref<64000x128xf32, #tpu.memory_space<hbm>> -> memref<80x128xf32, #tpu.memory_space<hbm>>
      tpu.enqueue_dma source(%arg9 : memref<80x128xf32, #tpu.memory_space<vmem>>) target(%dma_start3A_119 : memref<80x128xf32, #tpu.memory_space<hbm>>) target_semaphore(%arg19 : memref<!tpu.dma_semaphore, #tpu.memory_space<semaphore_mem>>)
      %add3A_120 = arith.constant 2 : i32
      %add3A_121 = arith.addi %add3A_106, %add3A_120 : i32
      %lt3A_122 = arith.constant 25 : i32
      %lt3A_123 = arith.cmpi slt, %add3A_121, %lt3A_122 : i32
      %convert_element_type3A_124 = arith.extui %lt3A_123 : i1 to i32
      %cond3A_125 = arith.constant 0 : i32
      %cond3A_126 = arith.cmpi ne, %convert_element_type3A_124, %cond3A_125 : i32
      scf.if %cond3A_126 {
        %ge3A = arith.constant 5 : i32
        %ge3A_149 = arith.cmpi sge, %add3A_121, %ge3A : i32
        %convert_element_type3A_150 = arith.extui %ge3A_149 : i1 to i32
        %cond3A_151 = arith.constant 0 : i32
        %cond3A_152 = arith.cmpi ne, %convert_element_type3A_150, %cond3A_151 : i32
        scf.if %cond3A_152 {
          %dma_wait3A_159 = arith.constant 0 : i32
          %dma_wait3A_160 = tpu.memref_slice %arg4[%mul3A_2, %dma_wait3A_159] : memref<64000x128xf32, #tpu.memory_space<hbm>> -> memref<80x128xf32, #tpu.memory_space<hbm>>
          %dma_wait3A_161 = arith.constant 0 : i32
          %dma_wait3A_162 = tpu.memref_slice %arg4[%mul3A_2, %dma_wait3A_161] : memref<64000x128xf32, #tpu.memory_space<hbm>> -> memref<80x128xf32, #tpu.memory_space<hbm>>
          tpu.wait_dma2 semaphore(%arg16 : memref<!tpu.dma_semaphore, #tpu.memory_space<semaphore_mem>>) src(%arg6 : memref<80x128xf32, #tpu.memory_space<vmem>>) dst(%dma_wait3A_162 : memref<80x128xf32, #tpu.memory_space<hbm>>)
        } else {
        }
        %mul3A_153 = arith.constant 80 : i32
        %mul3A_154 = arith.muli %add3A_121, %mul3A_153 : i32
        %dma_start3A_155 = tpu.memref_slice %arg5[%mul3A_154] : memref<2000xi32, #tpu.memory_space<vmem>> -> memref<80xi32, #tpu.memory_space<vmem>>
        %dma_start3A_156 = arith.constant 0 : i32
        %dma_start3A_157 = arith.constant 0 : i32
        %dma_start3A_158 = tpu.memref_slice %arg2[%dma_start3A_156, %dma_start3A_157] : memref<10000x128xf32, #tpu.memory_space<hbm>> -> memref<10000x128xf32, #tpu.memory_space<hbm>>
        tpu.enqueue_indirect_dma source(%dma_start3A_158 : memref<10000x128xf32, #tpu.memory_space<hbm>>) target(%arg6 : memref<80x128xf32, #tpu.memory_space<vmem>>) offsets(%dma_start3A_155 : memref<80xi32, #tpu.memory_space<vmem>>) semaphore(%arg11 : memref<!tpu.dma_semaphore, #tpu.memory_space<semaphore_mem>>)
      } else {
      }
      %add3A_127 = arith.constant 4 : i32
      %add3A_128 = arith.addi %add3A_41, %add3A_127 : i32
      %mul3A_129 = arith.constant 80 : i32
      %mul3A_130 = arith.muli %add3A_128, %mul3A_129 : i32
      %dma_wait3A_131 = tpu.memref_slice %arg5[%mul3A_130] : memref<2000xi32, #tpu.memory_space<vmem>> -> memref<80xi32, #tpu.memory_space<vmem>>
      %dma_wait3A_132 = arith.constant 0 : i32
      %dma_wait3A_133 = arith.constant 0 : i32
      %dma_wait3A_134 = tpu.memref_slice %arg2[%dma_wait3A_132, %dma_wait3A_133] : memref<10000x128xf32, #tpu.memory_space<hbm>> -> memref<10000x128xf32, #tpu.memory_space<hbm>>
      tpu.wait_indirect_dma semaphore(%arg15 : memref<!tpu.dma_semaphore, #tpu.memory_space<semaphore_mem>>) src(%dma_wait3A_134 : memref<10000x128xf32, #tpu.memory_space<hbm>>) dst(%arg10 : memref<80x128xf32, #tpu.memory_space<vmem>>)
      %mul3A_135 = arith.constant 80 : i32
      %mul3A_136 = arith.muli %add3A_128, %mul3A_135 : i32
      %add3A_137 = arith.addi %mul3A_2, %mul3A_136 : i32
      %dma_start3A_138 = arith.constant 0 : i32
      %dma_start3A_139 = tpu.memref_slice %arg4[%add3A_137, %dma_start3A_138] : memref<64000x128xf32, #tpu.memory_space<hbm>> -> memref<80x128xf32, #tpu.memory_space<hbm>>
      %dma_start3A_140 = arith.constant 0 : i32
      %dma_start3A_141 = tpu.memref_slice %arg4[%add3A_137, %dma_start3A_140] : memref<64000x128xf32, #tpu.memory_space<hbm>> -> memref<80x128xf32, #tpu.memory_space<hbm>>
      tpu.enqueue_dma source(%arg10 : memref<80x128xf32, #tpu.memory_space<vmem>>) target(%dma_start3A_141 : memref<80x128xf32, #tpu.memory_space<hbm>>) target_semaphore(%arg20 : memref<!tpu.dma_semaphore, #tpu.memory_space<semaphore_mem>>)
      %add3A_142 = arith.constant 2 : i32
      %add3A_143 = arith.addi %add3A_128, %add3A_142 : i32
      %lt3A_144 = arith.constant 25 : i32
      %lt3A_145 = arith.cmpi slt, %add3A_143, %lt3A_144 : i32
      %convert_element_type3A_146 = arith.extui %lt3A_145 : i1 to i32
      %cond3A_147 = arith.constant 0 : i32
      %cond3A_148 = arith.cmpi ne, %convert_element_type3A_146, %cond3A_147 : i32
      scf.if %cond3A_148 {
        %ge3A = arith.constant 5 : i32
        %ge3A_149 = arith.cmpi sge, %add3A_143, %ge3A : i32
        %convert_element_type3A_150 = arith.extui %ge3A_149 : i1 to i32
        %cond3A_151 = arith.constant 0 : i32
        %cond3A_152 = arith.cmpi ne, %convert_element_type3A_150, %cond3A_151 : i32
        scf.if %cond3A_152 {
          %dma_wait3A_159 = arith.constant 0 : i32
          %dma_wait3A_160 = tpu.memref_slice %arg4[%mul3A_2, %dma_wait3A_159] : memref<64000x128xf32, #tpu.memory_space<hbm>> -> memref<80x128xf32, #tpu.memory_space<hbm>>
          %dma_wait3A_161 = arith.constant 0 : i32
          %dma_wait3A_162 = tpu.memref_slice %arg4[%mul3A_2, %dma_wait3A_161] : memref<64000x128xf32, #tpu.memory_space<hbm>> -> memref<80x128xf32, #tpu.memory_space<hbm>>
          tpu.wait_dma2 semaphore(%arg17 : memref<!tpu.dma_semaphore, #tpu.memory_space<semaphore_mem>>) src(%arg7 : memref<80x128xf32, #tpu.memory_space<vmem>>) dst(%dma_wait3A_162 : memref<80x128xf32, #tpu.memory_space<hbm>>)
        } else {
        }
        %mul3A_153 = arith.constant 80 : i32
        %mul3A_154 = arith.muli %add3A_143, %mul3A_153 : i32
        %dma_start3A_155 = tpu.memref_slice %arg5[%mul3A_154] : memref<2000xi32, #tpu.memory_space<vmem>> -> memref<80xi32, #tpu.memory_space<vmem>>
        %dma_start3A_156 = arith.constant 0 : i32
        %dma_start3A_157 = arith.constant 0 : i32
        %dma_start3A_158 = tpu.memref_slice %arg2[%dma_start3A_156, %dma_start3A_157] : memref<10000x128xf32, #tpu.memory_space<hbm>> -> memref<10000x128xf32, #tpu.memory_space<hbm>>
        tpu.enqueue_indirect_dma source(%dma_start3A_158 : memref<10000x128xf32, #tpu.memory_space<hbm>>) target(%arg7 : memref<80x128xf32, #tpu.memory_space<vmem>>) offsets(%dma_start3A_155 : memref<80xi32, #tpu.memory_space<vmem>>) semaphore(%arg12 : memref<!tpu.dma_semaphore, #tpu.memory_space<semaphore_mem>>)
      } else {
      }
    }
    %scan3A_17 = arith.constant 5 : i32
    %dma_wait3A = arith.constant 0 : i32
    %dma_wait3A_18 = tpu.memref_slice %arg4[%mul3A_2, %dma_wait3A] : memref<64000x128xf32, #tpu.memory_space<hbm>> -> memref<80x128xf32, #tpu.memory_space<hbm>>
    %dma_wait3A_19 = arith.constant 0 : i32
    %dma_wait3A_20 = tpu.memref_slice %arg4[%mul3A_2, %dma_wait3A_19] : memref<64000x128xf32, #tpu.memory_space<hbm>> -> memref<80x128xf32, #tpu.memory_space<hbm>>
    tpu.wait_dma2 semaphore(%arg16 : memref<!tpu.dma_semaphore, #tpu.memory_space<semaphore_mem>>) src(%arg6 : memref<80x128xf32, #tpu.memory_space<vmem>>) dst(%dma_wait3A_20 : memref<80x128xf32, #tpu.memory_space<hbm>>)
    %dma_wait3A_21 = arith.constant 0 : i32
    %dma_wait3A_22 = tpu.memref_slice %arg4[%mul3A_2, %dma_wait3A_21] : memref<64000x128xf32, #tpu.memory_space<hbm>> -> memref<80x128xf32, #tpu.memory_space<hbm>>
    %dma_wait3A_23 = arith.constant 0 : i32
    %dma_wait3A_24 = tpu.memref_slice %arg4[%mul3A_2, %dma_wait3A_23] : memref<64000x128xf32, #tpu.memory_space<hbm>> -> memref<80x128xf32, #tpu.memory_space<hbm>>
    tpu.wait_dma2 semaphore(%arg17 : memref<!tpu.dma_semaphore, #tpu.memory_space<semaphore_mem>>) src(%arg7 : memref<80x128xf32, #tpu.memory_space<vmem>>) dst(%dma_wait3A_24 : memref<80x128xf32, #tpu.memory_space<hbm>>)
    %dma_wait3A_25 = arith.constant 0 : i32
    %dma_wait3A_26 = tpu.memref_slice %arg4[%mul3A_2, %dma_wait3A_25] : memref<64000x128xf32, #tpu.memory_space<hbm>> -> memref<80x128xf32, #tpu.memory_space<hbm>>
    %dma_wait3A_27 = arith.constant 0 : i32
    %dma_wait3A_28 = tpu.memref_slice %arg4[%mul3A_2, %dma_wait3A_27] : memref<64000x128xf32, #tpu.memory_space<hbm>> -> memref<80x128xf32, #tpu.memory_space<hbm>>
    tpu.wait_dma2 semaphore(%arg18 : memref<!tpu.dma_semaphore, #tpu.memory_space<semaphore_mem>>) src(%arg8 : memref<80x128xf32, #tpu.memory_space<vmem>>) dst(%dma_wait3A_28 : memref<80x128xf32, #tpu.memory_space<hbm>>)
    %dma_wait3A_29 = arith.constant 0 : i32
    %dma_wait3A_30 = tpu.memref_slice %arg4[%mul3A_2, %dma_wait3A_29] : memref<64000x128xf32, #tpu.memory_space<hbm>> -> memref<80x128xf32, #tpu.memory_space<hbm>>
    %dma_wait3A_31 = arith.constant 0 : i32
    %dma_wait3A_32 = tpu.memref_slice %arg4[%mul3A_2, %dma_wait3A_31] : memref<64000x128xf32, #tpu.memory_space<hbm>> -> memref<80x128xf32, #tpu.memory_space<hbm>>
    tpu.wait_dma2 semaphore(%arg19 : memref<!tpu.dma_semaphore, #tpu.memory_space<semaphore_mem>>) src(%arg9 : memref<80x128xf32, #tpu.memory_space<vmem>>) dst(%dma_wait3A_32 : memref<80x128xf32, #tpu.memory_space<hbm>>)
    %dma_wait3A_33 = arith.constant 0 : i32
    %dma_wait3A_34 = tpu.memref_slice %arg4[%mul3A_2, %dma_wait3A_33] : memref<64000x128xf32, #tpu.memory_space<hbm>> -> memref<80x128xf32, #tpu.memory_space<hbm>>
    %dma_wait3A_35 = arith.constant 0 : i32
    %dma_wait3A_36 = tpu.memref_slice %arg4[%mul3A_2, %dma_wait3A_35] : memref<64000x128xf32, #tpu.memory_space<hbm>> -> memref<80x128xf32, #tpu.memory_space<hbm>>
    tpu.wait_dma2 semaphore(%arg20 : memref<!tpu.dma_semaphore, #tpu.memory_space<semaphore_mem>>) src(%arg10 : memref<80x128xf32, #tpu.memory_space<vmem>>) dst(%dma_wait3A_36 : memref<80x128xf32, #tpu.memory_space<hbm>>)
    return
  }
}

#map = affine_map<(d0, d1) -> (0, 0)>
#map1 = affine_map<(d0, d1) -> (0)>
module attributes {stable_mosaic.version = 14 : i64} {
  func.func @gather(%arg0: i32, %arg1: i32, %arg2: memref<10000x128xf32, #tpu.memory_space<hbm>>, %arg3: memref<320000xi32, #tpu.memory_space<hbm>>, %arg4: memref<64000x128xf32, #tpu.memory_space<hbm>>, %arg5: memref<2000xi32, #tpu.memory_space<vmem>>, %arg6: memref<80x128xf32, #tpu.memory_space<vmem>>, %arg7: memref<80x128xf32, #tpu.memory_space<vmem>>, %arg8: memref<80x128xf32, #tpu.memory_space<vmem>>, %arg9: memref<80x128xf32, #tpu.memory_space<vmem>>, %arg10: memref<80x128xf32, #tpu.memory_space<vmem>>, %arg11: memref<!tpu.dma_semaphore, #tpu.memory_space<semaphore_mem>>, %arg12: memref<!tpu.dma_semaphore, #tpu.memory_space<semaphore_mem>>, %arg13: memref<!tpu.dma_semaphore, #tpu.memory_space<semaphore_mem>>, %arg14: memref<!tpu.dma_semaphore, #tpu.memory_space<semaphore_mem>>, %arg15: memref<!tpu.dma_semaphore, #tpu.memory_space<semaphore_mem>>, %arg16: memref<!tpu.dma_semaphore, #tpu.memory_space<semaphore_mem>>, %arg17: memref<!tpu.dma_semaphore, #tpu.memory_space<semaphore_mem>>, %arg18: memref<!tpu.dma_semaphore, #tpu.memory_space<semaphore_mem>>, %arg19: memref<!tpu.dma_semaphore, #tpu.memory_space<semaphore_mem>>, %arg20: memref<!tpu.dma_semaphore, #tpu.memory_space<semaphore_mem>>) attributes {dimension_semantics = [#tpu.dimension_semantics<core_parallel>, #tpu.dimension_semantics<subcore_parallel>], iteration_bounds = array<i64: 2, 16>, scalar_prefetch = 0 : i64, scratch_operands = 16 : i64, tpu.core_type = #tpu.core_type<sc_vector_subcore>, window_params = [{transform_indices = #map}, {transform_indices = #map1}, {transform_indices = #map}]} {
    %mul3A = arith.constant 2 : i32
    %mul3A_0 = arith.muli %arg1, %mul3A : i32
    %add3A = arith.addi %mul3A_0, %arg0 : i32
    %mul3A_1 = arith.constant 2000 : i32
    %mul3A_2 = arith.muli %add3A, %mul3A_1 : i32
    %add3A_3 = arith.constant 192000 : i32
    %add3A_4 = arith.addi %add3A_3, %mul3A_2 : i32
    "tpu.region"() ({
      %run_scoped3A = tpu.sem_alloc : memref<!tpu.dma_semaphore, #tpu.memory_space<semaphore_mem>>
      %dma_start3A_37 = tpu.memref_slice %arg3[%add3A_4] : memref<320000xi32, #tpu.memory_space<hbm>> -> memref<2000xi32, #tpu.memory_space<hbm>>
      %dma_start3A_38 = tpu.memref_slice %arg3[%add3A_4] : memref<320000xi32, #tpu.memory_space<hbm>> -> memref<2000xi32, #tpu.memory_space<hbm>>
      tpu.enqueue_dma source(%dma_start3A_38 : memref<2000xi32, #tpu.memory_space<hbm>>) target(%arg5 : memref<2000xi32, #tpu.memory_space<vmem>>) target_semaphore(%run_scoped3A : memref<!tpu.dma_semaphore, #tpu.memory_space<semaphore_mem>>)
      %dma_wait3A_39 = tpu.memref_slice %arg3[%add3A_4] : memref<320000xi32, #tpu.memory_space<hbm>> -> memref<2000xi32, #tpu.memory_space<hbm>>
      %dma_wait3A_40 = tpu.memref_slice %arg3[%add3A_4] : memref<320000xi32, #tpu.memory_space<hbm>> -> memref<2000xi32, #tpu.memory_space<hbm>>
      tpu.wait_dma2 semaphore(%run_scoped3A : memref<!tpu.dma_semaphore, #tpu.memory_space<semaphore_mem>>) src(%dma_wait3A_40 : memref<2000xi32, #tpu.memory_space<hbm>>) dst(%arg5 : memref<2000xi32, #tpu.memory_space<vmem>>)
      tpu.yield
    }) : () -> ()
    %dma_start3A = arith.constant 0 : i32
    %dma_start3A_5 = tpu.memref_slice %arg5[%dma_start3A] : memref<2000xi32, #tpu.memory_space<vmem>> -> memref<80xi32, #tpu.memory_space<vmem>>
    %dma_start3A_6 = arith.constant 0 : i32
    %dma_start3A_7 = arith.constant 0 : i32
    %dma_start3A_8 = tpu.memref_slice %arg2[%dma_start3A_6, %dma_start3A_7] : memref<10000x128xf32, #tpu.memory_space<hbm>> -> memref<10000x128xf32, #tpu.memory_space<hbm>>
    tpu.enqueue_indirect_dma source(%dma_start3A_8 : memref<10000x128xf32, #tpu.memory_space<hbm>>) target(%arg6 : memref<80x128xf32, #tpu.memory_space<vmem>>) offsets(%dma_start3A_5 : memref<80xi32, #tpu.memory_space<vmem>>) semaphore(%arg11 : memref<!tpu.dma_semaphore, #tpu.memory_space<semaphore_mem>>)
    %dma_start3A_9 = arith.constant 80 : i32
    %dma_start3A_10 = tpu.memref_slice %arg5[%dma_start3A_9] : memref<2000xi32, #tpu.memory_space<vmem>> -> memref<80xi32, #tpu.memory_space<vmem>>
    %dma_start3A_11 = arith.constant 0 : i32
    %dma_start3A_12 = arith.constant 0 : i32
    %dma_start3A_13 = tpu.memref_slice %arg2[%dma_start3A_11, %dma_start3A_12] : memref<10000x128xf32, #tpu.memory_space<hbm>> -> memref<10000x128xf32, #tpu.memory_space<hbm>>
    tpu.enqueue_indirect_dma source(%dma_start3A_13 : memref<10000x128xf32, #tpu.memory_space<hbm>>) target(%arg7 : memref<80x128xf32, #tpu.memory_space<vmem>>) offsets(%dma_start3A_10 : memref<80xi32, #tpu.memory_space<vmem>>) semaphore(%arg12 : memref<!tpu.dma_semaphore, #tpu.memory_space<semaphore_mem>>)
    %scan3A = arith.constant 0 : i32
    %scan3A_14 = arith.constant 5 : i32
    %scan3A_15 = arith.addi %scan3A, %scan3A_14 : i32
    %scan3A_16 = arith.constant 1 : i32
    scf.for %scan3A_37 = %scan3A to %scan3A_15 step %scan3A_16  : i32 {
      %mul3A_38 = arith.constant 5 : i32
      %mul3A_39 = arith.muli %scan3A_37, %mul3A_38 : i32
      %add3A_40 = arith.constant 0 : i32
      %add3A_41 = arith.addi %add3A_40, %mul3A_39 : i32
      %add3A_42 = arith.constant 0 : i32
      %add3A_43 = arith.addi %add3A_41, %add3A_42 : i32
      %mul3A_44 = arith.constant 80 : i32
      %mul3A_45 = arith.muli %add3A_43, %mul3A_44 : i32
      %dma_wait3A_46 = tpu.memref_slice %arg5[%mul3A_45] : memref<2000xi32, #tpu.memory_space<vmem>> -> memref<80xi32, #tpu.memory_space<vmem>>
      %dma_wait3A_47 = arith.constant 0 : i32
      %dma_wait3A_48 = arith.constant 0 : i32
      %dma_wait3A_49 = tpu.memref_slice %arg2[%dma_wait3A_47, %dma_wait3A_48] : memref<10000x128xf32, #tpu.memory_space<hbm>> -> memref<10000x128xf32, #tpu.memory_space<hbm>>
      tpu.wait_indirect_dma semaphore(%arg11 : memref<!tpu.dma_semaphore, #tpu.memory_space<semaphore_mem>>) src(%dma_wait3A_49 : memref<10000x128xf32, #tpu.memory_space<hbm>>) dst(%arg6 : memref<80x128xf32, #tpu.memory_space<vmem>>)
      %mul3A_50 = arith.constant 80 : i32
      %mul3A_51 = arith.muli %add3A_43, %mul3A_50 : i32
      %add3A_52 = arith.addi %mul3A_2, %mul3A_51 : i32
      %dma_start3A_53 = arith.constant 0 : i32
      %dma_start3A_54 = tpu.memref_slice %arg4[%add3A_52, %dma_start3A_53] : memref<64000x128xf32, #tpu.memory_space<hbm>> -> memref<80x128xf32, #tpu.memory_space<hbm>>
      %dma_start3A_55 = arith.constant 0 : i32
      %dma_start3A_56 = tpu.memref_slice %arg4[%add3A_52, %dma_start3A_55] : memref<64000x128xf32, #tpu.memory_space<hbm>> -> memref<80x128xf32, #tpu.memory_space<hbm>>
      tpu.enqueue_dma source(%arg6 : memref<80x128xf32, #tpu.memory_space<vmem>>) target(%dma_start3A_56 : memref<80x128xf32, #tpu.memory_space<hbm>>) target_semaphore(%arg16 : memref<!tpu.dma_semaphore, #tpu.memory_space<semaphore_mem>>)
      %add3A_57 = arith.constant 2 : i32
      %add3A_58 = arith.addi %add3A_43, %add3A_57 : i32
      %lt3A = arith.constant 25 : i32
      %lt3A_59 = arith.cmpi slt, %add3A_58, %lt3A : i32
      %convert_element_type3A = arith.extui %lt3A_59 : i1 to i32
      %cond3A = arith.constant 0 : i32
      %cond3A_60 = arith.cmpi ne, %convert_element_type3A, %cond3A : i32
      scf.if %cond3A_60 {
        %ge3A = arith.constant 5 : i32
        %ge3A_149 = arith.cmpi sge, %add3A_58, %ge3A : i32
        %convert_element_type3A_150 = arith.extui %ge3A_149 : i1 to i32
        %cond3A_151 = arith.constant 0 : i32
        %cond3A_152 = arith.cmpi ne, %convert_element_type3A_150, %cond3A_151 : i32
        scf.if %cond3A_152 {
          %dma_wait3A_159 = arith.constant 0 : i32
          %dma_wait3A_160 = tpu.memref_slice %arg4[%mul3A_2, %dma_wait3A_159] : memref<64000x128xf32, #tpu.memory_space<hbm>> -> memref<80x128xf32, #tpu.memory_space<hbm>>
          %dma_wait3A_161 = arith.constant 0 : i32
          %dma_wait3A_162 = tpu.memref_slice %arg4[%mul3A_2, %dma_wait3A_161] : memref<64000x128xf32, #tpu.memory_space<hbm>> -> memref<80x128xf32, #tpu.memory_space<hbm>>
          tpu.wait_dma2 semaphore(%arg18 : memref<!tpu.dma_semaphore, #tpu.memory_space<semaphore_mem>>) src(%arg8 : memref<80x128xf32, #tpu.memory_space<vmem>>) dst(%dma_wait3A_162 : memref<80x128xf32, #tpu.memory_space<hbm>>)
        } else {
        }
        %mul3A_153 = arith.constant 80 : i32
        %mul3A_154 = arith.muli %add3A_58, %mul3A_153 : i32
        %dma_start3A_155 = tpu.memref_slice %arg5[%mul3A_154] : memref<2000xi32, #tpu.memory_space<vmem>> -> memref<80xi32, #tpu.memory_space<vmem>>
        %dma_start3A_156 = arith.constant 0 : i32
        %dma_start3A_157 = arith.constant 0 : i32
        %dma_start3A_158 = tpu.memref_slice %arg2[%dma_start3A_156, %dma_start3A_157] : memref<10000x128xf32, #tpu.memory_space<hbm>> -> memref<10000x128xf32, #tpu.memory_space<hbm>>
        tpu.enqueue_indirect_dma source(%dma_start3A_158 : memref<10000x128xf32, #tpu.memory_space<hbm>>) target(%arg8 : memref<80x128xf32, #tpu.memory_space<vmem>>) offsets(%dma_start3A_155 : memref<80xi32, #tpu.memory_space<vmem>>) semaphore(%arg13 : memref<!tpu.dma_semaphore, #tpu.memory_space<semaphore_mem>>)
      } else {
      }
      %add3A_61 = arith.constant 1 : i32
      %add3A_62 = arith.addi %add3A_41, %add3A_61 : i32
      %mul3A_63 = arith.constant 80 : i32
      %mul3A_64 = arith.muli %add3A_62, %mul3A_63 : i32
      %dma_wait3A_65 = tpu.memref_slice %arg5[%mul3A_64] : memref<2000xi32, #tpu.memory_space<vmem>> -> memref<80xi32, #tpu.memory_space<vmem>>
      %dma_wait3A_66 = arith.constant 0 : i32
      %dma_wait3A_67 = arith.constant 0 : i32
      %dma_wait3A_68 = tpu.memref_slice %arg2[%dma_wait3A_66, %dma_wait3A_67] : memref<10000x128xf32, #tpu.memory_space<hbm>> -> memref<10000x128xf32, #tpu.memory_space<hbm>>
      tpu.wait_indirect_dma semaphore(%arg12 : memref<!tpu.dma_semaphore, #tpu.memory_space<semaphore_mem>>) src(%dma_wait3A_68 : memref<10000x128xf32, #tpu.memory_space<hbm>>) dst(%arg7 : memref<80x128xf32, #tpu.memory_space<vmem>>)
      %mul3A_69 = arith.constant 80 : i32
      %mul3A_70 = arith.muli %add3A_62, %mul3A_69 : i32
      %add3A_71 = arith.addi %mul3A_2, %mul3A_70 : i32
      %dma_start3A_72 = arith.constant 0 : i32
      %dma_start3A_73 = tpu.memref_slice %arg4[%add3A_71, %dma_start3A_72] : memref<64000x128xf32, #tpu.memory_space<hbm>> -> memref<80x128xf32, #tpu.memory_space<hbm>>
      %dma_start3A_74 = arith.constant 0 : i32
      %dma_start3A_75 = tpu.memref_slice %arg4[%add3A_71, %dma_start3A_74] : memref<64000x128xf32, #tpu.memory_space<hbm>> -> memref<80x128xf32, #tpu.memory_space<hbm>>
      tpu.enqueue_dma source(%arg7 : memref<80x128xf32, #tpu.memory_space<vmem>>) target(%dma_start3A_75 : memref<80x128xf32, #tpu.memory_space<hbm>>) target_semaphore(%arg17 : memref<!tpu.dma_semaphore, #tpu.memory_space<semaphore_mem>>)
      %add3A_76 = arith.constant 2 : i32
      %add3A_77 = arith.addi %add3A_62, %add3A_76 : i32
      %lt3A_78 = arith.constant 25 : i32
      %lt3A_79 = arith.cmpi slt, %add3A_77, %lt3A_78 : i32
      %convert_element_type3A_80 = arith.extui %lt3A_79 : i1 to i32
      %cond3A_81 = arith.constant 0 : i32
      %cond3A_82 = arith.cmpi ne, %convert_element_type3A_80, %cond3A_81 : i32
      scf.if %cond3A_82 {
        %ge3A = arith.constant 5 : i32
        %ge3A_149 = arith.cmpi sge, %add3A_77, %ge3A : i32
        %convert_element_type3A_150 = arith.extui %ge3A_149 : i1 to i32
        %cond3A_151 = arith.constant 0 : i32
        %cond3A_152 = arith.cmpi ne, %convert_element_type3A_150, %cond3A_151 : i32
        scf.if %cond3A_152 {
          %dma_wait3A_159 = arith.constant 0 : i32
          %dma_wait3A_160 = tpu.memref_slice %arg4[%mul3A_2, %dma_wait3A_159] : memref<64000x128xf32, #tpu.memory_space<hbm>> -> memref<80x128xf32, #tpu.memory_space<hbm>>
          %dma_wait3A_161 = arith.constant 0 : i32
          %dma_wait3A_162 = tpu.memref_slice %arg4[%mul3A_2, %dma_wait3A_161] : memref<64000x128xf32, #tpu.memory_space<hbm>> -> memref<80x128xf32, #tpu.memory_space<hbm>>
          tpu.wait_dma2 semaphore(%arg19 : memref<!tpu.dma_semaphore, #tpu.memory_space<semaphore_mem>>) src(%arg9 : memref<80x128xf32, #tpu.memory_space<vmem>>) dst(%dma_wait3A_162 : memref<80x128xf32, #tpu.memory_space<hbm>>)
        } else {
        }
        %mul3A_153 = arith.constant 80 : i32
        %mul3A_154 = arith.muli %add3A_77, %mul3A_153 : i32
        %dma_start3A_155 = tpu.memref_slice %arg5[%mul3A_154] : memref<2000xi32, #tpu.memory_space<vmem>> -> memref<80xi32, #tpu.memory_space<vmem>>
        %dma_start3A_156 = arith.constant 0 : i32
        %dma_start3A_157 = arith.constant 0 : i32
        %dma_start3A_158 = tpu.memref_slice %arg2[%dma_start3A_156, %dma_start3A_157] : memref<10000x128xf32, #tpu.memory_space<hbm>> -> memref<10000x128xf32, #tpu.memory_space<hbm>>
        tpu.enqueue_indirect_dma source(%dma_start3A_158 : memref<10000x128xf32, #tpu.memory_space<hbm>>) target(%arg9 : memref<80x128xf32, #tpu.memory_space<vmem>>) offsets(%dma_start3A_155 : memref<80xi32, #tpu.memory_space<vmem>>) semaphore(%arg14 : memref<!tpu.dma_semaphore, #tpu.memory_space<semaphore_mem>>)
      } else {
      }
      %add3A_83 = arith.constant 2 : i32
      %add3A_84 = arith.addi %add3A_41, %add3A_83 : i32
      %mul3A_85 = arith.constant 80 : i32
      %mul3A_86 = arith.muli %add3A_84, %mul3A_85 : i32
      %dma_wait3A_87 = tpu.memref_slice %arg5[%mul3A_86] : memref<2000xi32, #tpu.memory_space<vmem>> -> memref<80xi32, #tpu.memory_space<vmem>>
      %dma_wait3A_88 = arith.constant 0 : i32
      %dma_wait3A_89 = arith.constant 0 : i32
      %dma_wait3A_90 = tpu.memref_slice %arg2[%dma_wait3A_88, %dma_wait3A_89] : memref<10000x128xf32, #tpu.memory_space<hbm>> -> memref<10000x128xf32, #tpu.memory_space<hbm>>
      tpu.wait_indirect_dma semaphore(%arg13 : memref<!tpu.dma_semaphore, #tpu.memory_space<semaphore_mem>>) src(%dma_wait3A_90 : memref<10000x128xf32, #tpu.memory_space<hbm>>) dst(%arg8 : memref<80x128xf32, #tpu.memory_space<vmem>>)
      %mul3A_91 = arith.constant 80 : i32
      %mul3A_92 = arith.muli %add3A_84, %mul3A_91 : i32
      %add3A_93 = arith.addi %mul3A_2, %mul3A_92 : i32
      %dma_start3A_94 = arith.constant 0 : i32
      %dma_start3A_95 = tpu.memref_slice %arg4[%add3A_93, %dma_start3A_94] : memref<64000x128xf32, #tpu.memory_space<hbm>> -> memref<80x128xf32, #tpu.memory_space<hbm>>
      %dma_start3A_96 = arith.constant 0 : i32
      %dma_start3A_97 = tpu.memref_slice %arg4[%add3A_93, %dma_start3A_96] : memref<64000x128xf32, #tpu.memory_space<hbm>> -> memref<80x128xf32, #tpu.memory_space<hbm>>
      tpu.enqueue_dma source(%arg8 : memref<80x128xf32, #tpu.memory_space<vmem>>) target(%dma_start3A_97 : memref<80x128xf32, #tpu.memory_space<hbm>>) target_semaphore(%arg18 : memref<!tpu.dma_semaphore, #tpu.memory_space<semaphore_mem>>)
      %add3A_98 = arith.constant 2 : i32
      %add3A_99 = arith.addi %add3A_84, %add3A_98 : i32
      %lt3A_100 = arith.constant 25 : i32
      %lt3A_101 = arith.cmpi slt, %add3A_99, %lt3A_100 : i32
      %convert_element_type3A_102 = arith.extui %lt3A_101 : i1 to i32
      %cond3A_103 = arith.constant 0 : i32
      %cond3A_104 = arith.cmpi ne, %convert_element_type3A_102, %cond3A_103 : i32
      scf.if %cond3A_104 {
        %ge3A = arith.constant 5 : i32
        %ge3A_149 = arith.cmpi sge, %add3A_99, %ge3A : i32
        %convert_element_type3A_150 = arith.extui %ge3A_149 : i1 to i32
        %cond3A_151 = arith.constant 0 : i32
        %cond3A_152 = arith.cmpi ne, %convert_element_type3A_150, %cond3A_151 : i32
        scf.if %cond3A_152 {
          %dma_wait3A_159 = arith.constant 0 : i32
          %dma_wait3A_160 = tpu.memref_slice %arg4[%mul3A_2, %dma_wait3A_159] : memref<64000x128xf32, #tpu.memory_space<hbm>> -> memref<80x128xf32, #tpu.memory_space<hbm>>
          %dma_wait3A_161 = arith.constant 0 : i32
          %dma_wait3A_162 = tpu.memref_slice %arg4[%mul3A_2, %dma_wait3A_161] : memref<64000x128xf32, #tpu.memory_space<hbm>> -> memref<80x128xf32, #tpu.memory_space<hbm>>
          tpu.wait_dma2 semaphore(%arg20 : memref<!tpu.dma_semaphore, #tpu.memory_space<semaphore_mem>>) src(%arg10 : memref<80x128xf32, #tpu.memory_space<vmem>>) dst(%dma_wait3A_162 : memref<80x128xf32, #tpu.memory_space<hbm>>)
        } else {
        }
        %mul3A_153 = arith.constant 80 : i32
        %mul3A_154 = arith.muli %add3A_99, %mul3A_153 : i32
        %dma_start3A_155 = tpu.memref_slice %arg5[%mul3A_154] : memref<2000xi32, #tpu.memory_space<vmem>> -> memref<80xi32, #tpu.memory_space<vmem>>
        %dma_start3A_156 = arith.constant 0 : i32
        %dma_start3A_157 = arith.constant 0 : i32
        %dma_start3A_158 = tpu.memref_slice %arg2[%dma_start3A_156, %dma_start3A_157] : memref<10000x128xf32, #tpu.memory_space<hbm>> -> memref<10000x128xf32, #tpu.memory_space<hbm>>
        tpu.enqueue_indirect_dma source(%dma_start3A_158 : memref<10000x128xf32, #tpu.memory_space<hbm>>) target(%arg10 : memref<80x128xf32, #tpu.memory_space<vmem>>) offsets(%dma_start3A_155 : memref<80xi32, #tpu.memory_space<vmem>>) semaphore(%arg15 : memref<!tpu.dma_semaphore, #tpu.memory_space<semaphore_mem>>)
      } else {
      }
      %add3A_105 = arith.constant 3 : i32
      %add3A_106 = arith.addi %add3A_41, %add3A_105 : i32
      %mul3A_107 = arith.constant 80 : i32
      %mul3A_108 = arith.muli %add3A_106, %mul3A_107 : i32
      %dma_wait3A_109 = tpu.memref_slice %arg5[%mul3A_108] : memref<2000xi32, #tpu.memory_space<vmem>> -> memref<80xi32, #tpu.memory_space<vmem>>
      %dma_wait3A_110 = arith.constant 0 : i32
      %dma_wait3A_111 = arith.constant 0 : i32
      %dma_wait3A_112 = tpu.memref_slice %arg2[%dma_wait3A_110, %dma_wait3A_111] : memref<10000x128xf32, #tpu.memory_space<hbm>> -> memref<10000x128xf32, #tpu.memory_space<hbm>>
      tpu.wait_indirect_dma semaphore(%arg14 : memref<!tpu.dma_semaphore, #tpu.memory_space<semaphore_mem>>) src(%dma_wait3A_112 : memref<10000x128xf32, #tpu.memory_space<hbm>>) dst(%arg9 : memref<80x128xf32, #tpu.memory_space<vmem>>)
      %mul3A_113 = arith.constant 80 : i32
      %mul3A_114 = arith.muli %add3A_106, %mul3A_113 : i32
      %add3A_115 = arith.addi %mul3A_2, %mul3A_114 : i32
      %dma_start3A_116 = arith.constant 0 : i32
      %dma_start3A_117 = tpu.memref_slice %arg4[%add3A_115, %dma_start3A_116] : memref<64000x128xf32, #tpu.memory_space<hbm>> -> memref<80x128xf32, #tpu.memory_space<hbm>>
      %dma_start3A_118 = arith.constant 0 : i32
      %dma_start3A_119 = tpu.memref_slice %arg4[%add3A_115, %dma_start3A_118] : memref<64000x128xf32, #tpu.memory_space<hbm>> -> memref<80x128xf32, #tpu.memory_space<hbm>>
      tpu.enqueue_dma source(%arg9 : memref<80x128xf32, #tpu.memory_space<vmem>>) target(%dma_start3A_119 : memref<80x128xf32, #tpu.memory_space<hbm>>) target_semaphore(%arg19 : memref<!tpu.dma_semaphore, #tpu.memory_space<semaphore_mem>>)
      %add3A_120 = arith.constant 2 : i32
      %add3A_121 = arith.addi %add3A_106, %add3A_120 : i32
      %lt3A_122 = arith.constant 25 : i32
      %lt3A_123 = arith.cmpi slt, %add3A_121, %lt3A_122 : i32
      %convert_element_type3A_124 = arith.extui %lt3A_123 : i1 to i32
      %cond3A_125 = arith.constant 0 : i32
      %cond3A_126 = arith.cmpi ne, %convert_element_type3A_124, %cond3A_125 : i32
      scf.if %cond3A_126 {
        %ge3A = arith.constant 5 : i32
        %ge3A_149 = arith.cmpi sge, %add3A_121, %ge3A : i32
        %convert_element_type3A_150 = arith.extui %ge3A_149 : i1 to i32
        %cond3A_151 = arith.constant 0 : i32
        %cond3A_152 = arith.cmpi ne, %convert_element_type3A_150, %cond3A_151 : i32
        scf.if %cond3A_152 {
          %dma_wait3A_159 = arith.constant 0 : i32
          %dma_wait3A_160 = tpu.memref_slice %arg4[%mul3A_2, %dma_wait3A_159] : memref<64000x128xf32, #tpu.memory_space<hbm>> -> memref<80x128xf32, #tpu.memory_space<hbm>>
          %dma_wait3A_161 = arith.constant 0 : i32
          %dma_wait3A_162 = tpu.memref_slice %arg4[%mul3A_2, %dma_wait3A_161] : memref<64000x128xf32, #tpu.memory_space<hbm>> -> memref<80x128xf32, #tpu.memory_space<hbm>>
          tpu.wait_dma2 semaphore(%arg16 : memref<!tpu.dma_semaphore, #tpu.memory_space<semaphore_mem>>) src(%arg6 : memref<80x128xf32, #tpu.memory_space<vmem>>) dst(%dma_wait3A_162 : memref<80x128xf32, #tpu.memory_space<hbm>>)
        } else {
        }
        %mul3A_153 = arith.constant 80 : i32
        %mul3A_154 = arith.muli %add3A_121, %mul3A_153 : i32
        %dma_start3A_155 = tpu.memref_slice %arg5[%mul3A_154] : memref<2000xi32, #tpu.memory_space<vmem>> -> memref<80xi32, #tpu.memory_space<vmem>>
        %dma_start3A_156 = arith.constant 0 : i32
        %dma_start3A_157 = arith.constant 0 : i32
        %dma_start3A_158 = tpu.memref_slice %arg2[%dma_start3A_156, %dma_start3A_157] : memref<10000x128xf32, #tpu.memory_space<hbm>> -> memref<10000x128xf32, #tpu.memory_space<hbm>>
        tpu.enqueue_indirect_dma source(%dma_start3A_158 : memref<10000x128xf32, #tpu.memory_space<hbm>>) target(%arg6 : memref<80x128xf32, #tpu.memory_space<vmem>>) offsets(%dma_start3A_155 : memref<80xi32, #tpu.memory_space<vmem>>) semaphore(%arg11 : memref<!tpu.dma_semaphore, #tpu.memory_space<semaphore_mem>>)
      } else {
      }
      %add3A_127 = arith.constant 4 : i32
      %add3A_128 = arith.addi %add3A_41, %add3A_127 : i32
      %mul3A_129 = arith.constant 80 : i32
      %mul3A_130 = arith.muli %add3A_128, %mul3A_129 : i32
      %dma_wait3A_131 = tpu.memref_slice %arg5[%mul3A_130] : memref<2000xi32, #tpu.memory_space<vmem>> -> memref<80xi32, #tpu.memory_space<vmem>>
      %dma_wait3A_132 = arith.constant 0 : i32
      %dma_wait3A_133 = arith.constant 0 : i32
      %dma_wait3A_134 = tpu.memref_slice %arg2[%dma_wait3A_132, %dma_wait3A_133] : memref<10000x128xf32, #tpu.memory_space<hbm>> -> memref<10000x128xf32, #tpu.memory_space<hbm>>
      tpu.wait_indirect_dma semaphore(%arg15 : memref<!tpu.dma_semaphore, #tpu.memory_space<semaphore_mem>>) src(%dma_wait3A_134 : memref<10000x128xf32, #tpu.memory_space<hbm>>) dst(%arg10 : memref<80x128xf32, #tpu.memory_space<vmem>>)
      %mul3A_135 = arith.constant 80 : i32
      %mul3A_136 = arith.muli %add3A_128, %mul3A_135 : i32
      %add3A_137 = arith.addi %mul3A_2, %mul3A_136 : i32
      %dma_start3A_138 = arith.constant 0 : i32
      %dma_start3A_139 = tpu.memref_slice %arg4[%add3A_137, %dma_start3A_138] : memref<64000x128xf32, #tpu.memory_space<hbm>> -> memref<80x128xf32, #tpu.memory_space<hbm>>
      %dma_start3A_140 = arith.constant 0 : i32
      %dma_start3A_141 = tpu.memref_slice %arg4[%add3A_137, %dma_start3A_140] : memref<64000x128xf32, #tpu.memory_space<hbm>> -> memref<80x128xf32, #tpu.memory_space<hbm>>
      tpu.enqueue_dma source(%arg10 : memref<80x128xf32, #tpu.memory_space<vmem>>) target(%dma_start3A_141 : memref<80x128xf32, #tpu.memory_space<hbm>>) target_semaphore(%arg20 : memref<!tpu.dma_semaphore, #tpu.memory_space<semaphore_mem>>)
      %add3A_142 = arith.constant 2 : i32
      %add3A_143 = arith.addi %add3A_128, %add3A_142 : i32
      %lt3A_144 = arith.constant 25 : i32
      %lt3A_145 = arith.cmpi slt, %add3A_143, %lt3A_144 : i32
      %convert_element_type3A_146 = arith.extui %lt3A_145 : i1 to i32
      %cond3A_147 = arith.constant 0 : i32
      %cond3A_148 = arith.cmpi ne, %convert_element_type3A_146, %cond3A_147 : i32
      scf.if %cond3A_148 {
        %ge3A = arith.constant 5 : i32
        %ge3A_149 = arith.cmpi sge, %add3A_143, %ge3A : i32
        %convert_element_type3A_150 = arith.extui %ge3A_149 : i1 to i32
        %cond3A_151 = arith.constant 0 : i32
        %cond3A_152 = arith.cmpi ne, %convert_element_type3A_150, %cond3A_151 : i32
        scf.if %cond3A_152 {
          %dma_wait3A_159 = arith.constant 0 : i32
          %dma_wait3A_160 = tpu.memref_slice %arg4[%mul3A_2, %dma_wait3A_159] : memref<64000x128xf32, #tpu.memory_space<hbm>> -> memref<80x128xf32, #tpu.memory_space<hbm>>
          %dma_wait3A_161 = arith.constant 0 : i32
          %dma_wait3A_162 = tpu.memref_slice %arg4[%mul3A_2, %dma_wait3A_161] : memref<64000x128xf32, #tpu.memory_space<hbm>> -> memref<80x128xf32, #tpu.memory_space<hbm>>
          tpu.wait_dma2 semaphore(%arg17 : memref<!tpu.dma_semaphore, #tpu.memory_space<semaphore_mem>>) src(%arg7 : memref<80x128xf32, #tpu.memory_space<vmem>>) dst(%dma_wait3A_162 : memref<80x128xf32, #tpu.memory_space<hbm>>)
        } else {
        }
        %mul3A_153 = arith.constant 80 : i32
        %mul3A_154 = arith.muli %add3A_143, %mul3A_153 : i32
        %dma_start3A_155 = tpu.memref_slice %arg5[%mul3A_154] : memref<2000xi32, #tpu.memory_space<vmem>> -> memref<80xi32, #tpu.memory_space<vmem>>
        %dma_start3A_156 = arith.constant 0 : i32
        %dma_start3A_157 = arith.constant 0 : i32
        %dma_start3A_158 = tpu.memref_slice %arg2[%dma_start3A_156, %dma_start3A_157] : memref<10000x128xf32, #tpu.memory_space<hbm>> -> memref<10000x128xf32, #tpu.memory_space<hbm>>
        tpu.enqueue_indirect_dma source(%dma_start3A_158 : memref<10000x128xf32, #tpu.memory_space<hbm>>) target(%arg7 : memref<80x128xf32, #tpu.memory_space<vmem>>) offsets(%dma_start3A_155 : memref<80xi32, #tpu.memory_space<vmem>>) semaphore(%arg12 : memref<!tpu.dma_semaphore, #tpu.memory_space<semaphore_mem>>)
      } else {
      }
    }
    %scan3A_17 = arith.constant 5 : i32
    %dma_wait3A = arith.constant 0 : i32
    %dma_wait3A_18 = tpu.memref_slice %arg4[%mul3A_2, %dma_wait3A] : memref<64000x128xf32, #tpu.memory_space<hbm>> -> memref<80x128xf32, #tpu.memory_space<hbm>>
    %dma_wait3A_19 = arith.constant 0 : i32
    %dma_wait3A_20 = tpu.memref_slice %arg4[%mul3A_2, %dma_wait3A_19] : memref<64000x128xf32, #tpu.memory_space<hbm>> -> memref<80x128xf32, #tpu.memory_space<hbm>>
    tpu.wait_dma2 semaphore(%arg16 : memref<!tpu.dma_semaphore, #tpu.memory_space<semaphore_mem>>) src(%arg6 : memref<80x128xf32, #tpu.memory_space<vmem>>) dst(%dma_wait3A_20 : memref<80x128xf32, #tpu.memory_space<hbm>>)
    %dma_wait3A_21 = arith.constant 0 : i32
    %dma_wait3A_22 = tpu.memref_slice %arg4[%mul3A_2, %dma_wait3A_21] : memref<64000x128xf32, #tpu.memory_space<hbm>> -> memref<80x128xf32, #tpu.memory_space<hbm>>
    %dma_wait3A_23 = arith.constant 0 : i32
    %dma_wait3A_24 = tpu.memref_slice %arg4[%mul3A_2, %dma_wait3A_23] : memref<64000x128xf32, #tpu.memory_space<hbm>> -> memref<80x128xf32, #tpu.memory_space<hbm>>
    tpu.wait_dma2 semaphore(%arg17 : memref<!tpu.dma_semaphore, #tpu.memory_space<semaphore_mem>>) src(%arg7 : memref<80x128xf32, #tpu.memory_space<vmem>>) dst(%dma_wait3A_24 : memref<80x128xf32, #tpu.memory_space<hbm>>)
    %dma_wait3A_25 = arith.constant 0 : i32
    %dma_wait3A_26 = tpu.memref_slice %arg4[%mul3A_2, %dma_wait3A_25] : memref<64000x128xf32, #tpu.memory_space<hbm>> -> memref<80x128xf32, #tpu.memory_space<hbm>>
    %dma_wait3A_27 = arith.constant 0 : i32
    %dma_wait3A_28 = tpu.memref_slice %arg4[%mul3A_2, %dma_wait3A_27] : memref<64000x128xf32, #tpu.memory_space<hbm>> -> memref<80x128xf32, #tpu.memory_space<hbm>>
    tpu.wait_dma2 semaphore(%arg18 : memref<!tpu.dma_semaphore, #tpu.memory_space<semaphore_mem>>) src(%arg8 : memref<80x128xf32, #tpu.memory_space<vmem>>) dst(%dma_wait3A_28 : memref<80x128xf32, #tpu.memory_space<hbm>>)
    %dma_wait3A_29 = arith.constant 0 : i32
    %dma_wait3A_30 = tpu.memref_slice %arg4[%mul3A_2, %dma_wait3A_29] : memref<64000x128xf32, #tpu.memory_space<hbm>> -> memref<80x128xf32, #tpu.memory_space<hbm>>
    %dma_wait3A_31 = arith.constant 0 : i32
    %dma_wait3A_32 = tpu.memref_slice %arg4[%mul3A_2, %dma_wait3A_31] : memref<64000x128xf32, #tpu.memory_space<hbm>> -> memref<80x128xf32, #tpu.memory_space<hbm>>
    tpu.wait_dma2 semaphore(%arg19 : memref<!tpu.dma_semaphore, #tpu.memory_space<semaphore_mem>>) src(%arg9 : memref<80x128xf32, #tpu.memory_space<vmem>>) dst(%dma_wait3A_32 : memref<80x128xf32, #tpu.memory_space<hbm>>)
    %dma_wait3A_33 = arith.constant 0 : i32
    %dma_wait3A_34 = tpu.memref_slice %arg4[%mul3A_2, %dma_wait3A_33] : memref<64000x128xf32, #tpu.memory_space<hbm>> -> memref<80x128xf32, #tpu.memory_space<hbm>>
    %dma_wait3A_35 = arith.constant 0 : i32
    %dma_wait3A_36 = tpu.memref_slice %arg4[%mul3A_2, %dma_wait3A_35] : memref<64000x128xf32, #tpu.memory_space<hbm>> -> memref<80x128xf32, #tpu.memory_space<hbm>>
    tpu.wait_dma2 semaphore(%arg20 : memref<!tpu.dma_semaphore, #tpu.memory_space<semaphore_mem>>) src(%arg10 : memref<80x128xf32, #tpu.memory_space<vmem>>) dst(%dma_wait3A_36 : memref<80x128xf32, #tpu.memory_space<hbm>>)
    return
  }
}

#map = affine_map<(d0, d1) -> (0, 0)>
#map1 = affine_map<(d0, d1) -> (0)>
module attributes {stable_mosaic.version = 14 : i64} {
  func.func @gather(%arg0: i32, %arg1: i32, %arg2: memref<10000x128xf32, #tpu.memory_space<hbm>>, %arg3: memref<320000xi32, #tpu.memory_space<hbm>>, %arg4: memref<64000x128xf32, #tpu.memory_space<hbm>>, %arg5: memref<2000xi32, #tpu.memory_space<vmem>>, %arg6: memref<80x128xf32, #tpu.memory_space<vmem>>, %arg7: memref<80x128xf32, #tpu.memory_space<vmem>>, %arg8: memref<80x128xf32, #tpu.memory_space<vmem>>, %arg9: memref<80x128xf32, #tpu.memory_space<vmem>>, %arg10: memref<80x128xf32, #tpu.memory_space<vmem>>, %arg11: memref<!tpu.dma_semaphore, #tpu.memory_space<semaphore_mem>>, %arg12: memref<!tpu.dma_semaphore, #tpu.memory_space<semaphore_mem>>, %arg13: memref<!tpu.dma_semaphore, #tpu.memory_space<semaphore_mem>>, %arg14: memref<!tpu.dma_semaphore, #tpu.memory_space<semaphore_mem>>, %arg15: memref<!tpu.dma_semaphore, #tpu.memory_space<semaphore_mem>>, %arg16: memref<!tpu.dma_semaphore, #tpu.memory_space<semaphore_mem>>, %arg17: memref<!tpu.dma_semaphore, #tpu.memory_space<semaphore_mem>>, %arg18: memref<!tpu.dma_semaphore, #tpu.memory_space<semaphore_mem>>, %arg19: memref<!tpu.dma_semaphore, #tpu.memory_space<semaphore_mem>>, %arg20: memref<!tpu.dma_semaphore, #tpu.memory_space<semaphore_mem>>) attributes {dimension_semantics = [#tpu.dimension_semantics<core_parallel>, #tpu.dimension_semantics<subcore_parallel>], iteration_bounds = array<i64: 2, 16>, scalar_prefetch = 0 : i64, scratch_operands = 16 : i64, tpu.core_type = #tpu.core_type<sc_vector_subcore>, window_params = [{transform_indices = #map}, {transform_indices = #map1}, {transform_indices = #map}]} {
    %mul3A = arith.constant 2 : i32
    %mul3A_0 = arith.muli %arg1, %mul3A : i32
    %add3A = arith.addi %mul3A_0, %arg0 : i32
    %mul3A_1 = arith.constant 2000 : i32
    %mul3A_2 = arith.muli %add3A, %mul3A_1 : i32
    %add3A_3 = arith.constant 256000 : i32
    %add3A_4 = arith.addi %add3A_3, %mul3A_2 : i32
    "tpu.region"() ({
      %run_scoped3A = tpu.sem_alloc : memref<!tpu.dma_semaphore, #tpu.memory_space<semaphore_mem>>
      %dma_start3A_37 = tpu.memref_slice %arg3[%add3A_4] : memref<320000xi32, #tpu.memory_space<hbm>> -> memref<2000xi32, #tpu.memory_space<hbm>>
      %dma_start3A_38 = tpu.memref_slice %arg3[%add3A_4] : memref<320000xi32, #tpu.memory_space<hbm>> -> memref<2000xi32, #tpu.memory_space<hbm>>
      tpu.enqueue_dma source(%dma_start3A_38 : memref<2000xi32, #tpu.memory_space<hbm>>) target(%arg5 : memref<2000xi32, #tpu.memory_space<vmem>>) target_semaphore(%run_scoped3A : memref<!tpu.dma_semaphore, #tpu.memory_space<semaphore_mem>>)
      %dma_wait3A_39 = tpu.memref_slice %arg3[%add3A_4] : memref<320000xi32, #tpu.memory_space<hbm>> -> memref<2000xi32, #tpu.memory_space<hbm>>
      %dma_wait3A_40 = tpu.memref_slice %arg3[%add3A_4] : memref<320000xi32, #tpu.memory_space<hbm>> -> memref<2000xi32, #tpu.memory_space<hbm>>
      tpu.wait_dma2 semaphore(%run_scoped3A : memref<!tpu.dma_semaphore, #tpu.memory_space<semaphore_mem>>) src(%dma_wait3A_40 : memref<2000xi32, #tpu.memory_space<hbm>>) dst(%arg5 : memref<2000xi32, #tpu.memory_space<vmem>>)
      tpu.yield
    }) : () -> ()
    %dma_start3A = arith.constant 0 : i32
    %dma_start3A_5 = tpu.memref_slice %arg5[%dma_start3A] : memref<2000xi32, #tpu.memory_space<vmem>> -> memref<80xi32, #tpu.memory_space<vmem>>
    %dma_start3A_6 = arith.constant 0 : i32
    %dma_start3A_7 = arith.constant 0 : i32
    %dma_start3A_8 = tpu.memref_slice %arg2[%dma_start3A_6, %dma_start3A_7] : memref<10000x128xf32, #tpu.memory_space<hbm>> -> memref<10000x128xf32, #tpu.memory_space<hbm>>
    tpu.enqueue_indirect_dma source(%dma_start3A_8 : memref<10000x128xf32, #tpu.memory_space<hbm>>) target(%arg6 : memref<80x128xf32, #tpu.memory_space<vmem>>) offsets(%dma_start3A_5 : memref<80xi32, #tpu.memory_space<vmem>>) semaphore(%arg11 : memref<!tpu.dma_semaphore, #tpu.memory_space<semaphore_mem>>)
    %dma_start3A_9 = arith.constant 80 : i32
    %dma_start3A_10 = tpu.memref_slice %arg5[%dma_start3A_9] : memref<2000xi32, #tpu.memory_space<vmem>> -> memref<80xi32, #tpu.memory_space<vmem>>
    %dma_start3A_11 = arith.constant 0 : i32
    %dma_start3A_12 = arith.constant 0 : i32
    %dma_start3A_13 = tpu.memref_slice %arg2[%dma_start3A_11, %dma_start3A_12] : memref<10000x128xf32, #tpu.memory_space<hbm>> -> memref<10000x128xf32, #tpu.memory_space<hbm>>
    tpu.enqueue_indirect_dma source(%dma_start3A_13 : memref<10000x128xf32, #tpu.memory_space<hbm>>) target(%arg7 : memref<80x128xf32, #tpu.memory_space<vmem>>) offsets(%dma_start3A_10 : memref<80xi32, #tpu.memory_space<vmem>>) semaphore(%arg12 : memref<!tpu.dma_semaphore, #tpu.memory_space<semaphore_mem>>)
    %scan3A = arith.constant 0 : i32
    %scan3A_14 = arith.constant 5 : i32
    %scan3A_15 = arith.addi %scan3A, %scan3A_14 : i32
    %scan3A_16 = arith.constant 1 : i32
    scf.for %scan3A_37 = %scan3A to %scan3A_15 step %scan3A_16  : i32 {
      %mul3A_38 = arith.constant 5 : i32
      %mul3A_39 = arith.muli %scan3A_37, %mul3A_38 : i32
      %add3A_40 = arith.constant 0 : i32
      %add3A_41 = arith.addi %add3A_40, %mul3A_39 : i32
      %add3A_42 = arith.constant 0 : i32
      %add3A_43 = arith.addi %add3A_41, %add3A_42 : i32
      %mul3A_44 = arith.constant 80 : i32
      %mul3A_45 = arith.muli %add3A_43, %mul3A_44 : i32
      %dma_wait3A_46 = tpu.memref_slice %arg5[%mul3A_45] : memref<2000xi32, #tpu.memory_space<vmem>> -> memref<80xi32, #tpu.memory_space<vmem>>
      %dma_wait3A_47 = arith.constant 0 : i32
      %dma_wait3A_48 = arith.constant 0 : i32
      %dma_wait3A_49 = tpu.memref_slice %arg2[%dma_wait3A_47, %dma_wait3A_48] : memref<10000x128xf32, #tpu.memory_space<hbm>> -> memref<10000x128xf32, #tpu.memory_space<hbm>>
      tpu.wait_indirect_dma semaphore(%arg11 : memref<!tpu.dma_semaphore, #tpu.memory_space<semaphore_mem>>) src(%dma_wait3A_49 : memref<10000x128xf32, #tpu.memory_space<hbm>>) dst(%arg6 : memref<80x128xf32, #tpu.memory_space<vmem>>)
      %mul3A_50 = arith.constant 80 : i32
      %mul3A_51 = arith.muli %add3A_43, %mul3A_50 : i32
      %add3A_52 = arith.addi %mul3A_2, %mul3A_51 : i32
      %dma_start3A_53 = arith.constant 0 : i32
      %dma_start3A_54 = tpu.memref_slice %arg4[%add3A_52, %dma_start3A_53] : memref<64000x128xf32, #tpu.memory_space<hbm>> -> memref<80x128xf32, #tpu.memory_space<hbm>>
      %dma_start3A_55 = arith.constant 0 : i32
      %dma_start3A_56 = tpu.memref_slice %arg4[%add3A_52, %dma_start3A_55] : memref<64000x128xf32, #tpu.memory_space<hbm>> -> memref<80x128xf32, #tpu.memory_space<hbm>>
      tpu.enqueue_dma source(%arg6 : memref<80x128xf32, #tpu.memory_space<vmem>>) target(%dma_start3A_56 : memref<80x128xf32, #tpu.memory_space<hbm>>) target_semaphore(%arg16 : memref<!tpu.dma_semaphore, #tpu.memory_space<semaphore_mem>>)
      %add3A_57 = arith.constant 2 : i32
      %add3A_58 = arith.addi %add3A_43, %add3A_57 : i32
      %lt3A = arith.constant 25 : i32
      %lt3A_59 = arith.cmpi slt, %add3A_58, %lt3A : i32
      %convert_element_type3A = arith.extui %lt3A_59 : i1 to i32
      %cond3A = arith.constant 0 : i32
      %cond3A_60 = arith.cmpi ne, %convert_element_type3A, %cond3A : i32
      scf.if %cond3A_60 {
        %ge3A = arith.constant 5 : i32
        %ge3A_149 = arith.cmpi sge, %add3A_58, %ge3A : i32
        %convert_element_type3A_150 = arith.extui %ge3A_149 : i1 to i32
        %cond3A_151 = arith.constant 0 : i32
        %cond3A_152 = arith.cmpi ne, %convert_element_type3A_150, %cond3A_151 : i32
        scf.if %cond3A_152 {
          %dma_wait3A_159 = arith.constant 0 : i32
          %dma_wait3A_160 = tpu.memref_slice %arg4[%mul3A_2, %dma_wait3A_159] : memref<64000x128xf32, #tpu.memory_space<hbm>> -> memref<80x128xf32, #tpu.memory_space<hbm>>
          %dma_wait3A_161 = arith.constant 0 : i32
          %dma_wait3A_162 = tpu.memref_slice %arg4[%mul3A_2, %dma_wait3A_161] : memref<64000x128xf32, #tpu.memory_space<hbm>> -> memref<80x128xf32, #tpu.memory_space<hbm>>
          tpu.wait_dma2 semaphore(%arg18 : memref<!tpu.dma_semaphore, #tpu.memory_space<semaphore_mem>>) src(%arg8 : memref<80x128xf32, #tpu.memory_space<vmem>>) dst(%dma_wait3A_162 : memref<80x128xf32, #tpu.memory_space<hbm>>)
        } else {
        }
        %mul3A_153 = arith.constant 80 : i32
        %mul3A_154 = arith.muli %add3A_58, %mul3A_153 : i32
        %dma_start3A_155 = tpu.memref_slice %arg5[%mul3A_154] : memref<2000xi32, #tpu.memory_space<vmem>> -> memref<80xi32, #tpu.memory_space<vmem>>
        %dma_start3A_156 = arith.constant 0 : i32
        %dma_start3A_157 = arith.constant 0 : i32
        %dma_start3A_158 = tpu.memref_slice %arg2[%dma_start3A_156, %dma_start3A_157] : memref<10000x128xf32, #tpu.memory_space<hbm>> -> memref<10000x128xf32, #tpu.memory_space<hbm>>
        tpu.enqueue_indirect_dma source(%dma_start3A_158 : memref<10000x128xf32, #tpu.memory_space<hbm>>) target(%arg8 : memref<80x128xf32, #tpu.memory_space<vmem>>) offsets(%dma_start3A_155 : memref<80xi32, #tpu.memory_space<vmem>>) semaphore(%arg13 : memref<!tpu.dma_semaphore, #tpu.memory_space<semaphore_mem>>)
      } else {
      }
      %add3A_61 = arith.constant 1 : i32
      %add3A_62 = arith.addi %add3A_41, %add3A_61 : i32
      %mul3A_63 = arith.constant 80 : i32
      %mul3A_64 = arith.muli %add3A_62, %mul3A_63 : i32
      %dma_wait3A_65 = tpu.memref_slice %arg5[%mul3A_64] : memref<2000xi32, #tpu.memory_space<vmem>> -> memref<80xi32, #tpu.memory_space<vmem>>
      %dma_wait3A_66 = arith.constant 0 : i32
      %dma_wait3A_67 = arith.constant 0 : i32
      %dma_wait3A_68 = tpu.memref_slice %arg2[%dma_wait3A_66, %dma_wait3A_67] : memref<10000x128xf32, #tpu.memory_space<hbm>> -> memref<10000x128xf32, #tpu.memory_space<hbm>>
      tpu.wait_indirect_dma semaphore(%arg12 : memref<!tpu.dma_semaphore, #tpu.memory_space<semaphore_mem>>) src(%dma_wait3A_68 : memref<10000x128xf32, #tpu.memory_space<hbm>>) dst(%arg7 : memref<80x128xf32, #tpu.memory_space<vmem>>)
      %mul3A_69 = arith.constant 80 : i32
      %mul3A_70 = arith.muli %add3A_62, %mul3A_69 : i32
      %add3A_71 = arith.addi %mul3A_2, %mul3A_70 : i32
      %dma_start3A_72 = arith.constant 0 : i32
      %dma_start3A_73 = tpu.memref_slice %arg4[%add3A_71, %dma_start3A_72] : memref<64000x128xf32, #tpu.memory_space<hbm>> -> memref<80x128xf32, #tpu.memory_space<hbm>>
      %dma_start3A_74 = arith.constant 0 : i32
      %dma_start3A_75 = tpu.memref_slice %arg4[%add3A_71, %dma_start3A_74] : memref<64000x128xf32, #tpu.memory_space<hbm>> -> memref<80x128xf32, #tpu.memory_space<hbm>>
      tpu.enqueue_dma source(%arg7 : memref<80x128xf32, #tpu.memory_space<vmem>>) target(%dma_start3A_75 : memref<80x128xf32, #tpu.memory_space<hbm>>) target_semaphore(%arg17 : memref<!tpu.dma_semaphore, #tpu.memory_space<semaphore_mem>>)
      %add3A_76 = arith.constant 2 : i32
      %add3A_77 = arith.addi %add3A_62, %add3A_76 : i32
      %lt3A_78 = arith.constant 25 : i32
      %lt3A_79 = arith.cmpi slt, %add3A_77, %lt3A_78 : i32
      %convert_element_type3A_80 = arith.extui %lt3A_79 : i1 to i32
      %cond3A_81 = arith.constant 0 : i32
      %cond3A_82 = arith.cmpi ne, %convert_element_type3A_80, %cond3A_81 : i32
      scf.if %cond3A_82 {
        %ge3A = arith.constant 5 : i32
        %ge3A_149 = arith.cmpi sge, %add3A_77, %ge3A : i32
        %convert_element_type3A_150 = arith.extui %ge3A_149 : i1 to i32
        %cond3A_151 = arith.constant 0 : i32
        %cond3A_152 = arith.cmpi ne, %convert_element_type3A_150, %cond3A_151 : i32
        scf.if %cond3A_152 {
          %dma_wait3A_159 = arith.constant 0 : i32
          %dma_wait3A_160 = tpu.memref_slice %arg4[%mul3A_2, %dma_wait3A_159] : memref<64000x128xf32, #tpu.memory_space<hbm>> -> memref<80x128xf32, #tpu.memory_space<hbm>>
          %dma_wait3A_161 = arith.constant 0 : i32
          %dma_wait3A_162 = tpu.memref_slice %arg4[%mul3A_2, %dma_wait3A_161] : memref<64000x128xf32, #tpu.memory_space<hbm>> -> memref<80x128xf32, #tpu.memory_space<hbm>>
          tpu.wait_dma2 semaphore(%arg19 : memref<!tpu.dma_semaphore, #tpu.memory_space<semaphore_mem>>) src(%arg9 : memref<80x128xf32, #tpu.memory_space<vmem>>) dst(%dma_wait3A_162 : memref<80x128xf32, #tpu.memory_space<hbm>>)
        } else {
        }
        %mul3A_153 = arith.constant 80 : i32
        %mul3A_154 = arith.muli %add3A_77, %mul3A_153 : i32
        %dma_start3A_155 = tpu.memref_slice %arg5[%mul3A_154] : memref<2000xi32, #tpu.memory_space<vmem>> -> memref<80xi32, #tpu.memory_space<vmem>>
        %dma_start3A_156 = arith.constant 0 : i32
        %dma_start3A_157 = arith.constant 0 : i32
        %dma_start3A_158 = tpu.memref_slice %arg2[%dma_start3A_156, %dma_start3A_157] : memref<10000x128xf32, #tpu.memory_space<hbm>> -> memref<10000x128xf32, #tpu.memory_space<hbm>>
        tpu.enqueue_indirect_dma source(%dma_start3A_158 : memref<10000x128xf32, #tpu.memory_space<hbm>>) target(%arg9 : memref<80x128xf32, #tpu.memory_space<vmem>>) offsets(%dma_start3A_155 : memref<80xi32, #tpu.memory_space<vmem>>) semaphore(%arg14 : memref<!tpu.dma_semaphore, #tpu.memory_space<semaphore_mem>>)
      } else {
      }
      %add3A_83 = arith.constant 2 : i32
      %add3A_84 = arith.addi %add3A_41, %add3A_83 : i32
      %mul3A_85 = arith.constant 80 : i32
      %mul3A_86 = arith.muli %add3A_84, %mul3A_85 : i32
      %dma_wait3A_87 = tpu.memref_slice %arg5[%mul3A_86] : memref<2000xi32, #tpu.memory_space<vmem>> -> memref<80xi32, #tpu.memory_space<vmem>>
      %dma_wait3A_88 = arith.constant 0 : i32
      %dma_wait3A_89 = arith.constant 0 : i32
      %dma_wait3A_90 = tpu.memref_slice %arg2[%dma_wait3A_88, %dma_wait3A_89] : memref<10000x128xf32, #tpu.memory_space<hbm>> -> memref<10000x128xf32, #tpu.memory_space<hbm>>
      tpu.wait_indirect_dma semaphore(%arg13 : memref<!tpu.dma_semaphore, #tpu.memory_space<semaphore_mem>>) src(%dma_wait3A_90 : memref<10000x128xf32, #tpu.memory_space<hbm>>) dst(%arg8 : memref<80x128xf32, #tpu.memory_space<vmem>>)
      %mul3A_91 = arith.constant 80 : i32
      %mul3A_92 = arith.muli %add3A_84, %mul3A_91 : i32
      %add3A_93 = arith.addi %mul3A_2, %mul3A_92 : i32
      %dma_start3A_94 = arith.constant 0 : i32
      %dma_start3A_95 = tpu.memref_slice %arg4[%add3A_93, %dma_start3A_94] : memref<64000x128xf32, #tpu.memory_space<hbm>> -> memref<80x128xf32, #tpu.memory_space<hbm>>
      %dma_start3A_96 = arith.constant 0 : i32
      %dma_start3A_97 = tpu.memref_slice %arg4[%add3A_93, %dma_start3A_96] : memref<64000x128xf32, #tpu.memory_space<hbm>> -> memref<80x128xf32, #tpu.memory_space<hbm>>
      tpu.enqueue_dma source(%arg8 : memref<80x128xf32, #tpu.memory_space<vmem>>) target(%dma_start3A_97 : memref<80x128xf32, #tpu.memory_space<hbm>>) target_semaphore(%arg18 : memref<!tpu.dma_semaphore, #tpu.memory_space<semaphore_mem>>)
      %add3A_98 = arith.constant 2 : i32
      %add3A_99 = arith.addi %add3A_84, %add3A_98 : i32
      %lt3A_100 = arith.constant 25 : i32
      %lt3A_101 = arith.cmpi slt, %add3A_99, %lt3A_100 : i32
      %convert_element_type3A_102 = arith.extui %lt3A_101 : i1 to i32
      %cond3A_103 = arith.constant 0 : i32
      %cond3A_104 = arith.cmpi ne, %convert_element_type3A_102, %cond3A_103 : i32
      scf.if %cond3A_104 {
        %ge3A = arith.constant 5 : i32
        %ge3A_149 = arith.cmpi sge, %add3A_99, %ge3A : i32
        %convert_element_type3A_150 = arith.extui %ge3A_149 : i1 to i32
        %cond3A_151 = arith.constant 0 : i32
        %cond3A_152 = arith.cmpi ne, %convert_element_type3A_150, %cond3A_151 : i32
        scf.if %cond3A_152 {
          %dma_wait3A_159 = arith.constant 0 : i32
          %dma_wait3A_160 = tpu.memref_slice %arg4[%mul3A_2, %dma_wait3A_159] : memref<64000x128xf32, #tpu.memory_space<hbm>> -> memref<80x128xf32, #tpu.memory_space<hbm>>
          %dma_wait3A_161 = arith.constant 0 : i32
          %dma_wait3A_162 = tpu.memref_slice %arg4[%mul3A_2, %dma_wait3A_161] : memref<64000x128xf32, #tpu.memory_space<hbm>> -> memref<80x128xf32, #tpu.memory_space<hbm>>
          tpu.wait_dma2 semaphore(%arg20 : memref<!tpu.dma_semaphore, #tpu.memory_space<semaphore_mem>>) src(%arg10 : memref<80x128xf32, #tpu.memory_space<vmem>>) dst(%dma_wait3A_162 : memref<80x128xf32, #tpu.memory_space<hbm>>)
        } else {
        }
        %mul3A_153 = arith.constant 80 : i32
        %mul3A_154 = arith.muli %add3A_99, %mul3A_153 : i32
        %dma_start3A_155 = tpu.memref_slice %arg5[%mul3A_154] : memref<2000xi32, #tpu.memory_space<vmem>> -> memref<80xi32, #tpu.memory_space<vmem>>
        %dma_start3A_156 = arith.constant 0 : i32
        %dma_start3A_157 = arith.constant 0 : i32
        %dma_start3A_158 = tpu.memref_slice %arg2[%dma_start3A_156, %dma_start3A_157] : memref<10000x128xf32, #tpu.memory_space<hbm>> -> memref<10000x128xf32, #tpu.memory_space<hbm>>
        tpu.enqueue_indirect_dma source(%dma_start3A_158 : memref<10000x128xf32, #tpu.memory_space<hbm>>) target(%arg10 : memref<80x128xf32, #tpu.memory_space<vmem>>) offsets(%dma_start3A_155 : memref<80xi32, #tpu.memory_space<vmem>>) semaphore(%arg15 : memref<!tpu.dma_semaphore, #tpu.memory_space<semaphore_mem>>)
      } else {
      }
      %add3A_105 = arith.constant 3 : i32
      %add3A_106 = arith.addi %add3A_41, %add3A_105 : i32
      %mul3A_107 = arith.constant 80 : i32
      %mul3A_108 = arith.muli %add3A_106, %mul3A_107 : i32
      %dma_wait3A_109 = tpu.memref_slice %arg5[%mul3A_108] : memref<2000xi32, #tpu.memory_space<vmem>> -> memref<80xi32, #tpu.memory_space<vmem>>
      %dma_wait3A_110 = arith.constant 0 : i32
      %dma_wait3A_111 = arith.constant 0 : i32
      %dma_wait3A_112 = tpu.memref_slice %arg2[%dma_wait3A_110, %dma_wait3A_111] : memref<10000x128xf32, #tpu.memory_space<hbm>> -> memref<10000x128xf32, #tpu.memory_space<hbm>>
      tpu.wait_indirect_dma semaphore(%arg14 : memref<!tpu.dma_semaphore, #tpu.memory_space<semaphore_mem>>) src(%dma_wait3A_112 : memref<10000x128xf32, #tpu.memory_space<hbm>>) dst(%arg9 : memref<80x128xf32, #tpu.memory_space<vmem>>)
      %mul3A_113 = arith.constant 80 : i32
      %mul3A_114 = arith.muli %add3A_106, %mul3A_113 : i32
      %add3A_115 = arith.addi %mul3A_2, %mul3A_114 : i32
      %dma_start3A_116 = arith.constant 0 : i32
      %dma_start3A_117 = tpu.memref_slice %arg4[%add3A_115, %dma_start3A_116] : memref<64000x128xf32, #tpu.memory_space<hbm>> -> memref<80x128xf32, #tpu.memory_space<hbm>>
      %dma_start3A_118 = arith.constant 0 : i32
      %dma_start3A_119 = tpu.memref_slice %arg4[%add3A_115, %dma_start3A_118] : memref<64000x128xf32, #tpu.memory_space<hbm>> -> memref<80x128xf32, #tpu.memory_space<hbm>>
      tpu.enqueue_dma source(%arg9 : memref<80x128xf32, #tpu.memory_space<vmem>>) target(%dma_start3A_119 : memref<80x128xf32, #tpu.memory_space<hbm>>) target_semaphore(%arg19 : memref<!tpu.dma_semaphore, #tpu.memory_space<semaphore_mem>>)
      %add3A_120 = arith.constant 2 : i32
      %add3A_121 = arith.addi %add3A_106, %add3A_120 : i32
      %lt3A_122 = arith.constant 25 : i32
      %lt3A_123 = arith.cmpi slt, %add3A_121, %lt3A_122 : i32
      %convert_element_type3A_124 = arith.extui %lt3A_123 : i1 to i32
      %cond3A_125 = arith.constant 0 : i32
      %cond3A_126 = arith.cmpi ne, %convert_element_type3A_124, %cond3A_125 : i32
      scf.if %cond3A_126 {
        %ge3A = arith.constant 5 : i32
        %ge3A_149 = arith.cmpi sge, %add3A_121, %ge3A : i32
        %convert_element_type3A_150 = arith.extui %ge3A_149 : i1 to i32
        %cond3A_151 = arith.constant 0 : i32
        %cond3A_152 = arith.cmpi ne, %convert_element_type3A_150, %cond3A_151 : i32
        scf.if %cond3A_152 {
          %dma_wait3A_159 = arith.constant 0 : i32
          %dma_wait3A_160 = tpu.memref_slice %arg4[%mul3A_2, %dma_wait3A_159] : memref<64000x128xf32, #tpu.memory_space<hbm>> -> memref<80x128xf32, #tpu.memory_space<hbm>>
          %dma_wait3A_161 = arith.constant 0 : i32
          %dma_wait3A_162 = tpu.memref_slice %arg4[%mul3A_2, %dma_wait3A_161] : memref<64000x128xf32, #tpu.memory_space<hbm>> -> memref<80x128xf32, #tpu.memory_space<hbm>>
          tpu.wait_dma2 semaphore(%arg16 : memref<!tpu.dma_semaphore, #tpu.memory_space<semaphore_mem>>) src(%arg6 : memref<80x128xf32, #tpu.memory_space<vmem>>) dst(%dma_wait3A_162 : memref<80x128xf32, #tpu.memory_space<hbm>>)
        } else {
        }
        %mul3A_153 = arith.constant 80 : i32
        %mul3A_154 = arith.muli %add3A_121, %mul3A_153 : i32
        %dma_start3A_155 = tpu.memref_slice %arg5[%mul3A_154] : memref<2000xi32, #tpu.memory_space<vmem>> -> memref<80xi32, #tpu.memory_space<vmem>>
        %dma_start3A_156 = arith.constant 0 : i32
        %dma_start3A_157 = arith.constant 0 : i32
        %dma_start3A_158 = tpu.memref_slice %arg2[%dma_start3A_156, %dma_start3A_157] : memref<10000x128xf32, #tpu.memory_space<hbm>> -> memref<10000x128xf32, #tpu.memory_space<hbm>>
        tpu.enqueue_indirect_dma source(%dma_start3A_158 : memref<10000x128xf32, #tpu.memory_space<hbm>>) target(%arg6 : memref<80x128xf32, #tpu.memory_space<vmem>>) offsets(%dma_start3A_155 : memref<80xi32, #tpu.memory_space<vmem>>) semaphore(%arg11 : memref<!tpu.dma_semaphore, #tpu.memory_space<semaphore_mem>>)
      } else {
      }
      %add3A_127 = arith.constant 4 : i32
      %add3A_128 = arith.addi %add3A_41, %add3A_127 : i32
      %mul3A_129 = arith.constant 80 : i32
      %mul3A_130 = arith.muli %add3A_128, %mul3A_129 : i32
      %dma_wait3A_131 = tpu.memref_slice %arg5[%mul3A_130] : memref<2000xi32, #tpu.memory_space<vmem>> -> memref<80xi32, #tpu.memory_space<vmem>>
      %dma_wait3A_132 = arith.constant 0 : i32
      %dma_wait3A_133 = arith.constant 0 : i32
      %dma_wait3A_134 = tpu.memref_slice %arg2[%dma_wait3A_132, %dma_wait3A_133] : memref<10000x128xf32, #tpu.memory_space<hbm>> -> memref<10000x128xf32, #tpu.memory_space<hbm>>
      tpu.wait_indirect_dma semaphore(%arg15 : memref<!tpu.dma_semaphore, #tpu.memory_space<semaphore_mem>>) src(%dma_wait3A_134 : memref<10000x128xf32, #tpu.memory_space<hbm>>) dst(%arg10 : memref<80x128xf32, #tpu.memory_space<vmem>>)
      %mul3A_135 = arith.constant 80 : i32
      %mul3A_136 = arith.muli %add3A_128, %mul3A_135 : i32
      %add3A_137 = arith.addi %mul3A_2, %mul3A_136 : i32
      %dma_start3A_138 = arith.constant 0 : i32
      %dma_start3A_139 = tpu.memref_slice %arg4[%add3A_137, %dma_start3A_138] : memref<64000x128xf32, #tpu.memory_space<hbm>> -> memref<80x128xf32, #tpu.memory_space<hbm>>
      %dma_start3A_140 = arith.constant 0 : i32
      %dma_start3A_141 = tpu.memref_slice %arg4[%add3A_137, %dma_start3A_140] : memref<64000x128xf32, #tpu.memory_space<hbm>> -> memref<80x128xf32, #tpu.memory_space<hbm>>
      tpu.enqueue_dma source(%arg10 : memref<80x128xf32, #tpu.memory_space<vmem>>) target(%dma_start3A_141 : memref<80x128xf32, #tpu.memory_space<hbm>>) target_semaphore(%arg20 : memref<!tpu.dma_semaphore, #tpu.memory_space<semaphore_mem>>)
      %add3A_142 = arith.constant 2 : i32
      %add3A_143 = arith.addi %add3A_128, %add3A_142 : i32
      %lt3A_144 = arith.constant 25 : i32
      %lt3A_145 = arith.cmpi slt, %add3A_143, %lt3A_144 : i32
      %convert_element_type3A_146 = arith.extui %lt3A_145 : i1 to i32
      %cond3A_147 = arith.constant 0 : i32
      %cond3A_148 = arith.cmpi ne, %convert_element_type3A_146, %cond3A_147 : i32
      scf.if %cond3A_148 {
        %ge3A = arith.constant 5 : i32
        %ge3A_149 = arith.cmpi sge, %add3A_143, %ge3A : i32
        %convert_element_type3A_150 = arith.extui %ge3A_149 : i1 to i32
        %cond3A_151 = arith.constant 0 : i32
        %cond3A_152 = arith.cmpi ne, %convert_element_type3A_150, %cond3A_151 : i32
        scf.if %cond3A_152 {
          %dma_wait3A_159 = arith.constant 0 : i32
          %dma_wait3A_160 = tpu.memref_slice %arg4[%mul3A_2, %dma_wait3A_159] : memref<64000x128xf32, #tpu.memory_space<hbm>> -> memref<80x128xf32, #tpu.memory_space<hbm>>
          %dma_wait3A_161 = arith.constant 0 : i32
          %dma_wait3A_162 = tpu.memref_slice %arg4[%mul3A_2, %dma_wait3A_161] : memref<64000x128xf32, #tpu.memory_space<hbm>> -> memref<80x128xf32, #tpu.memory_space<hbm>>
          tpu.wait_dma2 semaphore(%arg17 : memref<!tpu.dma_semaphore, #tpu.memory_space<semaphore_mem>>) src(%arg7 : memref<80x128xf32, #tpu.memory_space<vmem>>) dst(%dma_wait3A_162 : memref<80x128xf32, #tpu.memory_space<hbm>>)
        } else {
        }
        %mul3A_153 = arith.constant 80 : i32
        %mul3A_154 = arith.muli %add3A_143, %mul3A_153 : i32
        %dma_start3A_155 = tpu.memref_slice %arg5[%mul3A_154] : memref<2000xi32, #tpu.memory_space<vmem>> -> memref<80xi32, #tpu.memory_space<vmem>>
        %dma_start3A_156 = arith.constant 0 : i32
        %dma_start3A_157 = arith.constant 0 : i32
        %dma_start3A_158 = tpu.memref_slice %arg2[%dma_start3A_156, %dma_start3A_157] : memref<10000x128xf32, #tpu.memory_space<hbm>> -> memref<10000x128xf32, #tpu.memory_space<hbm>>
        tpu.enqueue_indirect_dma source(%dma_start3A_158 : memref<10000x128xf32, #tpu.memory_space<hbm>>) target(%arg7 : memref<80x128xf32, #tpu.memory_space<vmem>>) offsets(%dma_start3A_155 : memref<80xi32, #tpu.memory_space<vmem>>) semaphore(%arg12 : memref<!tpu.dma_semaphore, #tpu.memory_space<semaphore_mem>>)
      } else {
      }
    }
    %scan3A_17 = arith.constant 5 : i32
    %dma_wait3A = arith.constant 0 : i32
    %dma_wait3A_18 = tpu.memref_slice %arg4[%mul3A_2, %dma_wait3A] : memref<64000x128xf32, #tpu.memory_space<hbm>> -> memref<80x128xf32, #tpu.memory_space<hbm>>
    %dma_wait3A_19 = arith.constant 0 : i32
    %dma_wait3A_20 = tpu.memref_slice %arg4[%mul3A_2, %dma_wait3A_19] : memref<64000x128xf32, #tpu.memory_space<hbm>> -> memref<80x128xf32, #tpu.memory_space<hbm>>
    tpu.wait_dma2 semaphore(%arg16 : memref<!tpu.dma_semaphore, #tpu.memory_space<semaphore_mem>>) src(%arg6 : memref<80x128xf32, #tpu.memory_space<vmem>>) dst(%dma_wait3A_20 : memref<80x128xf32, #tpu.memory_space<hbm>>)
    %dma_wait3A_21 = arith.constant 0 : i32
    %dma_wait3A_22 = tpu.memref_slice %arg4[%mul3A_2, %dma_wait3A_21] : memref<64000x128xf32, #tpu.memory_space<hbm>> -> memref<80x128xf32, #tpu.memory_space<hbm>>
    %dma_wait3A_23 = arith.constant 0 : i32
    %dma_wait3A_24 = tpu.memref_slice %arg4[%mul3A_2, %dma_wait3A_23] : memref<64000x128xf32, #tpu.memory_space<hbm>> -> memref<80x128xf32, #tpu.memory_space<hbm>>
    tpu.wait_dma2 semaphore(%arg17 : memref<!tpu.dma_semaphore, #tpu.memory_space<semaphore_mem>>) src(%arg7 : memref<80x128xf32, #tpu.memory_space<vmem>>) dst(%dma_wait3A_24 : memref<80x128xf32, #tpu.memory_space<hbm>>)
    %dma_wait3A_25 = arith.constant 0 : i32
    %dma_wait3A_26 = tpu.memref_slice %arg4[%mul3A_2, %dma_wait3A_25] : memref<64000x128xf32, #tpu.memory_space<hbm>> -> memref<80x128xf32, #tpu.memory_space<hbm>>
    %dma_wait3A_27 = arith.constant 0 : i32
    %dma_wait3A_28 = tpu.memref_slice %arg4[%mul3A_2, %dma_wait3A_27] : memref<64000x128xf32, #tpu.memory_space<hbm>> -> memref<80x128xf32, #tpu.memory_space<hbm>>
    tpu.wait_dma2 semaphore(%arg18 : memref<!tpu.dma_semaphore, #tpu.memory_space<semaphore_mem>>) src(%arg8 : memref<80x128xf32, #tpu.memory_space<vmem>>) dst(%dma_wait3A_28 : memref<80x128xf32, #tpu.memory_space<hbm>>)
    %dma_wait3A_29 = arith.constant 0 : i32
    %dma_wait3A_30 = tpu.memref_slice %arg4[%mul3A_2, %dma_wait3A_29] : memref<64000x128xf32, #tpu.memory_space<hbm>> -> memref<80x128xf32, #tpu.memory_space<hbm>>
    %dma_wait3A_31 = arith.constant 0 : i32
    %dma_wait3A_32 = tpu.memref_slice %arg4[%mul3A_2, %dma_wait3A_31] : memref<64000x128xf32, #tpu.memory_space<hbm>> -> memref<80x128xf32, #tpu.memory_space<hbm>>
    tpu.wait_dma2 semaphore(%arg19 : memref<!tpu.dma_semaphore, #tpu.memory_space<semaphore_mem>>) src(%arg9 : memref<80x128xf32, #tpu.memory_space<vmem>>) dst(%dma_wait3A_32 : memref<80x128xf32, #tpu.memory_space<hbm>>)
    %dma_wait3A_33 = arith.constant 0 : i32
    %dma_wait3A_34 = tpu.memref_slice %arg4[%mul3A_2, %dma_wait3A_33] : memref<64000x128xf32, #tpu.memory_space<hbm>> -> memref<80x128xf32, #tpu.memory_space<hbm>>
    %dma_wait3A_35 = arith.constant 0 : i32
    %dma_wait3A_36 = tpu.memref_slice %arg4[%mul3A_2, %dma_wait3A_35] : memref<64000x128xf32, #tpu.memory_space<hbm>> -> memref<80x128xf32, #tpu.memory_space<hbm>>
    tpu.wait_dma2 semaphore(%arg20 : memref<!tpu.dma_semaphore, #tpu.memory_space<semaphore_mem>>) src(%arg10 : memref<80x128xf32, #tpu.memory_space<vmem>>) dst(%dma_wait3A_36 : memref<80x128xf32, #tpu.memory_space<hbm>>)
    return
  }
}

module attributes {stable_mosaic.version = 14 : i64} {
  func.func @_vtab_body(%arg0: i32, %arg1: memref<2000x128xf32, #tpu.memory_space<vmem>>, %arg2: memref<128x128xf32, #tpu.memory_space<vmem>>, %arg3: memref<128x128xf32, #tpu.memory_space<vmem>>, %arg4: memref<1x128xf32, #tpu.memory_space<vmem>>, %arg5: memref<2000x128xf32, #tpu.memory_space<vmem>>) attributes {dimension_semantics = [#tpu.dimension_semantics<arbitrary>], iteration_bounds = array<i64: 5>, scalar_prefetch = 0 : i64, scratch_operands = 0 : i64, tpu.core_type = #tpu.core_type<tc>, window_params = [{transform_indices = @transform_0, window_bounds = array<i64: 2000, 128>}, {pipeline_mode = #tpu.pipeline_mode<synchronous>, transform_indices = @transform_1, window_bounds = array<i64: 128, 128>}, {pipeline_mode = #tpu.pipeline_mode<synchronous>, transform_indices = @transform_2, window_bounds = array<i64: 128, 128>}, {pipeline_mode = #tpu.pipeline_mode<synchronous>, transform_indices = @transform_3, window_bounds = array<i64: 1, 128>}, {transform_indices = @transform_4, window_bounds = array<i64: 2000, 128>}]} {
    %get3A = arith.constant 0 : index
    %get3A_0 = arith.constant 0 : index
    %get3A_1 = vector.load %arg2[%get3A, %get3A_0] : memref<128x128xf32, #tpu.memory_space<vmem>>, vector<128x128xf32>
    %get3A_2 = arith.constant 0 : index
    %get3A_3 = arith.constant 0 : index
    %get3A_4 = vector.load %arg3[%get3A_2, %get3A_3] : memref<128x128xf32, #tpu.memory_space<vmem>>, vector<128x128xf32>
    %add3A = arith.addf %get3A_1, %get3A_4 : vector<128x128xf32>
    %convert_element_type3A = arith.truncf %add3A : vector<128x128xf32> to vector<128x128xbf16>
    %get3A_5 = arith.constant 0 : index
    %get3A_6 = arith.constant 0 : index
    %get3A_7 = vector.load %arg1[%get3A_5, %get3A_6] : memref<2000x128xf32, #tpu.memory_space<vmem>>, vector<2000x128xf32>
    %convert_element_type3A_8 = arith.truncf %get3A_7 : vector<2000x128xf32> to vector<2000x128xbf16>
    %dot_general3A = arith.constant dense<0.000000e+00> : vector<2000x128xf32>
    %dot_general3A_9 = tpu.matmul %convert_element_type3A_8, %convert_element_type3A, %dot_general3A {dimension_numbers = #tpu.dot_dimension_numbers<[1], [0], [0], [1], [0, 0, 1, 1], [], []>, transpose_lhs_hint = false} : vector<2000x128xbf16>, vector<128x128xbf16>, vector<2000x128xf32> -> vector<2000x128xf32>
    %get3A_10 = arith.constant 0 : index
    %get3A_11 = arith.constant 0 : index
    %get3A_12 = vector.load %arg4[%get3A_10, %get3A_11] : memref<1x128xf32, #tpu.memory_space<vmem>>, vector<1x128xf32>
    %add3A_13 = vector.broadcast %get3A_12 : vector<1x128xf32> to vector<2000x128xf32>
    %add3A_14 = arith.addf %dot_general3A_9, %add3A_13 : vector<2000x128xf32>
    %swap3A = arith.constant 0 : index
    %swap3A_15 = arith.constant 0 : index
    %swap3A_16 = vector.load %arg5[%swap3A, %swap3A_15] : memref<2000x128xf32, #tpu.memory_space<vmem>>, vector<2000x128xf32>
    tpu.vector_store %arg5[%swap3A, %swap3A_15], %add3A_14 {strides = array<i32>} : memref<2000x128xf32, #tpu.memory_space<vmem>>, vector<2000x128xf32>,
    return
  }
  func.func @transform_0(%arg0: i32) -> (i32, i32) {
    %c0_i32 = arith.constant 0 : i32
    %c0_i32_0 = arith.constant 0 : i32
    return %arg0, %c0_i32 : i32, i32
  }
  func.func @transform_1(%arg0: i32) -> (i32, i32) {
    %c0_i32 = arith.constant 0 : i32
    %c0_i32_0 = arith.constant 0 : i32
    %c0_i32_1 = arith.constant 0 : i32
    return %c0_i32, %c0_i32_0 : i32, i32
  }
  func.func @transform_2(%arg0: i32) -> (i32, i32) {
    %c0_i32 = arith.constant 0 : i32
    %c0_i32_0 = arith.constant 0 : i32
    %c0_i32_1 = arith.constant 0 : i32
    return %c0_i32, %c0_i32_0 : i32, i32
  }
  func.func @transform_3(%arg0: i32) -> (i32, i32) {
    %c0_i32 = arith.constant 0 : i32
    %c0_i32_0 = arith.constant 0 : i32
    %c0_i32_1 = arith.constant 0 : i32
    return %c0_i32, %c0_i32_0 : i32, i32
  }
  func.func @transform_4(%arg0: i32) -> (i32, i32) {
    %c0_i32 = arith.constant 0 : i32
    %c0_i32_0 = arith.constant 0 : i32
    return %arg0, %c0_i32 : i32, i32
  }
}

module attributes {stable_mosaic.version = 14 : i64} {
  func.func @_combine_body(%arg0: i32, %arg1: memref<6400x128xf32, #tpu.memory_space<vmem>>, %arg2: memref<6400x16xf32, #tpu.memory_space<vmem>>, %arg3: memref<16x128xf32, #tpu.memory_space<vmem>>, %arg4: memref<6400x128xf32, #tpu.memory_space<vmem>>) attributes {dimension_semantics = [#tpu.dimension_semantics<arbitrary>], iteration_bounds = array<i64: 10>, scalar_prefetch = 0 : i64, scratch_operands = 0 : i64, tpu.core_type = #tpu.core_type<tc>, window_params = [{transform_indices = @transform_0, window_bounds = array<i64: 6400, 128>}, {transform_indices = @transform_1, window_bounds = array<i64: 6400, 16>}, {pipeline_mode = #tpu.pipeline_mode<synchronous>, transform_indices = @transform_2, window_bounds = array<i64: 16, 128>}, {transform_indices = @transform_3, window_bounds = array<i64: 6400, 128>}]} {
    %get3A = arith.constant 0 : index
    %get3A_0 = arith.constant 0 : index
    %get3A_1 = vector.load %arg1[%get3A, %get3A_0] : memref<6400x128xf32, #tpu.memory_space<vmem>>, vector<6400x128xf32>
    %get3A_2 = arith.constant 0 : index
    %get3A_3 = arith.constant 0 : index
    %get3A_4 = vector.load %arg2[%get3A_2, %get3A_3] : memref<6400x16xf32, #tpu.memory_space<vmem>>, vector<6400x16xf32>
    %convert_element_type3A = arith.truncf %get3A_4 : vector<6400x16xf32> to vector<6400x16xbf16>
    %get3A_5 = arith.constant 0 : index
    %get3A_6 = arith.constant 0 : index
    %get3A_7 = vector.load %arg3[%get3A_5, %get3A_6] : memref<16x128xf32, #tpu.memory_space<vmem>>, vector<16x128xf32>
    %convert_element_type3A_8 = arith.truncf %get3A_7 : vector<16x128xf32> to vector<16x128xbf16>
    %dot_general3A = arith.constant dense<0.000000e+00> : vector<6400x128xf32>
    %dot_general3A_9 = tpu.matmul %convert_element_type3A, %convert_element_type3A_8, %dot_general3A {dimension_numbers = #tpu.dot_dimension_numbers<[1], [0], [0], [1], [0, 0, 1, 1], [], []>, transpose_lhs_hint = false} : vector<6400x16xbf16>, vector<16x128xbf16>, vector<6400x128xf32> -> vector<6400x128xf32>
    %add3A = arith.addf %get3A_1, %dot_general3A_9 : vector<6400x128xf32>
    %swap3A = arith.constant 0 : index
    %swap3A_10 = arith.constant 0 : index
    %swap3A_11 = vector.load %arg4[%swap3A, %swap3A_10] : memref<6400x128xf32, #tpu.memory_space<vmem>>, vector<6400x128xf32>
    tpu.vector_store %arg4[%swap3A, %swap3A_10], %add3A {strides = array<i32>} : memref<6400x128xf32, #tpu.memory_space<vmem>>, vector<6400x128xf32>,
    return
  }
  func.func @transform_0(%arg0: i32) -> (i32, i32) {
    %c0_i32 = arith.constant 0 : i32
    %c0_i32_0 = arith.constant 0 : i32
    return %arg0, %c0_i32 : i32, i32
  }
  func.func @transform_1(%arg0: i32) -> (i32, i32) {
    %add3A = arith.constant 0 : i32
    %add3A_0 = arith.addi %add3A, %arg0 : i32
    %c0_i32 = arith.constant 0 : i32
    %c0_i32_1 = arith.constant 0 : i32
    return %add3A_0, %c0_i32 : i32, i32
  }
  func.func @transform_2(%arg0: i32) -> (i32, i32) {
    %c0_i32 = arith.constant 0 : i32
    %c0_i32_0 = arith.constant 0 : i32
    %c0_i32_1 = arith.constant 0 : i32
    return %c0_i32, %c0_i32_0 : i32, i32
  }
  func.func @transform_3(%arg0: i32) -> (i32, i32) {
    %add3A = arith.constant 0 : i32
    %add3A_0 = arith.addi %add3A, %arg0 : i32
    %c0_i32 = arith.constant 0 : i32
    %c0_i32_1 = arith.constant 0 : i32
    return %add3A_0, %c0_i32 : i32, i32
  }
}

module attributes {stable_mosaic.version = 14 : i64} {
  func.func @_combine_alias_body(%arg0: i32, %arg1: memref<320000x128xf32, #tpu.memory_space<any>>, %arg2: memref<6400x128xf32, #tpu.memory_space<vmem>>, %arg3: memref<6400x16xf32, #tpu.memory_space<vmem>>, %arg4: memref<16x128xf32, #tpu.memory_space<vmem>>, %arg5: memref<6400x128xf32, #tpu.memory_space<vmem>>) attributes {dimension_semantics = [#tpu.dimension_semantics<arbitrary>], iteration_bounds = array<i64: 10>, scalar_prefetch = 0 : i64, scratch_operands = 0 : i64, tpu.core_type = #tpu.core_type<tc>, window_params = [{}, {transform_indices = @transform_1, window_bounds = array<i64: 6400, 128>}, {transform_indices = @transform_2, window_bounds = array<i64: 6400, 16>}, {pipeline_mode = #tpu.pipeline_mode<synchronous>, transform_indices = @transform_3, window_bounds = array<i64: 16, 128>}, {transform_indices = @transform_4, window_bounds = array<i64: 6400, 128>}]} {
    %get3A = arith.constant 0 : index
    %get3A_0 = arith.constant 0 : index
    %get3A_1 = vector.load %arg2[%get3A, %get3A_0] : memref<6400x128xf32, #tpu.memory_space<vmem>>, vector<6400x128xf32>
    %get3A_2 = arith.constant 0 : index
    %get3A_3 = arith.constant 0 : index
    %get3A_4 = vector.load %arg3[%get3A_2, %get3A_3] : memref<6400x16xf32, #tpu.memory_space<vmem>>, vector<6400x16xf32>
    %convert_element_type3A = arith.truncf %get3A_4 : vector<6400x16xf32> to vector<6400x16xbf16>
    %get3A_5 = arith.constant 0 : index
    %get3A_6 = arith.constant 0 : index
    %get3A_7 = vector.load %arg4[%get3A_5, %get3A_6] : memref<16x128xf32, #tpu.memory_space<vmem>>, vector<16x128xf32>
    %convert_element_type3A_8 = arith.truncf %get3A_7 : vector<16x128xf32> to vector<16x128xbf16>
    %dot_general3A = arith.constant dense<0.000000e+00> : vector<6400x128xf32>
    %dot_general3A_9 = tpu.matmul %convert_element_type3A, %convert_element_type3A_8, %dot_general3A {dimension_numbers = #tpu.dot_dimension_numbers<[1], [0], [0], [1], [0, 0, 1, 1], [], []>, transpose_lhs_hint = false} : vector<6400x16xbf16>, vector<16x128xbf16>, vector<6400x128xf32> -> vector<6400x128xf32>
    %add3A = arith.addf %get3A_1, %dot_general3A_9 : vector<6400x128xf32>
    %swap3A = arith.constant 0 : index
    %swap3A_10 = arith.constant 0 : index
    %swap3A_11 = vector.load %arg5[%swap3A, %swap3A_10] : memref<6400x128xf32, #tpu.memory_space<vmem>>, vector<6400x128xf32>
    tpu.vector_store %arg5[%swap3A, %swap3A_10], %add3A {strides = array<i32>} : memref<6400x128xf32, #tpu.memory_space<vmem>>, vector<6400x128xf32>,
    return
  }
  func.func @transform_1(%arg0: i32) -> (i32, i32) {
    %c0_i32 = arith.constant 0 : i32
    %c0_i32_0 = arith.constant 0 : i32
    return %arg0, %c0_i32 : i32, i32
  }
  func.func @transform_2(%arg0: i32) -> (i32, i32) {
    %add3A = arith.constant 10 : i32
    %add3A_0 = arith.addi %add3A, %arg0 : i32
    %c0_i32 = arith.constant 0 : i32
    %c0_i32_1 = arith.constant 0 : i32
    return %add3A_0, %c0_i32 : i32, i32
  }
  func.func @transform_3(%arg0: i32) -> (i32, i32) {
    %c0_i32 = arith.constant 0 : i32
    %c0_i32_0 = arith.constant 0 : i32
    %c0_i32_1 = arith.constant 0 : i32
    return %c0_i32, %c0_i32_0 : i32, i32
  }
  func.func @transform_4(%arg0: i32) -> (i32, i32) {
    %add3A = arith.constant 10 : i32
    %add3A_0 = arith.addi %add3A, %arg0 : i32
    %c0_i32 = arith.constant 0 : i32
    %c0_i32_1 = arith.constant 0 : i32
    return %add3A_0, %c0_i32 : i32, i32
  }
}

module attributes {stable_mosaic.version = 14 : i64} {
  func.func @_combine_alias_body(%arg0: i32, %arg1: memref<320000x128xf32, #tpu.memory_space<any>>, %arg2: memref<6400x128xf32, #tpu.memory_space<vmem>>, %arg3: memref<6400x16xf32, #tpu.memory_space<vmem>>, %arg4: memref<16x128xf32, #tpu.memory_space<vmem>>, %arg5: memref<6400x128xf32, #tpu.memory_space<vmem>>) attributes {dimension_semantics = [#tpu.dimension_semantics<arbitrary>], iteration_bounds = array<i64: 10>, scalar_prefetch = 0 : i64, scratch_operands = 0 : i64, tpu.core_type = #tpu.core_type<tc>, window_params = [{}, {transform_indices = @transform_1, window_bounds = array<i64: 6400, 128>}, {transform_indices = @transform_2, window_bounds = array<i64: 6400, 16>}, {pipeline_mode = #tpu.pipeline_mode<synchronous>, transform_indices = @transform_3, window_bounds = array<i64: 16, 128>}, {transform_indices = @transform_4, window_bounds = array<i64: 6400, 128>}]} {
    %get3A = arith.constant 0 : index
    %get3A_0 = arith.constant 0 : index
    %get3A_1 = vector.load %arg2[%get3A, %get3A_0] : memref<6400x128xf32, #tpu.memory_space<vmem>>, vector<6400x128xf32>
    %get3A_2 = arith.constant 0 : index
    %get3A_3 = arith.constant 0 : index
    %get3A_4 = vector.load %arg3[%get3A_2, %get3A_3] : memref<6400x16xf32, #tpu.memory_space<vmem>>, vector<6400x16xf32>
    %convert_element_type3A = arith.truncf %get3A_4 : vector<6400x16xf32> to vector<6400x16xbf16>
    %get3A_5 = arith.constant 0 : index
    %get3A_6 = arith.constant 0 : index
    %get3A_7 = vector.load %arg4[%get3A_5, %get3A_6] : memref<16x128xf32, #tpu.memory_space<vmem>>, vector<16x128xf32>
    %convert_element_type3A_8 = arith.truncf %get3A_7 : vector<16x128xf32> to vector<16x128xbf16>
    %dot_general3A = arith.constant dense<0.000000e+00> : vector<6400x128xf32>
    %dot_general3A_9 = tpu.matmul %convert_element_type3A, %convert_element_type3A_8, %dot_general3A {dimension_numbers = #tpu.dot_dimension_numbers<[1], [0], [0], [1], [0, 0, 1, 1], [], []>, transpose_lhs_hint = false} : vector<6400x16xbf16>, vector<16x128xbf16>, vector<6400x128xf32> -> vector<6400x128xf32>
    %add3A = arith.addf %get3A_1, %dot_general3A_9 : vector<6400x128xf32>
    %swap3A = arith.constant 0 : index
    %swap3A_10 = arith.constant 0 : index
    %swap3A_11 = vector.load %arg5[%swap3A, %swap3A_10] : memref<6400x128xf32, #tpu.memory_space<vmem>>, vector<6400x128xf32>
    tpu.vector_store %arg5[%swap3A, %swap3A_10], %add3A {strides = array<i32>} : memref<6400x128xf32, #tpu.memory_space<vmem>>, vector<6400x128xf32>,
    return
  }
  func.func @transform_1(%arg0: i32) -> (i32, i32) {
    %c0_i32 = arith.constant 0 : i32
    %c0_i32_0 = arith.constant 0 : i32
    return %arg0, %c0_i32 : i32, i32
  }
  func.func @transform_2(%arg0: i32) -> (i32, i32) {
    %add3A = arith.constant 20 : i32
    %add3A_0 = arith.addi %add3A, %arg0 : i32
    %c0_i32 = arith.constant 0 : i32
    %c0_i32_1 = arith.constant 0 : i32
    return %add3A_0, %c0_i32 : i32, i32
  }
  func.func @transform_3(%arg0: i32) -> (i32, i32) {
    %c0_i32 = arith.constant 0 : i32
    %c0_i32_0 = arith.constant 0 : i32
    %c0_i32_1 = arith.constant 0 : i32
    return %c0_i32, %c0_i32_0 : i32, i32
  }
  func.func @transform_4(%arg0: i32) -> (i32, i32) {
    %add3A = arith.constant 20 : i32
    %add3A_0 = arith.addi %add3A, %arg0 : i32
    %c0_i32 = arith.constant 0 : i32
    %c0_i32_1 = arith.constant 0 : i32
    return %add3A_0, %c0_i32 : i32, i32
  }
}

module attributes {stable_mosaic.version = 14 : i64} {
  func.func @_combine_alias_body(%arg0: i32, %arg1: memref<320000x128xf32, #tpu.memory_space<any>>, %arg2: memref<6400x128xf32, #tpu.memory_space<vmem>>, %arg3: memref<6400x16xf32, #tpu.memory_space<vmem>>, %arg4: memref<16x128xf32, #tpu.memory_space<vmem>>, %arg5: memref<6400x128xf32, #tpu.memory_space<vmem>>) attributes {dimension_semantics = [#tpu.dimension_semantics<arbitrary>], iteration_bounds = array<i64: 10>, scalar_prefetch = 0 : i64, scratch_operands = 0 : i64, tpu.core_type = #tpu.core_type<tc>, window_params = [{}, {transform_indices = @transform_1, window_bounds = array<i64: 6400, 128>}, {transform_indices = @transform_2, window_bounds = array<i64: 6400, 16>}, {pipeline_mode = #tpu.pipeline_mode<synchronous>, transform_indices = @transform_3, window_bounds = array<i64: 16, 128>}, {transform_indices = @transform_4, window_bounds = array<i64: 6400, 128>}]} {
    %get3A = arith.constant 0 : index
    %get3A_0 = arith.constant 0 : index
    %get3A_1 = vector.load %arg2[%get3A, %get3A_0] : memref<6400x128xf32, #tpu.memory_space<vmem>>, vector<6400x128xf32>
    %get3A_2 = arith.constant 0 : index
    %get3A_3 = arith.constant 0 : index
    %get3A_4 = vector.load %arg3[%get3A_2, %get3A_3] : memref<6400x16xf32, #tpu.memory_space<vmem>>, vector<6400x16xf32>
    %convert_element_type3A = arith.truncf %get3A_4 : vector<6400x16xf32> to vector<6400x16xbf16>
    %get3A_5 = arith.constant 0 : index
    %get3A_6 = arith.constant 0 : index
    %get3A_7 = vector.load %arg4[%get3A_5, %get3A_6] : memref<16x128xf32, #tpu.memory_space<vmem>>, vector<16x128xf32>
    %convert_element_type3A_8 = arith.truncf %get3A_7 : vector<16x128xf32> to vector<16x128xbf16>
    %dot_general3A = arith.constant dense<0.000000e+00> : vector<6400x128xf32>
    %dot_general3A_9 = tpu.matmul %convert_element_type3A, %convert_element_type3A_8, %dot_general3A {dimension_numbers = #tpu.dot_dimension_numbers<[1], [0], [0], [1], [0, 0, 1, 1], [], []>, transpose_lhs_hint = false} : vector<6400x16xbf16>, vector<16x128xbf16>, vector<6400x128xf32> -> vector<6400x128xf32>
    %add3A = arith.addf %get3A_1, %dot_general3A_9 : vector<6400x128xf32>
    %swap3A = arith.constant 0 : index
    %swap3A_10 = arith.constant 0 : index
    %swap3A_11 = vector.load %arg5[%swap3A, %swap3A_10] : memref<6400x128xf32, #tpu.memory_space<vmem>>, vector<6400x128xf32>
    tpu.vector_store %arg5[%swap3A, %swap3A_10], %add3A {strides = array<i32>} : memref<6400x128xf32, #tpu.memory_space<vmem>>, vector<6400x128xf32>,
    return
  }
  func.func @transform_1(%arg0: i32) -> (i32, i32) {
    %c0_i32 = arith.constant 0 : i32
    %c0_i32_0 = arith.constant 0 : i32
    return %arg0, %c0_i32 : i32, i32
  }
  func.func @transform_2(%arg0: i32) -> (i32, i32) {
    %add3A = arith.constant 30 : i32
    %add3A_0 = arith.addi %add3A, %arg0 : i32
    %c0_i32 = arith.constant 0 : i32
    %c0_i32_1 = arith.constant 0 : i32
    return %add3A_0, %c0_i32 : i32, i32
  }
  func.func @transform_3(%arg0: i32) -> (i32, i32) {
    %c0_i32 = arith.constant 0 : i32
    %c0_i32_0 = arith.constant 0 : i32
    %c0_i32_1 = arith.constant 0 : i32
    return %c0_i32, %c0_i32_0 : i32, i32
  }
  func.func @transform_4(%arg0: i32) -> (i32, i32) {
    %add3A = arith.constant 30 : i32
    %add3A_0 = arith.addi %add3A, %arg0 : i32
    %c0_i32 = arith.constant 0 : i32
    %c0_i32_1 = arith.constant 0 : i32
    return %add3A_0, %c0_i32 : i32, i32
  }
}

module attributes {stable_mosaic.version = 14 : i64} {
  func.func @_combine_alias_body(%arg0: i32, %arg1: memref<320000x128xf32, #tpu.memory_space<any>>, %arg2: memref<6400x128xf32, #tpu.memory_space<vmem>>, %arg3: memref<6400x16xf32, #tpu.memory_space<vmem>>, %arg4: memref<16x128xf32, #tpu.memory_space<vmem>>, %arg5: memref<6400x128xf32, #tpu.memory_space<vmem>>) attributes {dimension_semantics = [#tpu.dimension_semantics<arbitrary>], iteration_bounds = array<i64: 10>, scalar_prefetch = 0 : i64, scratch_operands = 0 : i64, tpu.core_type = #tpu.core_type<tc>, window_params = [{}, {transform_indices = @transform_1, window_bounds = array<i64: 6400, 128>}, {transform_indices = @transform_2, window_bounds = array<i64: 6400, 16>}, {pipeline_mode = #tpu.pipeline_mode<synchronous>, transform_indices = @transform_3, window_bounds = array<i64: 16, 128>}, {transform_indices = @transform_4, window_bounds = array<i64: 6400, 128>}]} {
    %get3A = arith.constant 0 : index
    %get3A_0 = arith.constant 0 : index
    %get3A_1 = vector.load %arg2[%get3A, %get3A_0] : memref<6400x128xf32, #tpu.memory_space<vmem>>, vector<6400x128xf32>
    %get3A_2 = arith.constant 0 : index
    %get3A_3 = arith.constant 0 : index
    %get3A_4 = vector.load %arg3[%get3A_2, %get3A_3] : memref<6400x16xf32, #tpu.memory_space<vmem>>, vector<6400x16xf32>
    %convert_element_type3A = arith.truncf %get3A_4 : vector<6400x16xf32> to vector<6400x16xbf16>
    %get3A_5 = arith.constant 0 : index
    %get3A_6 = arith.constant 0 : index
    %get3A_7 = vector.load %arg4[%get3A_5, %get3A_6] : memref<16x128xf32, #tpu.memory_space<vmem>>, vector<16x128xf32>
    %convert_element_type3A_8 = arith.truncf %get3A_7 : vector<16x128xf32> to vector<16x128xbf16>
    %dot_general3A = arith.constant dense<0.000000e+00> : vector<6400x128xf32>
    %dot_general3A_9 = tpu.matmul %convert_element_type3A, %convert_element_type3A_8, %dot_general3A {dimension_numbers = #tpu.dot_dimension_numbers<[1], [0], [0], [1], [0, 0, 1, 1], [], []>, transpose_lhs_hint = false} : vector<6400x16xbf16>, vector<16x128xbf16>, vector<6400x128xf32> -> vector<6400x128xf32>
    %add3A = arith.addf %get3A_1, %dot_general3A_9 : vector<6400x128xf32>
    %swap3A = arith.constant 0 : index
    %swap3A_10 = arith.constant 0 : index
    %swap3A_11 = vector.load %arg5[%swap3A, %swap3A_10] : memref<6400x128xf32, #tpu.memory_space<vmem>>, vector<6400x128xf32>
    tpu.vector_store %arg5[%swap3A, %swap3A_10], %add3A {strides = array<i32>} : memref<6400x128xf32, #tpu.memory_space<vmem>>, vector<6400x128xf32>,
    return
  }
  func.func @transform_1(%arg0: i32) -> (i32, i32) {
    %c0_i32 = arith.constant 0 : i32
    %c0_i32_0 = arith.constant 0 : i32
    return %arg0, %c0_i32 : i32, i32
  }
  func.func @transform_2(%arg0: i32) -> (i32, i32) {
    %add3A = arith.constant 40 : i32
    %add3A_0 = arith.addi %add3A, %arg0 : i32
    %c0_i32 = arith.constant 0 : i32
    %c0_i32_1 = arith.constant 0 : i32
    return %add3A_0, %c0_i32 : i32, i32
  }
  func.func @transform_3(%arg0: i32) -> (i32, i32) {
    %c0_i32 = arith.constant 0 : i32
    %c0_i32_0 = arith.constant 0 : i32
    %c0_i32_1 = arith.constant 0 : i32
    return %c0_i32, %c0_i32_0 : i32, i32
  }
  func.func @transform_4(%arg0: i32) -> (i32, i32) {
    %add3A = arith.constant 40 : i32
    %add3A_0 = arith.addi %add3A, %arg0 : i32
    %c0_i32 = arith.constant 0 : i32
    %c0_i32_1 = arith.constant 0 : i32
    return %add3A_0, %c0_i32 : i32, i32
  }
}

</mosaic_0001>

<sc_bundles>
// kernel: kernel.13.cloned.1.call-start
scs
__scs_entry_jumppad:
0x0: {  	(pc) =	sbr.rel $0x88, $3  }
0x1: {  	(tag) =	ssettag $0x0;
	lr =	simm.s32 $0x1  }
0x2: {  	[smem:$0x3F9C] =	sst lr;
	_ =	strace $0xD0000000  }
0x3: {  	_ = 	snop  }
0x4: {  	_ = 	snop  }
0x5: {  	_ = 	snop  }
0x6: {  	_ = 	snop  }
0x7: {  	_ = 	snop  }
__scs_overlays_trampoline_lowered:
0x8: {  	[smem:$0x3FAB] =	sst s0  }
0x9: {  	[smem:$0x3FAC] =	sst s1  }
0xa: {  	[smem:$0x3FAD] =	sst s2  }
0xb: {  	[smem:$0x3FAE] =	sst s3  }
0xc: {  	[smem:$0x3FAF] =	sst s4  }
0xd: {  	[smem:$0x3FB0] =	sst s5  }
0xe: {  	[smem:$0x3FB1] =	sst s6  }
0xf: {  	[smem:$0x3FB2] =	sst s7  }
0x10: {  	[smem:$0x3FB3] =	sst s8  }
0x11: {  	[smem:$0x3FB4] =	sst s9;
	s0 =	simm.s32 @!p0 $0x0  }
0x12: {  	s1 =	sld [smem:$0x3F9A];
	s0 =	simm.s32 @p0 $0x1  }
0x13: {  	[smem:$0x3FB5] =	sst s0;
	s0 =	simm.s32 @!p1 $0x0  }
0x14: {  	s2 =	sld [smem:$0x3F99];
	s0 =	simm.s32 @p1 $0x1  }
0x15: {  	[smem:$0x3FB6] =	sst s0;
	s0 =	simm.s32 @!p2 $0x0  }
0x16: {  	s3 =	sld [smem:$0x3FDB];
	s0 =	simm.s32 @p2 $0x1  }
0x17: {  	s4 =	simm.s32 $0x1BF5;
	[smem:$0x3FB8] =	sst s0  }
0x18: {  	s0 =	sld [smem:$0x3F9B];
	_ =	swait.ge [sflag:s4], $0x0  }
0x19: {  	s7 =	sld [smem:$0x3F9C]  }
0x1a: {  	s8 =	sadd.s32 $0xFFFFE003, lr  }
0x1b: {  	s9 =	sadd.s32 $0xFFFFFEF7, lr;
	s5 =	simm.s32 $0xFFFFFFFF;
	p2 =	slt.u32 s8, $0xFFFFF086  }
0x1c: {  	p1 =	slt.u32 s9, $0xF7A;
	s5 =	simm.s32 @!p2 $0x0  }
0x1d: {  	s5 =	simm.s32 @p1 $0x1;
	p0 =	seq.s32 s7, s2  }
0x1e: {  	s7 =	smul.u32 @!p0 $0xF7A, s2;
	p2 =	seq.s32 @!p0 s5, $0x0  }
0x1f: {  	s9 =	smul.u32 $0xF7A, s1;
	s8 =	simm.s32 @!p0 $0x1BF5;
	p2 =	por !p2, p0  }
0x20: {  	[sflag:s8] =	ssyncset.s32 @!p0 $0xFFFFF086;
	s6 =	sadd.s32 @!p0 s3, s7;
	s7 =	simm.s32 @!p0 $0x108  }
0x21: {  	s3 =	sadd.s32 s3, s9;
	s6 =	sadd.s32 @!p0 $0x88, s6;
	s7 =	simm.s32 @p2 $0x1082  }
0x22: {  	[simem:s7], [sflag:s8] =	dma.local @!p0 [hbm:s6], $0xF7A  }
0x23: {  	s9 =	sor.u32 $0xD0000000, s2;
	s6 =	simm.s32 $0x108;
	_ =	swait.ge @!p0 [sflag:s8], $0x0  }
0x24: {  	s3 =	sadd.s32 $0x88, s3;
	s6 =	simm.s32 @!p1 $0x1082;
	[sflag:s4] =	ssyncset.s32 $0xFFFFF086  }
0x25: {  	[simem:s6], [sflag:s4] =	dma.local [hbm:s3], $0xF7A  }
0x26: {  	[smem:$0x3F9C] =	sst s1;
	(tag) =	ssettag s2;
	_ =	strace s9  }
0x27: {  	s1 =	sld [smem:$0x3FAC]  }
0x28: {  	s2 =	sld [smem:$0x3FAD]  }
0x29: {  	s4 =	sld [smem:$0x3FAF]  }
0x2a: {  	p0 =	seq.s32 s5, $0x0;
	s5 =	sld [smem:$0x3FB0]  }
0x2b: {  	s6 =	sld [smem:$0x3FB1]  }
0x2c: {  	s7 =	sld [smem:$0x3FB2]  }
0x2d: {  	s3 =	simm.s32 $0x108;
	s8 =	sld [smem:$0x3FB3]  }
0x2e: {  	s3 =	simm.s32 @!p0 $0x1082;
	s9 =	sld [smem:$0x3FB4]  }
0x2f: {  	lr =	sadd.s32 s0, s3;
	s0 =	sld [smem:$0x3FAB]  }
0x30: {  	s3 =	sld [smem:$0x3FAE]  }
0x31: {  	[smem:$0x3FB7] =	sst s10  }
0x32: {  	s10 =	sld [smem:$0x3FB5];
	_ =	sdelay $0x3  }
0x33: {  	p0 =	seq.s32 s10, $0x1;
	s10 =	sld [smem:$0x3FB7];
	_ =	sdelay $0x3  }
0x34: {  	[smem:$0x3FB7] =	sst s10  }
0x35: {  	s10 =	sld [smem:$0x3FB6];
	_ =	sdelay $0x3  }
0x36: {  	p1 =	seq.s32 s10, $0x1;
	s10 =	sld [smem:$0x3FB7];
	_ =	sdelay $0x3  }
0x37: {  	[smem:$0x3FB7] =	sst s10  }
0x38: {  	s10 =	sld [smem:$0x3FB8]  }
0x39: {  	_ = 	snop;
	(pc) =	sbr.ind lr, $3  }
0x3a: {  	_ = 	snop  }
0x3b: {  	_ = 	snop  }
0x3c: {  	p2 =	seq.s32 s10, $0x1;
	s10 =	sld [smem:$0x3FB7]  }
0x3d: {  	_ =	shalt  }
0x3e: {  	_ =	shalt  }
0x3f: {  	_ =	shalt  }
0x40: {  	_ =	shalt  }
0x41: {  	_ =	shalt  }
0x42: {  	_ =	shalt  }
0x43: {  	_ =	shalt  }
0x44: {  	_ =	shalt  }
0x45: {  	_ =	shalt  }
0x46: {  	_ =	shalt  }
0x47: {  	_ =	shalt  }
0x48: {  	_ =	shalt  }
0x49: {  	_ =	shalt  }
0x4a: {  	_ =	shalt  }
0x4b: {  	_ =	shalt  }
0x4c: {  	_ =	shalt  }
0x4d: {  	_ =	shalt  }
0x4e: {  	_ =	shalt  }
0x4f: {  	_ =	shalt  }
0x50: {  	_ =	shalt  }
0x51: {  	_ =	shalt  }
0x52: {  	_ =	shalt  }
0x53: {  	_ =	shalt  }
0x54: {  	_ =	shalt  }
0x55: {  	_ =	shalt  }
0x56: {  	_ =	shalt  }
0x57: {  	_ =	shalt  }
0x58: {  	_ =	shalt  }
0x59: {  	_ =	shalt  }
0x5a: {  	_ =	shalt  }
0x5b: {  	_ =	shalt  }
0x5c: {  	_ =	shalt  }
0x5d: {  	_ =	shalt  }
0x5e: {  	_ =	shalt  }
0x5f: {  	_ =	shalt  }
0x60: {  	_ =	shalt  }
0x61: {  	_ =	shalt  }
0x62: {  	_ =	shalt  }
0x63: {  	_ =	shalt  }
0x64: {  	_ =	shalt  }
0x65: {  	_ =	shalt  }
0x66: {  	_ =	shalt  }
0x67: {  	_ =	shalt  }
0x68: {  	_ =	shalt  }
0x69: {  	_ =	shalt  }
0x6a: {  	_ =	shalt  }
0x6b: {  	_ =	shalt  }
0x6c: {  	_ =	shalt  }
0x6d: {  	_ =	shalt  }
0x6e: {  	_ =	shalt  }
0x6f: {  	_ =	shalt  }
0x70: {  	_ =	shalt  }
0x71: {  	_ =	shalt  }
0x72: {  	_ =	shalt  }
0x73: {  	_ =	shalt  }
0x74: {  	_ =	shalt  }
0x75: {  	_ =	shalt  }
0x76: {  	_ =	shalt  }
0x77: {  	_ =	shalt  }
0x78: {  	_ =	shalt  }
0x79: {  	_ =	shalt  }
0x7a: {  	_ =	shalt  }
0x7b: {  	_ =	shalt  }
0x7c: {  	_ =	shalt  }
0x7d: {  	_ =	shalt  }
0x7e: {  	_ =	shalt  }
0x7f: {  	_ =	shalt  }
0x80: {  	_ =	shalt  }
0x81: {  	_ =	shalt  }
0x82: {  	_ =	shalt  }
0x83: {  	_ =	shalt  }
0x84: {  	_ =	shalt  }
0x85: {  	_ =	shalt  }
0x86: {  	_ =	shalt  }
0x87: {  	_ =	shalt  }
.Lfunc_end0:
.L_simem_size_0:
called_computation_lowered:
.L_overlay_start_0:
0x88: {  	s2 =	sld [smem:$0x3FD9]  }
0x89: {  	s3 =	sld [smem:$0x3FFE];
	_ =	sdelay $0x1  }
0x8a: {  	s1 =	srdreg.scid  }
0x8b: {  	s0 =	sand.u32 $0x1, s1  }
0x8c: {  	s16 =	sshll.u32 s0, $0xA;
	s2 =	sadd.s32 s3, s2  }
0x8d: {  	s2 =	sadd.s32 s2, s16  }
0x8e: {  	[smem:$0x3FC3] =	sst s2  }
0x8f: {  	_ = 	snop  }
0x90: {  	(tm) =	ssettm $0x1  }
0x91: {  	s17 =	sld [smem:$0x3FFB];
	_ =	sdelay $0x3  }
0x92: {  	_ =	strace s17  }
0x93: {  	s2 =	sld [smem:$0x3FFC];
	_ =	sdelay $0x3  }
0x94: {  	_ =	strace s2  }
0x95: {  	s2 =	sld [smem:$0x3FFD];
	_ =	sdelay $0x3  }
0x96: {  	_ =	strace s2  }
0x97: {  	_ =	strace $0x8FFFFFFF  }
0x98: {  	s18 =	sld [smem:$0x3FDB];
	_ =	sdelay $0x1  }
0x99: {  	s19 =	simm.s32 $_scs_section_size  }
0x9a: {  	s4 =	simm.s32 $_size__tile_overlayer_lowered;
	s5 =	simm.s32 $_tile_overlayer_lowered  }
0x9b: {  	s22 =	simm.s32 $0x1BFF;
	s21 =	sshll.u32 s5, $0x1;
	s2 =	sadd.s32 s19, s18  }
0x9c: {  	s6 =	simm.s32 $0x0;
	s20 =	sshll.u32 s4, $0x1;
	s4 =	sadd.s32 s21, s2  }
0x9d: {  	[timem:s6], [sflag:s22] =	dma.local [hbm:s4], s20  }
0x9e: {  	_ =	swait.ge [sflag:s22], s20  }
0x9f: {  	s3 =	ssub.s32 $0x0, s20;
	[sflag:s22] =	ssyncset.done $0x0  }
0xa0: {  	[sflag:s22] =	ssyncadd.s32 s3;
	_ =	sdelay $0x1  }
0xa1: {  	s23 =	simm.s32 $0x1B8B  }
0xa2: {  	_ =	swait.ge [sflag:s23], $0x1  }
0xa3: {  	[sflag:s23] =	ssyncset.done $0x0  }
0xa4: {  	s25 =	simm.s32 $0x1B8E;
	s24 =	sld [smem:$0x3FFE];
	[sflag:s23] =	ssyncadd.s32 $0xFFFFFFFF  }
0xa5: {  	s26 =	simm.s32 $execute0_lowered;
	[smem:$0x3FD2] =	sst s25  }
0xa6: {  	s4 =	sshll.u32 s26, $0x1;
	_ =	strace $0x80000046;
	[dreg:$0x1] =	wrdreg $0xFFFFFFFF  }
0xa7: {  	s28 =	simm.s32 $_size_execute0_lowered;
	s2 =	sadd.s32 s2, s4;
	[dreg:$0x0] =	wrdreg $0x0  }
0xa8: {  	s4 =	sshll.u32 s28, $0x1;
	[dreg:$0x2] =	wrdreg s2  }
0xa9: {  	[dreg:$0x3] =	wrdreg s4  }
0xaa: {  	[dreg:$0x4] =	wrdreg $0xC0  }
0xab: {  	_ =	task [dreg:s6], $0x5FFFF  }
0xac: {  	[dreg:$0x1] =	wrdreg $0xFFFFFFFF  }
0xad: {  	[dreg:$0x0] =	wrdreg $0x60  }
0xae: {  	[dreg:$0x2] =	wrdreg s24  }
0xaf: {  	[dreg:$0x3] =	wrdreg $0x9  }
0xb0: {  	_ =	task.clear_ibuf [dreg:s6], $0x4FFFF;
	_ =	strace $0x90000046  }
0xb1: {  	s29 =	simm.s32 $0x9;
	_ =	strace $0x80000048  }
0xb2: {  	_ =	swait.ge [sflag:s29], $0x1  }
0xb3: {  	[sflag:s29] =	ssyncadd.s32 $0xFFFFFFFF  }
0xb4: {  	_ =	strace $0x90000048  }
0xb5: {  	_ =	sfence  }
0xb6: {  	s30 =	sld [smem:$0x0];
	_ =	sdelay $0x2  }
0xb7: {  	s31 =	sshll.u32 s1, $0xD;
	s1 =	sshrl.u32 s1, $0x2  }
0xb8: {  	s3 =	sand.u32 $0x4000, s31;
	s1 =	sadd.s32 s1, s30  }
0xb9: {  	s0 =	sor.u32 s3, s0;
	s1 =	sshll.u32 s1, $0x11  }
0xba: {  	s0 =	sor.u32 s1, s0  }
0xbb: {  	s0 =	sadd.s32 $0x8F2B, s0  }
0xbc: {  	[sflag:s0] =	ssyncadd.remote.s32 $0x1  }
0xbd: {  	_ =	sfence.sel $0xFFFF  }
0xbe: {  	[dreg:$0x0] =	wrdreg $0xFFFFFFFF;
	(pc) =	sbr.abs _section_cstart, $3  }
0xbf: {  	[dreg:$0x1] =	wrdreg $0xFFFFFFFF  }
0xc0: {  	_ =	task.clear_ibuf [dreg:s6], $0x2FFFF;
	_ =	strace $0x9FFFFFFF  }
0xc1: {  	(tm) =	ssettm $0x7FFFFFFF  }
tec
execute0_lowered:
.L_overlay_start_1:
0x0: {  	(tag) =	ssettag $0x1  }
0x1: {  	s1 =	srdreg.scid  }
0x2: {  	s0 =	stileid.u32;
	s4 =	rddreg [dreg:$0x0];
	s2 =	simm.s32 $0x0  }
0x3: {  	s10 =	simm.s32 $0x3000;
	s11 =	simm.s32 $0x1;
	s12 =	simm.s32 $0x5800  }
0x4: {  	s13 =	simm.s32 $0x2;
	s14 =	simm.s32 $0x8000;
	s15 =	simm.s32 $0x3  }
0x5: {  	s16 =	simm.s32 $0xA800;
	s17 =	simm.s32 $0x4;
	s18 =	simm.s32 $0x5  }
0x6: {  	s19 =	simm.s32 $0x6;
	s20 =	simm.s32 $0x7;
	s21 =	simm.s32 $0x8  }
0x7: {  	s22 =	simm.s32 $0x9;
	s23 =	simm.s32 $0xA;
	s5 =	sand.u32 $0x1, s1  }
0x8: {  	s3 =	sshll.u32 s0, $0x1;
	s1 =	rddreg [dreg:$0x1];
	s7 =	smul.u32 $0xFA00, s0  }
0x9: {  	s3 =	sor.u32 s5, s3;
	s8 =	ssub.s32 $0x2, s5;
	s5 =	smul.u32 $0x7D00, s5  }
0xa: {  	s24 =	simm.s32 $0x0;
	[smem:$0x7FF] =	sst s2;
	s6 =	smul.u32 $0x7D0, s3  }
.Ltmp0:
0xb: {  	_ =	strace $0x80000047;
	s9 =	sshrl.u32 s8, $0x1;
	(pc) =	sbr.rel .LBB2_1-.Ltmp0, $4  }
0xc: {  	s3 =	sadd.s32 $0xCA00, s4;
	s7 =	sadd.s32 s7, s4;
	s31 =	ssub.s32 s8, s9  }
0xd: {  	s7 =	sadd.s32 s5, s7;
	s8 =	simm.s32 $0x50;
	s6 =	sshrl.u32 s6, $0x3  }
0xe: {  	s9 =	simm.s32 $0x800;
	s5 =	smax.u32 s31, $0x1;
	s4 =	sadd.s32 s6, s4  }
0xf: {  	s6 =	sadd.s32 $0x33C00, s7;
	s7 =	simm.s32 $0xB;
	s4 =	sadd.s32 $0x2C00, s4  }
.LBB2_4:
0x10: {  	_ =	swait.ge [sflag:s19], $0x2800  }
0x11: {  	[sflag:s19] =	ssyncset.done $0x0  }
0x12: {  	[sflag:s19] =	ssyncadd.s32 $0xFFFFD800  }
0x13: {  	_ =	swait.ge [sflag:s20], $0x2800  }
0x14: {  	[sflag:s20] =	ssyncset.done $0x0  }
0x15: {  	[sflag:s20] =	ssyncadd.s32 $0xFFFFD800  }
0x16: {  	_ =	swait.ge [sflag:s21], $0x2800  }
0x17: {  	[sflag:s21] =	ssyncset.done $0x0  }
0x18: {  	s24 =	sadd.s32 $0x1, s24;
	[sflag:s21] =	ssyncadd.s32 $0xFFFFD800  }
0x19: {  	p0 =	sne.s32 s24, s5;
	_ =	swait.ge [sflag:s22], $0x2800  }
.Ltmp1:
0x1a: {  	[sflag:s22] =	ssyncset.done $0x0;
	(pc) =	sbr.rel @!p0 .LBB2_5-.Ltmp1, $4  }
0x1b: {  	[sflag:s22] =	ssyncadd.s32 $0xFFFFD800  }
0x1c: {  	_ =	swait.ge [sflag:s23], $0x2800  }
0x1d: {  	[sflag:s23] =	ssyncset.done $0x0  }
0x1e: {  	[sflag:s23] =	ssyncadd.s32 $0xFFFFD800  }
.LBB2_1:
0x1f: {  	[tilespmem:s2], [sflag:$0xB] =	stream.linear.gather [hbm4b:s4+s2], $0x7D0, $0x38;
	[tilespmem:$0xD000] =	vst v63  }
0x20: {  	_ =	swait.ge [sflag:s7], $0x7D0  }
0x21: {  	[sflag:s7] =	ssyncset.done $0x0  }
0x22: {  	[sflag:s7] =	ssyncadd.s32 $0xFFFFF830  }
0x23: {  	[tilespmem:s9], [sflag:$0x1] =	stream.indirect.gather [hbm4b:s3+s8], $0x80, s2, s8, $0xb8;
	[tilespmem:$0xD000] =	vst v63  }
0x24: {  	s25 =	smov.u32 s6;
	s26 =	simm.s32 $0x0  }
0x25: {  	[tilespmem:s10], [sflag:$0x2] =	stream.indirect.gather [hbm4b:s3+s8], $0x80, s8, s8, $0xb8;
	[tilespmem:$0xD000] =	vst v63  }
.LBB2_2:
0x26: {  	_ =	swait.ge [sflag:s11], $0x2800  }
0x27: {  	p0 =	seq.s32 s26, $0x0;
	[sflag:s11] =	ssyncset.done $0x0  }
0x28: {  	s29 =	simm.s32 @!p0 $0x8;
	[sflag:s11] =	ssyncadd.s32 $0xFFFFD800  }
0x29: {  	[hbm4b:s25+s2] =	stream.linear.scatter [tilespmem:s9], [sflag:$0x6], $0x2800, $0x38;
	[tilespmem:$0xD000] =	vst v63  }
0x2a: {  	_ =	swait.ge @!p0 [sflag:s29], $0x2800  }
0x2b: {  	s28 =	sshra.s32 s26, $0x2;
	[sflag:s29] =	ssyncset.done @!p0 $0x0  }
0x2c: {  	s31 =	sadd.s32 $0xA0, s28;
	[sflag:s29] =	ssyncadd.s32 @!p0 $0xFFFFD800  }
0x2d: {  	[tilespmem:s12], [sflag:$0x3] =	stream.indirect.gather [hbm4b:s3+s8], $0x80, s31, s8, $0xb8;
	[tilespmem:$0xD000] =	vst v63  }
0x2e: {  	_ =	swait.ge [sflag:s13], $0x2800  }
0x2f: {  	[sflag:s13] =	ssyncset.done $0x0  }
0x30: {  	s30 =	sadd.s32 $0x500, s25;
	s29 =	simm.s32 @!p0 $0x9;
	[sflag:s13] =	ssyncadd.s32 $0xFFFFD800  }
0x31: {  	[hbm4b:s30+s2] =	stream.linear.scatter [tilespmem:s10], [sflag:$0x7], $0x2800, $0x38;
	[tilespmem:$0xD000] =	vst v63  }
0x32: {  	_ =	swait.ge @!p0 [sflag:s29], $0x2800  }
0x33: {  	[sflag:s29] =	ssyncset.done @!p0 $0x0  }
0x34: {  	s31 =	sadd.s32 $0xF0, s28;
	[sflag:s29] =	ssyncadd.s32 @!p0 $0xFFFFD800  }
0x35: {  	[tilespmem:s14], [sflag:$0x4] =	stream.indirect.gather [hbm4b:s3+s8], $0x80, s31, s8, $0xb8;
	[tilespmem:$0xD000] =	vst v63  }
0x36: {  	_ =	swait.ge [sflag:s15], $0x2800  }
0x37: {  	[sflag:s15] =	ssyncset.done $0x0  }
0x38: {  	s30 =	sadd.s32 $0xA00, s25;
	s29 =	simm.s32 @!p0 $0xA;
	[sflag:s15] =	ssyncadd.s32 $0xFFFFD800  }
0x39: {  	[hbm4b:s30+s2] =	stream.linear.scatter [tilespmem:s12], [sflag:$0x8], $0x2800, $0x38;
	[tilespmem:$0xD000] =	vst v63  }
0x3a: {  	_ =	swait.ge @!p0 [sflag:s29], $0x2800  }
0x3b: {  	[sflag:s29] =	ssyncset.done @!p0 $0x0  }
0x3c: {  	s31 =	sadd.s32 $0x140, s28;
	[sflag:s29] =	ssyncadd.s32 @!p0 $0xFFFFD800  }
0x3d: {  	[tilespmem:s16], [sflag:$0x5] =	stream.indirect.gather [hbm4b:s3+s8], $0x80, s31, s8, $0xb8;
	[tilespmem:$0xD000] =	vst v63  }
0x3e: {  	_ =	swait.ge [sflag:s17], $0x2800  }
0x3f: {  	p0 =	seq.s32 s26, $0x1900;
	[sflag:s17] =	ssyncset.done $0x0  }
0x40: {  	s30 =	sadd.s32 $0xF00, s25;
	s29 =	simm.s32 @!p0 $0x6;
	[sflag:s17] =	ssyncadd.s32 $0xFFFFD800  }
0x41: {  	[hbm4b:s30+s2] =	stream.linear.scatter [tilespmem:s14], [sflag:$0x9], $0x2800, $0x38;
	[tilespmem:$0xD000] =	vst v63  }
0x42: {  	_ =	swait.ge @!p0 [sflag:s29], $0x2800  }
0x43: {  	[sflag:s29] =	ssyncset.done @!p0 $0x0  }
0x44: {  	[sflag:s29] =	ssyncadd.s32 @!p0 $0xFFFFD800;
	s29 =	sshra.s32 @!p0 s26, $0x2  }
0x45: {  	s31 =	simm.s32 @!p0 $0x800;
	s30 =	simm.s32 @!p0 $0x50;
	s29 =	sadd.s32 @!p0 $0x190, s29  }
0x46: {  	[tilespmem:s31], [sflag:$0x1] =	stream.indirect.gather @!p0 [hbm4b:s3+s30], $0x80, s29, s30, $0xb8;
	[tilespmem:$0xD000] =	vst v63  }
.Ltmp2:
0x47: {  	_ = 	snop;
	(pc) =	sbr.rel @p0 .LBB2_4-.Ltmp2, $4  }
0x48: {  	_ =	swait.ge [sflag:s18], $0x2800  }
0x49: {  	[sflag:s18] =	ssyncset.done $0x0  }
0x4a: {  	s31 =	sadd.s32 $0x1400, s25;
	[sflag:s18] =	ssyncadd.s32 $0xFFFFD800  }
0x4b: {  	[hbm4b:s31+s2] =	stream.linear.scatter [tilespmem:s16], [sflag:$0xA], $0x2800, $0x38;
	[tilespmem:$0xD000] =	vst v63  }
.Ltmp3:
0x4c: {  	(pc) =	sbr.rel .LBB2_2-.Ltmp3, $4  }
0x4d: {  	_ =	swait.ge [sflag:s20], $0x2800  }
0x4e: {  	s28 =	sadd.s32 $0x1E0, s28;
	[sflag:s20] =	ssyncset.done $0x0  }
0x4f: {  	s26 =	sadd.s32 $0x640, s26;
	s25 =	sadd.s32 $0x1900, s25;
	[sflag:s20] =	ssyncadd.s32 $0xFFFFD800  }
0x50: {  	[tilespmem:s10], [sflag:$0x2] =	stream.indirect.gather [hbm4b:s3+s8], $0x80, s28, s8, $0xb8;
	[tilespmem:$0xD000] =	vst v63  }
.LBB2_5:
0x51: {  	_ =	sfence.sel $0x180000  }
0x52: {  	[bflag:$0x0] =	sbarrier.arrive $0xFFFF  }
0x53: {  	p0 =	sne.s32 s0, $0x0;
	_ =	strace $0x90000047  }
0x54: {  	s0 =	sadd.s32 @!p0 $0x100000, s1;
	[bflag:$0x2] =	sbarrier.arrive $0xFFFF  }
0x55: {  	[sflag:s0] =	ssyncadd.tile.s32 @!p0 $0x1;
	_ =	shalt  }
.Lfunc_end2:
_tile_overlayer_lowered:
.L_overlay_start_2:
0x56: {  	(tag) =	ssettag $0x2  }
0x57: {  	s0 =	rddreg [dreg:$0x0];
	s2 =	stileid.u32  }
0x58: {  	s1 =	rddreg [dreg:$0x1];
	p0 =	sne.s32 s2, $0x0  }
0x59: {  	s3 =	rddreg [dreg:$0x2];
	[bflag:$0x3] =	sbarrier.arrive $0xFFFF;
	s2 =	simm.s32 @!p0 $0x1C0B  }
0x5a: {  	[timem:s3], [sflag:s2] =	dma.local @!p0 [hbm:s0], s1  }
0x5b: {  	s0 =	simm.s32 @!p0 $0xB  }
0x5c: {  	_ =	swait.ge @!p0 [sflag:s0], s1  }
0x5d: {  	s1 =	ssub.s32 @!p0 $0x0, s1;
	[sflag:s0] =	ssyncset.done @!p0 $0x0  }
0x5e: {  	[sflag:s0] =	ssyncadd.s32 @!p0 s1  }
0x5f: {  	[bflag:$0x3] =	sbarrier.arrive $0xFFFF  }
0x60: {  	_ =	shalt  }

// kernel: kernel.16.cloned.1.call-start
scs
__scs_entry_jumppad:
0x0: {  	(pc) =	sbr.rel $0x88, $3  }
0x1: {  	(tag) =	ssettag $0x0;
	lr =	simm.s32 $0x1  }
0x2: {  	[smem:$0x3F9C] =	sst lr;
	_ =	strace $0xD0000000  }
0x3: {  	_ = 	snop  }
0x4: {  	_ = 	snop  }
0x5: {  	_ = 	snop  }
0x6: {  	_ = 	snop  }
0x7: {  	_ = 	snop  }
__scs_overlays_trampoline_lowered:
0x8: {  	[smem:$0x3FAB] =	sst s0  }
0x9: {  	[smem:$0x3FAC] =	sst s1  }
0xa: {  	[smem:$0x3FAD] =	sst s2  }
0xb: {  	[smem:$0x3FAE] =	sst s3  }
0xc: {  	[smem:$0x3FAF] =	sst s4  }
0xd: {  	[smem:$0x3FB0] =	sst s5  }
0xe: {  	[smem:$0x3FB1] =	sst s6  }
0xf: {  	[smem:$0x3FB2] =	sst s7  }
0x10: {  	[smem:$0x3FB3] =	sst s8  }
0x11: {  	[smem:$0x3FB4] =	sst s9;
	s0 =	simm.s32 @!p0 $0x0  }
0x12: {  	s1 =	sld [smem:$0x3F9A];
	s0 =	simm.s32 @p0 $0x1  }
0x13: {  	[smem:$0x3FB5] =	sst s0;
	s0 =	simm.s32 @!p1 $0x0  }
0x14: {  	s2 =	sld [smem:$0x3F99];
	s0 =	simm.s32 @p1 $0x1  }
0x15: {  	[smem:$0x3FB6] =	sst s0;
	s0 =	simm.s32 @!p2 $0x0  }
0x16: {  	s3 =	sld [smem:$0x3FDB];
	s0 =	simm.s32 @p2 $0x1  }
0x17: {  	s4 =	simm.s32 $0x1BF5;
	[smem:$0x3FB8] =	sst s0  }
0x18: {  	s0 =	sld [smem:$0x3F9B];
	_ =	swait.ge [sflag:s4], $0x0  }
0x19: {  	s7 =	sld [smem:$0x3F9C]  }
0x1a: {  	s8 =	sadd.s32 $0xFFFFE003, lr  }
0x1b: {  	s9 =	sadd.s32 $0xFFFFFEF7, lr;
	s5 =	simm.s32 $0xFFFFFFFF;
	p2 =	slt.u32 s8, $0xFFFFF086  }
0x1c: {  	p1 =	slt.u32 s9, $0xF7A;
	s5 =	simm.s32 @!p2 $0x0  }
0x1d: {  	s5 =	simm.s32 @p1 $0x1;
	p0 =	seq.s32 s7, s2  }
0x1e: {  	s7 =	smul.u32 @!p0 $0xF7A, s2;
	p2 =	seq.s32 @!p0 s5, $0x0  }
0x1f: {  	s9 =	smul.u32 $0xF7A, s1;
	s8 =	simm.s32 @!p0 $0x1BF5;
	p2 =	por !p2, p0  }
0x20: {  	[sflag:s8] =	ssyncset.s32 @!p0 $0xFFFFF086;
	s6 =	sadd.s32 @!p0 s3, s7;
	s7 =	simm.s32 @!p0 $0x108  }
0x21: {  	s3 =	sadd.s32 s3, s9;
	s6 =	sadd.s32 @!p0 $0x88, s6;
	s7 =	simm.s32 @p2 $0x1082  }
0x22: {  	[simem:s7], [sflag:s8] =	dma.local @!p0 [hbm:s6], $0xF7A  }
0x23: {  	s9 =	sor.u32 $0xD0000000, s2;
	s6 =	simm.s32 $0x108;
	_ =	swait.ge @!p0 [sflag:s8], $0x0  }
0x24: {  	s3 =	sadd.s32 $0x88, s3;
	s6 =	simm.s32 @!p1 $0x1082;
	[sflag:s4] =	ssyncset.s32 $0xFFFFF086  }
0x25: {  	[simem:s6], [sflag:s4] =	dma.local [hbm:s3], $0xF7A  }
0x26: {  	[smem:$0x3F9C] =	sst s1;
	(tag) =	ssettag s2;
	_ =	strace s9  }
0x27: {  	s1 =	sld [smem:$0x3FAC]  }
0x28: {  	s2 =	sld [smem:$0x3FAD]  }
0x29: {  	s4 =	sld [smem:$0x3FAF]  }
0x2a: {  	p0 =	seq.s32 s5, $0x0;
	s5 =	sld [smem:$0x3FB0]  }
0x2b: {  	s6 =	sld [smem:$0x3FB1]  }
0x2c: {  	s7 =	sld [smem:$0x3FB2]  }
0x2d: {  	s3 =	simm.s32 $0x108;
	s8 =	sld [smem:$0x3FB3]  }
0x2e: {  	s3 =	simm.s32 @!p0 $0x1082;
	s9 =	sld [smem:$0x3FB4]  }
0x2f: {  	lr =	sadd.s32 s0, s3;
	s0 =	sld [smem:$0x3FAB]  }
0x30: {  	s3 =	sld [smem:$0x3FAE]  }
0x31: {  	[smem:$0x3FB7] =	sst s10  }
0x32: {  	s10 =	sld [smem:$0x3FB5];
	_ =	sdelay $0x3  }
0x33: {  	p0 =	seq.s32 s10, $0x1;
	s10 =	sld [smem:$0x3FB7];
	_ =	sdelay $0x3  }
0x34: {  	[smem:$0x3FB7] =	sst s10  }
0x35: {  	s10 =	sld [smem:$0x3FB6];
	_ =	sdelay $0x3  }
0x36: {  	p1 =	seq.s32 s10, $0x1;
	s10 =	sld [smem:$0x3FB7];
	_ =	sdelay $0x3  }
0x37: {  	[smem:$0x3FB7] =	sst s10  }
0x38: {  	s10 =	sld [smem:$0x3FB8]  }
0x39: {  	_ = 	snop;
	(pc) =	sbr.ind lr, $3  }
0x3a: {  	_ = 	snop  }
0x3b: {  	_ = 	snop  }
0x3c: {  	p2 =	seq.s32 s10, $0x1;
	s10 =	sld [smem:$0x3FB7]  }
0x3d: {  	_ =	shalt  }
0x3e: {  	_ =	shalt  }
0x3f: {  	_ =	shalt  }
0x40: {  	_ =	shalt  }
0x41: {  	_ =	shalt  }
0x42: {  	_ =	shalt  }
0x43: {  	_ =	shalt  }
0x44: {  	_ =	shalt  }
0x45: {  	_ =	shalt  }
0x46: {  	_ =	shalt  }
0x47: {  	_ =	shalt  }
0x48: {  	_ =	shalt  }
0x49: {  	_ =	shalt  }
0x4a: {  	_ =	shalt  }
0x4b: {  	_ =	shalt  }
0x4c: {  	_ =	shalt  }
0x4d: {  	_ =	shalt  }
0x4e: {  	_ =	shalt  }
0x4f: {  	_ =	shalt  }
0x50: {  	_ =	shalt  }
0x51: {  	_ =	shalt  }
0x52: {  	_ =	shalt  }
0x53: {  	_ =	shalt  }
0x54: {  	_ =	shalt  }
0x55: {  	_ =	shalt  }
0x56: {  	_ =	shalt  }
0x57: {  	_ =	shalt  }
0x58: {  	_ =	shalt  }
0x59: {  	_ =	shalt  }
0x5a: {  	_ =	shalt  }
0x5b: {  	_ =	shalt  }
0x5c: {  	_ =	shalt  }
0x5d: {  	_ =	shalt  }
0x5e: {  	_ =	shalt  }
0x5f: {  	_ =	shalt  }
0x60: {  	_ =	shalt  }
0x61: {  	_ =	shalt  }
0x62: {  	_ =	shalt  }
0x63: {  	_ =	shalt  }
0x64: {  	_ =	shalt  }
0x65: {  	_ =	shalt  }
0x66: {  	_ =	shalt  }
0x67: {  	_ =	shalt  }
0x68: {  	_ =	shalt  }
0x69: {  	_ =	shalt  }
0x6a: {  	_ =	shalt  }
0x6b: {  	_ =	shalt  }
0x6c: {  	_ =	shalt  }
0x6d: {  	_ =	shalt  }
0x6e: {  	_ =	shalt  }
0x6f: {  	_ =	shalt  }
0x70: {  	_ =	shalt  }
0x71: {  	_ =	shalt  }
0x72: {  	_ =	shalt  }
0x73: {  	_ =	shalt  }
0x74: {  	_ =	shalt  }
0x75: {  	_ =	shalt  }
0x76: {  	_ =	shalt  }
0x77: {  	_ =	shalt  }
0x78: {  	_ =	shalt  }
0x79: {  	_ =	shalt  }
0x7a: {  	_ =	shalt  }
0x7b: {  	_ =	shalt  }
0x7c: {  	_ =	shalt  }
0x7d: {  	_ =	shalt  }
0x7e: {  	_ =	shalt  }
0x7f: {  	_ =	shalt  }
0x80: {  	_ =	shalt  }
0x81: {  	_ =	shalt  }
0x82: {  	_ =	shalt  }
0x83: {  	_ =	shalt  }
0x84: {  	_ =	shalt  }
0x85: {  	_ =	shalt  }
0x86: {  	_ =	shalt  }
0x87: {  	_ =	shalt  }
.Lfunc_end0:
.L_simem_size_0:
called_computation.1_lowered:
.L_overlay_start_0:
0x88: {  	s2 =	sld [smem:$0x3FD9]  }
0x89: {  	s3 =	sld [smem:$0x3FFE];
	_ =	sdelay $0x1  }
0x8a: {  	s1 =	srdreg.scid  }
0x8b: {  	s0 =	sand.u32 $0x1, s1  }
0x8c: {  	s17 =	sshll.u32 s0, $0xA;
	s2 =	sadd.s32 s3, s2  }
0x8d: {  	s2 =	sadd.s32 s2, s17  }
0x8e: {  	[smem:$0x3FC3] =	sst s2  }
0x8f: {  	_ = 	snop  }
0x90: {  	(tm) =	ssettm $0x1  }
0x91: {  	s18 =	sld [smem:$0x3FFB];
	_ =	sdelay $0x3  }
0x92: {  	_ =	strace s18  }
0x93: {  	s2 =	sld [smem:$0x3FFC];
	_ =	sdelay $0x3  }
0x94: {  	_ =	strace s2  }
0x95: {  	s2 =	sld [smem:$0x3FFD];
	_ =	sdelay $0x3  }
0x96: {  	_ =	strace s2  }
0x97: {  	_ =	strace $0x8FFFFFFF  }
0x98: {  	s19 =	sld [smem:$0x3FDB];
	_ =	sdelay $0x1  }
0x99: {  	s20 =	simm.s32 $_scs_section_size  }
0x9a: {  	s4 =	simm.s32 $_size__tile_overlayer_lowered;
	s5 =	simm.s32 $_tile_overlayer_lowered  }
0x9b: {  	s6 =	simm.s32 $0x1BFF;
	s21 =	sshll.u32 s5, $0x1;
	s3 =	sadd.s32 s20, s19  }
0x9c: {  	s22 =	simm.s32 $0x0;
	s4 =	sshll.u32 s4, $0x1;
	s5 =	sadd.s32 s21, s3  }
0x9d: {  	[timem:s22], [sflag:s6] =	dma.local [hbm:s5], s4  }
0x9e: {  	_ =	swait.ge [sflag:s6], s4  }
0x9f: {  	s4 =	ssub.s32 $0x0, s4;
	[sflag:s6] =	ssyncset.done $0x0  }
0xa0: {  	[sflag:s6] =	ssyncadd.s32 s4;
	_ =	sdelay $0x1  }
0xa1: {  	s23 =	simm.s32 $0x1B8B  }
0xa2: {  	_ =	swait.ge [sflag:s23], $0x1  }
0xa3: {  	[sflag:s23] =	ssyncset.done $0x0  }
0xa4: {  	[sflag:s23] =	ssyncadd.s32 $0xFFFFFFFF  }
0xa5: {  	s4 =	sld [smem:$0x0]  }
0xa6: {  	s5 =	sand.u32 $0xFFFFFFFE, s1  }
0xa7: {  	p0 =	sne.s32 s1, s5  }
0xa8: {  	s5 =	sshll.u32 @p0 s5, $0xE  }
0xa9: {  	s5 =	sadd.s32 @p0 $0x11B8D, s5;
	s6 =	sshll.u32 @p0 s4, $0x11  }
0xaa: {  	s5 =	sor.u32 @p0 s6, s5  }
0xab: {  	[sflag:s5] =	ssyncadd.remote.s32 @p0 $0x1;
	_ =	sdelay $0x1  }
0xac: {  	s5 =	simm.s32 @p0 $0x1B8D  }
0xad: {  	_ =	swait.eq @p0 [sflag:s5], $0x1  }
0xae: {  	[sflag:s5] =	ssyncadd.s32 @p0 $0xFFFFFFFF  }
0xaf: {  	s6 =	sshll.u32 @!p0 s1, $0xE  }
0xb0: {  	s6 =	sor.u32 @!p0 $0x4000, s6;
	s5 =	simm.s32 @!p0 $0x1B8D  }
0xb1: {  	s4 =	sshll.u32 @!p0 s4, $0x11;
	s6 =	sadd.s32 @!p0 $0x11B8D, s6;
	_ =	swait.eq @!p0 [sflag:s5], $0x1  }
0xb2: {  	s4 =	sor.u32 @!p0 s4, s6;
	[sflag:s5] =	ssyncadd.s32 @!p0 $0xFFFFFFFF  }
0xb3: {  	s25 =	simm.s32 $0x1B8E;
	s24 =	sld [smem:$0x3FFE];
	[sflag:s4] =	ssyncadd.remote.s32 @!p0 $0x1  }
0xb4: {  	s26 =	simm.s32 $execute0_lowered;
	[smem:$0x3FD2] =	sst s25  }
0xb5: {  	s5 =	sshll.u32 s26, $0x1;
	_ =	strace $0x80000049;
	[dreg:$0x1] =	wrdreg $0xFFFFFFFF  }
0xb6: {  	s28 =	simm.s32 $_size_execute0_lowered;
	s3 =	sadd.s32 s3, s5;
	[dreg:$0x0] =	wrdreg $0x0  }
0xb7: {  	s5 =	sshll.u32 s28, $0x1;
	[dreg:$0x2] =	wrdreg s3  }
0xb8: {  	[dreg:$0x3] =	wrdreg s5  }
0xb9: {  	[dreg:$0x4] =	wrdreg $0xC0  }
0xba: {  	_ =	task [dreg:s22], $0x5FFFF  }
0xbb: {  	[dreg:$0x1] =	wrdreg $0xFFFFFFFF  }
0xbc: {  	[dreg:$0x0] =	wrdreg $0x60  }
0xbd: {  	[dreg:$0x2] =	wrdreg s24  }
0xbe: {  	[dreg:$0x3] =	wrdreg $0xA  }
0xbf: {  	_ =	task.clear_ibuf [dreg:s22], $0x4FFFF;
	_ =	strace $0x90000049  }
0xc0: {  	s29 =	simm.s32 $0xA;
	_ =	strace $0x8000004B  }
0xc1: {  	_ =	swait.ge [sflag:s29], $0x1  }
0xc2: {  	[sflag:s29] =	ssyncadd.s32 $0xFFFFFFFF  }
0xc3: {  	_ =	strace $0x9000004B  }
0xc4: {  	_ =	sfence  }
0xc5: {  	s30 =	sld [smem:$0x0];
	_ =	sdelay $0x2  }
0xc6: {  	s31 =	sshll.u32 s1, $0xD;
	s1 =	sshrl.u32 s1, $0x2  }
0xc7: {  	s4 =	sand.u32 $0x4000, s31;
	s1 =	sadd.s32 s1, s30  }
0xc8: {  	s0 =	sor.u32 s4, s0;
	s1 =	sshll.u32 s1, $0x11  }
0xc9: {  	s0 =	sor.u32 s1, s0  }
0xca: {  	s0 =	sadd.s32 $0x8F2B, s0  }
0xcb: {  	[sflag:s0] =	ssyncadd.remote.s32 $0x1  }
0xcc: {  	_ =	sfence.sel $0xFFFF  }
0xcd: {  	[dreg:$0x0] =	wrdreg $0xFFFFFFFF;
	(pc) =	sbr.abs _section_cstart, $3  }
0xce: {  	[dreg:$0x1] =	wrdreg $0xFFFFFFFF  }
0xcf: {  	_ =	task.clear_ibuf [dreg:s22], $0x2FFFF;
	_ =	strace $0x9FFFFFFF  }
0xd0: {  	(tm) =	ssettm $0x7FFFFFFF  }
0xd1: {  	_ =	shalt  }
tec
execute0_lowered:
.L_overlay_start_1:
0x0: {  	(tag) =	ssettag $0x1  }
0x1: {  	s4 =	rddreg [dreg:$0x0]  }
0x2: {  	s0 =	rddreg [dreg:$0x1]  }
0x3: {  	s1 =	stileid.u32;
	s3 =	srdreg.scid  }
0x4: {  	s2 =	simm.s32 $0x0;
	s10 =	simm.s32 $0x3000;
	s11 =	simm.s32 $0x1  }
0x5: {  	s12 =	simm.s32 $0x5800;
	s13 =	simm.s32 $0x2;
	s14 =	simm.s32 $0x8000  }
0x6: {  	s15 =	simm.s32 $0x3;
	s16 =	simm.s32 $0xA800;
	s17 =	simm.s32 $0x4  }
0x7: {  	s18 =	simm.s32 $0x5;
	s19 =	simm.s32 $0x6;
	s20 =	simm.s32 $0x7  }
0x8: {  	s21 =	simm.s32 $0x8;
	s22 =	simm.s32 $0x9;
	s23 =	simm.s32 $0xA  }
0x9: {  	s5 =	sand.u32 $0x1, s3;
	s31 =	sshll.u32 s1, $0x1;
	s6 =	smul.u32 $0xFA00, s1  }
0xa: {  	s3 =	sor.u32 s5, s31;
	s8 =	ssub.s32 $0x2, s5;
	s5 =	smul.u32 $0x7D00, s5  }
0xb: {  	s24 =	simm.s32 $0x0;
	[smem:$0x7FF] =	sst s2;
	s7 =	smul.u32 $0x7D0, s3  }
.Ltmp0:
0xc: {  	_ =	strace $0x8000004A;
	s9 =	sshrl.u32 s8, $0x1;
	(pc) =	sbr.rel .LBB2_1-.Ltmp0, $4  }
0xd: {  	s3 =	sadd.s32 $0xCA00, s4;
	s6 =	sadd.s32 s6, s4;
	s8 =	ssub.s32 s8, s9  }
0xe: {  	s6 =	sadd.s32 s5, s6;
	s9 =	simm.s32 $0x800;
	s7 =	sshrl.u32 s7, $0x3  }
0xf: {  	s5 =	smax.u32 s8, $0x1;
	s6 =	sadd.s32 $0x12DC00, s6;
	s4 =	sadd.s32 s4, s7  }
0x10: {  	s8 =	simm.s32 $0x50;
	s7 =	simm.s32 $0xB;
	s4 =	sadd.s32 $0x4B40, s4  }
.LBB2_4:
0x11: {  	_ =	swait.ge [sflag:s19], $0x2800  }
0x12: {  	[sflag:s19] =	ssyncset.done $0x0  }
0x13: {  	[sflag:s19] =	ssyncadd.s32 $0xFFFFD800  }
0x14: {  	_ =	swait.ge [sflag:s20], $0x2800  }
0x15: {  	[sflag:s20] =	ssyncset.done $0x0  }
0x16: {  	[sflag:s20] =	ssyncadd.s32 $0xFFFFD800  }
0x17: {  	_ =	swait.ge [sflag:s21], $0x2800  }
0x18: {  	[sflag:s21] =	ssyncset.done $0x0  }
0x19: {  	s24 =	sadd.s32 $0x1, s24;
	[sflag:s21] =	ssyncadd.s32 $0xFFFFD800  }
0x1a: {  	p0 =	sne.s32 s24, s5;
	_ =	swait.ge [sflag:s22], $0x2800  }
.Ltmp1:
0x1b: {  	[sflag:s22] =	ssyncset.done $0x0;
	(pc) =	sbr.rel @!p0 .LBB2_5-.Ltmp1, $4  }
0x1c: {  	[sflag:s22] =	ssyncadd.s32 $0xFFFFD800  }
0x1d: {  	_ =	swait.ge [sflag:s23], $0x2800  }
0x1e: {  	[sflag:s23] =	ssyncset.done $0x0  }
0x1f: {  	[sflag:s23] =	ssyncadd.s32 $0xFFFFD800  }
.LBB2_1:
0x20: {  	[tilespmem:s2], [sflag:$0xB] =	stream.linear.gather [hbm4b:s4+s2], $0x7D0, $0x38;
	[tilespmem:$0xD000] =	vst v63  }
0x21: {  	_ =	swait.ge [sflag:s7], $0x7D0  }
0x22: {  	[sflag:s7] =	ssyncset.done $0x0  }
0x23: {  	[sflag:s7] =	ssyncadd.s32 $0xFFFFF830  }
0x24: {  	[tilespmem:s9], [sflag:$0x1] =	stream.indirect.gather [hbm4b:s3+s8], $0x80, s2, s8, $0xb8;
	[tilespmem:$0xD000] =	vst v63  }
0x25: {  	s25 =	smov.u32 s6;
	s26 =	simm.s32 $0x0  }
0x26: {  	[tilespmem:s10], [sflag:$0x2] =	stream.indirect.gather [hbm4b:s3+s8], $0x80, s8, s8, $0xb8;
	[tilespmem:$0xD000] =	vst v63  }
.LBB2_2:
0x27: {  	_ =	swait.ge [sflag:s11], $0x2800  }
0x28: {  	p0 =	seq.s32 s26, $0x0;
	[sflag:s11] =	ssyncset.done $0x0  }
0x29: {  	s29 =	simm.s32 @!p0 $0x8;
	[sflag:s11] =	ssyncadd.s32 $0xFFFFD800  }
0x2a: {  	[hbm4b:s25+s2] =	stream.linear.scatter [tilespmem:s9], [sflag:$0x6], $0x2800, $0x38;
	[tilespmem:$0xD000] =	vst v63  }
0x2b: {  	_ =	swait.ge @!p0 [sflag:s29], $0x2800  }
0x2c: {  	s28 =	sshra.s32 s26, $0x2;
	[sflag:s29] =	ssyncset.done @!p0 $0x0  }
0x2d: {  	s31 =	sadd.s32 $0xA0, s28;
	[sflag:s29] =	ssyncadd.s32 @!p0 $0xFFFFD800  }
0x2e: {  	[tilespmem:s12], [sflag:$0x3] =	stream.indirect.gather [hbm4b:s3+s8], $0x80, s31, s8, $0xb8;
	[tilespmem:$0xD000] =	vst v63  }
0x2f: {  	_ =	swait.ge [sflag:s13], $0x2800  }
0x30: {  	[sflag:s13] =	ssyncset.done $0x0  }
0x31: {  	s30 =	sadd.s32 $0x500, s25;
	s29 =	simm.s32 @!p0 $0x9;
	[sflag:s13] =	ssyncadd.s32 $0xFFFFD800  }
0x32: {  	[hbm4b:s30+s2] =	stream.linear.scatter [tilespmem:s10], [sflag:$0x7], $0x2800, $0x38;
	[tilespmem:$0xD000] =	vst v63  }
0x33: {  	_ =	swait.ge @!p0 [sflag:s29], $0x2800  }
0x34: {  	[sflag:s29] =	ssyncset.done @!p0 $0x0  }
0x35: {  	s31 =	sadd.s32 $0xF0, s28;
	[sflag:s29] =	ssyncadd.s32 @!p0 $0xFFFFD800  }
0x36: {  	[tilespmem:s14], [sflag:$0x4] =	stream.indirect.gather [hbm4b:s3+s8], $0x80, s31, s8, $0xb8;
	[tilespmem:$0xD000] =	vst v63  }
0x37: {  	_ =	swait.ge [sflag:s15], $0x2800  }
0x38: {  	[sflag:s15] =	ssyncset.done $0x0  }
0x39: {  	s30 =	sadd.s32 $0xA00, s25;
	s29 =	simm.s32 @!p0 $0xA;
	[sflag:s15] =	ssyncadd.s32 $0xFFFFD800  }
0x3a: {  	[hbm4b:s30+s2] =	stream.linear.scatter [tilespmem:s12], [sflag:$0x8], $0x2800, $0x38;
	[tilespmem:$0xD000] =	vst v63  }
0x3b: {  	_ =	swait.ge @!p0 [sflag:s29], $0x2800  }
0x3c: {  	[sflag:s29] =	ssyncset.done @!p0 $0x0  }
0x3d: {  	s31 =	sadd.s32 $0x140, s28;
	[sflag:s29] =	ssyncadd.s32 @!p0 $0xFFFFD800  }
0x3e: {  	[tilespmem:s16], [sflag:$0x5] =	stream.indirect.gather [hbm4b:s3+s8], $0x80, s31, s8, $0xb8;
	[tilespmem:$0xD000] =	vst v63  }
0x3f: {  	_ =	swait.ge [sflag:s17], $0x2800  }
0x40: {  	p0 =	seq.s32 s26, $0x1900;
	[sflag:s17] =	ssyncset.done $0x0  }
0x41: {  	s30 =	sadd.s32 $0xF00, s25;
	s29 =	simm.s32 @!p0 $0x6;
	[sflag:s17] =	ssyncadd.s32 $0xFFFFD800  }
0x42: {  	[hbm4b:s30+s2] =	stream.linear.scatter [tilespmem:s14], [sflag:$0x9], $0x2800, $0x38;
	[tilespmem:$0xD000] =	vst v63  }
0x43: {  	_ =	swait.ge @!p0 [sflag:s29], $0x2800  }
0x44: {  	[sflag:s29] =	ssyncset.done @!p0 $0x0  }
0x45: {  	[sflag:s29] =	ssyncadd.s32 @!p0 $0xFFFFD800;
	s29 =	sshra.s32 @!p0 s26, $0x2  }
0x46: {  	s31 =	simm.s32 @!p0 $0x800;
	s30 =	simm.s32 @!p0 $0x50;
	s29 =	sadd.s32 @!p0 $0x190, s29  }
0x47: {  	[tilespmem:s31], [sflag:$0x1] =	stream.indirect.gather @!p0 [hbm4b:s3+s30], $0x80, s29, s30, $0xb8;
	[tilespmem:$0xD000] =	vst v63  }
.Ltmp2:
0x48: {  	_ = 	snop;
	(pc) =	sbr.rel @p0 .LBB2_4-.Ltmp2, $4  }
0x49: {  	_ =	swait.ge [sflag:s18], $0x2800  }
0x4a: {  	[sflag:s18] =	ssyncset.done $0x0  }
0x4b: {  	s31 =	sadd.s32 $0x1400, s25;
	[sflag:s18] =	ssyncadd.s32 $0xFFFFD800  }
0x4c: {  	[hbm4b:s31+s2] =	stream.linear.scatter [tilespmem:s16], [sflag:$0xA], $0x2800, $0x38;
	[tilespmem:$0xD000] =	vst v63  }
.Ltmp3:
0x4d: {  	(pc) =	sbr.rel .LBB2_2-.Ltmp3, $4  }
0x4e: {  	_ =	swait.ge [sflag:s20], $0x2800  }
0x4f: {  	s28 =	sadd.s32 $0x1E0, s28;
	[sflag:s20] =	ssyncset.done $0x0  }
0x50: {  	s26 =	sadd.s32 $0x640, s26;
	s25 =	sadd.s32 $0x1900, s25;
	[sflag:s20] =	ssyncadd.s32 $0xFFFFD800  }
0x51: {  	[tilespmem:s10], [sflag:$0x2] =	stream.indirect.gather [hbm4b:s3+s8], $0x80, s28, s8, $0xb8;
	[tilespmem:$0xD000] =	vst v63  }
.LBB2_5:
0x52: {  	_ =	sfence.sel $0x180000  }
0x53: {  	[bflag:$0x0] =	sbarrier.arrive $0xFFFF  }
0x54: {  	p0 =	sne.s32 s1, $0x0;
	_ =	strace $0x9000004A  }
0x55: {  	s0 =	sadd.s32 @!p0 $0x100000, s0;
	[bflag:$0x2] =	sbarrier.arrive $0xFFFF  }
0x56: {  	[sflag:s0] =	ssyncadd.tile.s32 @!p0 $0x1;
	_ =	shalt  }
.Lfunc_end2:
_tile_overlayer_lowered:
.L_overlay_start_2:
0x57: {  	(tag) =	ssettag $0x2  }
0x58: {  	s0 =	rddreg [dreg:$0x0];
	s2 =	stileid.u32  }
0x59: {  	s1 =	rddreg [dreg:$0x1];
	p0 =	sne.s32 s2, $0x0  }
0x5a: {  	s3 =	rddreg [dreg:$0x2];
	[bflag:$0x3] =	sbarrier.arrive $0xFFFF;
	s2 =	simm.s32 @!p0 $0x1C0B  }
0x5b: {  	[timem:s3], [sflag:s2] =	dma.local @!p0 [hbm:s0], s1  }
0x5c: {  	s0 =	simm.s32 @!p0 $0xB  }
0x5d: {  	_ =	swait.ge @!p0 [sflag:s0], s1  }
0x5e: {  	s1 =	ssub.s32 @!p0 $0x0, s1;
	[sflag:s0] =	ssyncset.done @!p0 $0x0  }
0x5f: {  	[sflag:s0] =	ssyncadd.s32 @!p0 s1  }
0x60: {  	[bflag:$0x3] =	sbarrier.arrive $0xFFFF  }
0x61: {  	_ =	shalt  }

// kernel: kernel.19.cloned.1.call-start
scs
__scs_entry_jumppad:
0x0: {  	(pc) =	sbr.rel $0x88, $3  }
0x1: {  	(tag) =	ssettag $0x0;
	lr =	simm.s32 $0x1  }
0x2: {  	[smem:$0x3F9C] =	sst lr;
	_ =	strace $0xD0000000  }
0x3: {  	_ = 	snop  }
0x4: {  	_ = 	snop  }
0x5: {  	_ = 	snop  }
0x6: {  	_ = 	snop  }
0x7: {  	_ = 	snop  }
__scs_overlays_trampoline_lowered:
0x8: {  	[smem:$0x3FAB] =	sst s0  }
0x9: {  	[smem:$0x3FAC] =	sst s1  }
0xa: {  	[smem:$0x3FAD] =	sst s2  }
0xb: {  	[smem:$0x3FAE] =	sst s3  }
0xc: {  	[smem:$0x3FAF] =	sst s4  }
0xd: {  	[smem:$0x3FB0] =	sst s5  }
0xe: {  	[smem:$0x3FB1] =	sst s6  }
0xf: {  	[smem:$0x3FB2] =	sst s7  }
0x10: {  	[smem:$0x3FB3] =	sst s8  }
0x11: {  	[smem:$0x3FB4] =	sst s9;
	s0 =	simm.s32 @!p0 $0x0  }
0x12: {  	s1 =	sld [smem:$0x3F9A];
	s0 =	simm.s32 @p0 $0x1  }
0x13: {  	[smem:$0x3FB5] =	sst s0;
	s0 =	simm.s32 @!p1 $0x0  }
0x14: {  	s2 =	sld [smem:$0x3F99];
	s0 =	simm.s32 @p1 $0x1  }
0x15: {  	[smem:$0x3FB6] =	sst s0;
	s0 =	simm.s32 @!p2 $0x0  }
0x16: {  	s3 =	sld [smem:$0x3FDB];
	s0 =	simm.s32 @p2 $0x1  }
0x17: {  	s4 =	simm.s32 $0x1BF5;
	[smem:$0x3FB8] =	sst s0  }
0x18: {  	s0 =	sld [smem:$0x3F9B];
	_ =	swait.ge [sflag:s4], $0x0  }
0x19: {  	s7 =	sld [smem:$0x3F9C]  }
0x1a: {  	s8 =	sadd.s32 $0xFFFFE003, lr  }
0x1b: {  	s9 =	sadd.s32 $0xFFFFFEF7, lr;
	s5 =	simm.s32 $0xFFFFFFFF;
	p2 =	slt.u32 s8, $0xFFFFF086  }
0x1c: {  	p1 =	slt.u32 s9, $0xF7A;
	s5 =	simm.s32 @!p2 $0x0  }
0x1d: {  	s5 =	simm.s32 @p1 $0x1;
	p0 =	seq.s32 s7, s2  }
0x1e: {  	s7 =	smul.u32 @!p0 $0xF7A, s2;
	p2 =	seq.s32 @!p0 s5, $0x0  }
0x1f: {  	s9 =	smul.u32 $0xF7A, s1;
	s8 =	simm.s32 @!p0 $0x1BF5;
	p2 =	por !p2, p0  }
0x20: {  	[sflag:s8] =	ssyncset.s32 @!p0 $0xFFFFF086;
	s6 =	sadd.s32 @!p0 s3, s7;
	s7 =	simm.s32 @!p0 $0x108  }
0x21: {  	s3 =	sadd.s32 s3, s9;
	s6 =	sadd.s32 @!p0 $0x88, s6;
	s7 =	simm.s32 @p2 $0x1082  }
0x22: {  	[simem:s7], [sflag:s8] =	dma.local @!p0 [hbm:s6], $0xF7A  }
0x23: {  	s9 =	sor.u32 $0xD0000000, s2;
	s6 =	simm.s32 $0x108;
	_ =	swait.ge @!p0 [sflag:s8], $0x0  }
0x24: {  	s3 =	sadd.s32 $0x88, s3;
	s6 =	simm.s32 @!p1 $0x1082;
	[sflag:s4] =	ssyncset.s32 $0xFFFFF086  }
0x25: {  	[simem:s6], [sflag:s4] =	dma.local [hbm:s3], $0xF7A  }
0x26: {  	[smem:$0x3F9C] =	sst s1;
	(tag) =	ssettag s2;
	_ =	strace s9  }
0x27: {  	s1 =	sld [smem:$0x3FAC]  }
0x28: {  	s2 =	sld [smem:$0x3FAD]  }
0x29: {  	s4 =	sld [smem:$0x3FAF]  }
0x2a: {  	p0 =	seq.s32 s5, $0x0;
	s5 =	sld [smem:$0x3FB0]  }
0x2b: {  	s6 =	sld [smem:$0x3FB1]  }
0x2c: {  	s7 =	sld [smem:$0x3FB2]  }
0x2d: {  	s3 =	simm.s32 $0x108;
	s8 =	sld [smem:$0x3FB3]  }
0x2e: {  	s3 =	simm.s32 @!p0 $0x1082;
	s9 =	sld [smem:$0x3FB4]  }
0x2f: {  	lr =	sadd.s32 s0, s3;
	s0 =	sld [smem:$0x3FAB]  }
0x30: {  	s3 =	sld [smem:$0x3FAE]  }
0x31: {  	[smem:$0x3FB7] =	sst s10  }
0x32: {  	s10 =	sld [smem:$0x3FB5];
	_ =	sdelay $0x3  }
0x33: {  	p0 =	seq.s32 s10, $0x1;
	s10 =	sld [smem:$0x3FB7];
	_ =	sdelay $0x3  }
0x34: {  	[smem:$0x3FB7] =	sst s10  }
0x35: {  	s10 =	sld [smem:$0x3FB6];
	_ =	sdelay $0x3  }
0x36: {  	p1 =	seq.s32 s10, $0x1;
	s10 =	sld [smem:$0x3FB7];
	_ =	sdelay $0x3  }
0x37: {  	[smem:$0x3FB7] =	sst s10  }
0x38: {  	s10 =	sld [smem:$0x3FB8]  }
0x39: {  	_ = 	snop;
	(pc) =	sbr.ind lr, $3  }
0x3a: {  	_ = 	snop  }
0x3b: {  	_ = 	snop  }
0x3c: {  	p2 =	seq.s32 s10, $0x1;
	s10 =	sld [smem:$0x3FB7]  }
0x3d: {  	_ =	shalt  }
0x3e: {  	_ =	shalt  }
0x3f: {  	_ =	shalt  }
0x40: {  	_ =	shalt  }
0x41: {  	_ =	shalt  }
0x42: {  	_ =	shalt  }
0x43: {  	_ =	shalt  }
0x44: {  	_ =	shalt  }
0x45: {  	_ =	shalt  }
0x46: {  	_ =	shalt  }
0x47: {  	_ =	shalt  }
0x48: {  	_ =	shalt  }
0x49: {  	_ =	shalt  }
0x4a: {  	_ =	shalt  }
0x4b: {  	_ =	shalt  }
0x4c: {  	_ =	shalt  }
0x4d: {  	_ =	shalt  }
0x4e: {  	_ =	shalt  }
0x4f: {  	_ =	shalt  }
0x50: {  	_ =	shalt  }
0x51: {  	_ =	shalt  }
0x52: {  	_ =	shalt  }
0x53: {  	_ =	shalt  }
0x54: {  	_ =	shalt  }
0x55: {  	_ =	shalt  }
0x56: {  	_ =	shalt  }
0x57: {  	_ =	shalt  }
0x58: {  	_ =	shalt  }
0x59: {  	_ =	shalt  }
0x5a: {  	_ =	shalt  }
0x5b: {  	_ =	shalt  }
0x5c: {  	_ =	shalt  }
0x5d: {  	_ =	shalt  }
0x5e: {  	_ =	shalt  }
0x5f: {  	_ =	shalt  }
0x60: {  	_ =	shalt  }
0x61: {  	_ =	shalt  }
0x62: {  	_ =	shalt  }
0x63: {  	_ =	shalt  }
0x64: {  	_ =	shalt  }
0x65: {  	_ =	shalt  }
0x66: {  	_ =	shalt  }
0x67: {  	_ =	shalt  }
0x68: {  	_ =	shalt  }
0x69: {  	_ =	shalt  }
0x6a: {  	_ =	shalt  }
0x6b: {  	_ =	shalt  }
0x6c: {  	_ =	shalt  }
0x6d: {  	_ =	shalt  }
0x6e: {  	_ =	shalt  }
0x6f: {  	_ =	shalt  }
0x70: {  	_ =	shalt  }
0x71: {  	_ =	shalt  }
0x72: {  	_ =	shalt  }
0x73: {  	_ =	shalt  }
0x74: {  	_ =	shalt  }
0x75: {  	_ =	shalt  }
0x76: {  	_ =	shalt  }
0x77: {  	_ =	shalt  }
0x78: {  	_ =	shalt  }
0x79: {  	_ =	shalt  }
0x7a: {  	_ =	shalt  }
0x7b: {  	_ =	shalt  }
0x7c: {  	_ =	shalt  }
0x7d: {  	_ =	shalt  }
0x7e: {  	_ =	shalt  }
0x7f: {  	_ =	shalt  }
0x80: {  	_ =	shalt  }
0x81: {  	_ =	shalt  }
0x82: {  	_ =	shalt  }
0x83: {  	_ =	shalt  }
0x84: {  	_ =	shalt  }
0x85: {  	_ =	shalt  }
0x86: {  	_ =	shalt  }
0x87: {  	_ =	shalt  }
.Lfunc_end0:
.L_simem_size_0:
called_computation.2_lowered:
.L_overlay_start_0:
0x88: {  	s2 =	sld [smem:$0x3FD9]  }
0x89: {  	s3 =	sld [smem:$0x3FFE];
	_ =	sdelay $0x1  }
0x8a: {  	s1 =	srdreg.scid  }
0x8b: {  	s0 =	sand.u32 $0x1, s1  }
0x8c: {  	s17 =	sshll.u32 s0, $0xA;
	s2 =	sadd.s32 s3, s2  }
0x8d: {  	s2 =	sadd.s32 s2, s17  }
0x8e: {  	[smem:$0x3FC3] =	sst s2  }
0x8f: {  	_ = 	snop  }
0x90: {  	(tm) =	ssettm $0x1  }
0x91: {  	s18 =	sld [smem:$0x3FFB];
	_ =	sdelay $0x3  }
0x92: {  	_ =	strace s18  }
0x93: {  	s2 =	sld [smem:$0x3FFC];
	_ =	sdelay $0x3  }
0x94: {  	_ =	strace s2  }
0x95: {  	s2 =	sld [smem:$0x3FFD];
	_ =	sdelay $0x3  }
0x96: {  	_ =	strace s2  }
0x97: {  	_ =	strace $0x8FFFFFFF  }
0x98: {  	s19 =	sld [smem:$0x3FDB];
	_ =	sdelay $0x1  }
0x99: {  	s20 =	simm.s32 $_scs_section_size  }
0x9a: {  	s4 =	simm.s32 $_size__tile_overlayer_lowered;
	s5 =	simm.s32 $_tile_overlayer_lowered  }
0x9b: {  	s6 =	simm.s32 $0x1BFF;
	s21 =	sshll.u32 s5, $0x1;
	s3 =	sadd.s32 s20, s19  }
0x9c: {  	s22 =	simm.s32 $0x0;
	s4 =	sshll.u32 s4, $0x1;
	s5 =	sadd.s32 s21, s3  }
0x9d: {  	[timem:s22], [sflag:s6] =	dma.local [hbm:s5], s4  }
0x9e: {  	_ =	swait.ge [sflag:s6], s4  }
0x9f: {  	s4 =	ssub.s32 $0x0, s4;
	[sflag:s6] =	ssyncset.done $0x0  }
0xa0: {  	[sflag:s6] =	ssyncadd.s32 s4;
	_ =	sdelay $0x1  }
0xa1: {  	s23 =	simm.s32 $0x1B8B  }
0xa2: {  	_ =	swait.ge [sflag:s23], $0x1  }
0xa3: {  	[sflag:s23] =	ssyncset.done $0x0  }
0xa4: {  	[sflag:s23] =	ssyncadd.s32 $0xFFFFFFFF  }
0xa5: {  	s4 =	sld [smem:$0x0]  }
0xa6: {  	s5 =	sand.u32 $0xFFFFFFFE, s1  }
0xa7: {  	p0 =	sne.s32 s1, s5  }
0xa8: {  	s5 =	sshll.u32 @p0 s5, $0xE  }
0xa9: {  	s5 =	sadd.s32 @p0 $0x11B8D, s5;
	s6 =	sshll.u32 @p0 s4, $0x11  }
0xaa: {  	s5 =	sor.u32 @p0 s6, s5  }
0xab: {  	[sflag:s5] =	ssyncadd.remote.s32 @p0 $0x1;
	_ =	sdelay $0x1  }
0xac: {  	s5 =	simm.s32 @p0 $0x1B8D  }
0xad: {  	_ =	swait.eq @p0 [sflag:s5], $0x1  }
0xae: {  	[sflag:s5] =	ssyncadd.s32 @p0 $0xFFFFFFFF  }
0xaf: {  	s6 =	sshll.u32 @!p0 s1, $0xE  }
0xb0: {  	s6 =	sor.u32 @!p0 $0x4000, s6;
	s5 =	simm.s32 @!p0 $0x1B8D  }
0xb1: {  	s4 =	sshll.u32 @!p0 s4, $0x11;
	s6 =	sadd.s32 @!p0 $0x11B8D, s6;
	_ =	swait.eq @!p0 [sflag:s5], $0x1  }
0xb2: {  	s4 =	sor.u32 @!p0 s4, s6;
	[sflag:s5] =	ssyncadd.s32 @!p0 $0xFFFFFFFF  }
0xb3: {  	s25 =	simm.s32 $0x1B8E;
	s24 =	sld [smem:$0x3FFE];
	[sflag:s4] =	ssyncadd.remote.s32 @!p0 $0x1  }
0xb4: {  	s26 =	simm.s32 $execute0_lowered;
	[smem:$0x3FD2] =	sst s25  }
0xb5: {  	s5 =	sshll.u32 s26, $0x1;
	_ =	strace $0x8000004C;
	[dreg:$0x1] =	wrdreg $0xFFFFFFFF  }
0xb6: {  	s28 =	simm.s32 $_size_execute0_lowered;
	s3 =	sadd.s32 s3, s5;
	[dreg:$0x0] =	wrdreg $0x0  }
0xb7: {  	s5 =	sshll.u32 s28, $0x1;
	[dreg:$0x2] =	wrdreg s3  }
0xb8: {  	[dreg:$0x3] =	wrdreg s5  }
0xb9: {  	[dreg:$0x4] =	wrdreg $0xC0  }
0xba: {  	_ =	task [dreg:s22], $0x5FFFF  }
0xbb: {  	[dreg:$0x1] =	wrdreg $0xFFFFFFFF  }
0xbc: {  	[dreg:$0x0] =	wrdreg $0x60  }
0xbd: {  	[dreg:$0x2] =	wrdreg s24  }
0xbe: {  	[dreg:$0x3] =	wrdreg $0xB  }
0xbf: {  	_ =	task.clear_ibuf [dreg:s22], $0x4FFFF;
	_ =	strace $0x9000004C  }
0xc0: {  	s29 =	simm.s32 $0xB;
	_ =	strace $0x8000004E  }
0xc1: {  	_ =	swait.ge [sflag:s29], $0x1  }
0xc2: {  	[sflag:s29] =	ssyncadd.s32 $0xFFFFFFFF  }
0xc3: {  	_ =	strace $0x9000004E  }
0xc4: {  	_ =	sfence  }
0xc5: {  	s30 =	sld [smem:$0x0];
	_ =	sdelay $0x2  }
0xc6: {  	s31 =	sshll.u32 s1, $0xD;
	s1 =	sshrl.u32 s1, $0x2  }
0xc7: {  	s4 =	sand.u32 $0x4000, s31;
	s1 =	sadd.s32 s1, s30  }
0xc8: {  	s0 =	sor.u32 s4, s0;
	s1 =	sshll.u32 s1, $0x11  }
0xc9: {  	s0 =	sor.u32 s1, s0  }
0xca: {  	s0 =	sadd.s32 $0x8F2B, s0  }
0xcb: {  	[sflag:s0] =	ssyncadd.remote.s32 $0x1  }
0xcc: {  	_ =	sfence.sel $0xFFFF  }
0xcd: {  	[dreg:$0x0] =	wrdreg $0xFFFFFFFF;
	(pc) =	sbr.abs _section_cstart, $3  }
0xce: {  	[dreg:$0x1] =	wrdreg $0xFFFFFFFF  }
0xcf: {  	_ =	task.clear_ibuf [dreg:s22], $0x2FFFF;
	_ =	strace $0x9FFFFFFF  }
0xd0: {  	(tm) =	ssettm $0x7FFFFFFF  }
0xd1: {  	_ =	shalt  }
tec
execute0_lowered:
.L_overlay_start_1:
0x0: {  	(tag) =	ssettag $0x1  }
0x1: {  	s4 =	rddreg [dreg:$0x0]  }
0x2: {  	s0 =	rddreg [dreg:$0x1]  }
0x3: {  	s1 =	stileid.u32;
	s3 =	srdreg.scid  }
0x4: {  	s2 =	simm.s32 $0x0;
	s10 =	simm.s32 $0x3000;
	s11 =	simm.s32 $0x1  }
0x5: {  	s12 =	simm.s32 $0x5800;
	s13 =	simm.s32 $0x2;
	s14 =	simm.s32 $0x8000  }
0x6: {  	s15 =	simm.s32 $0x3;
	s16 =	simm.s32 $0xA800;
	s17 =	simm.s32 $0x4  }
0x7: {  	s18 =	simm.s32 $0x5;
	s19 =	simm.s32 $0x6;
	s20 =	simm.s32 $0x7  }
0x8: {  	s21 =	simm.s32 $0x8;
	s22 =	simm.s32 $0x9;
	s23 =	simm.s32 $0xA  }
0x9: {  	s5 =	sand.u32 $0x1, s3;
	s31 =	sshll.u32 s1, $0x1;
	s6 =	smul.u32 $0xFA00, s1  }
0xa: {  	s3 =	sor.u32 s5, s31;
	s8 =	ssub.s32 $0x2, s5;
	s5 =	smul.u32 $0x7D00, s5  }
0xb: {  	s24 =	simm.s32 $0x0;
	[smem:$0x7FF] =	sst s2;
	s7 =	smul.u32 $0x7D0, s3  }
.Ltmp0:
0xc: {  	_ =	strace $0x8000004D;
	s9 =	sshrl.u32 s8, $0x1;
	(pc) =	sbr.rel .LBB2_1-.Ltmp0, $4  }
0xd: {  	s3 =	sadd.s32 $0xCA00, s4;
	s6 =	sadd.s32 s6, s4;
	s8 =	ssub.s32 s8, s9  }
0xe: {  	s6 =	sadd.s32 s5, s6;
	s9 =	simm.s32 $0x800;
	s7 =	sshrl.u32 s7, $0x3  }
0xf: {  	s5 =	smax.u32 s8, $0x1;
	s6 =	sadd.s32 $0x227C00, s6;
	s4 =	sadd.s32 s4, s7  }
0x10: {  	s8 =	simm.s32 $0x50;
	s7 =	simm.s32 $0xB;
	s4 =	sadd.s32 $0x6A80, s4  }
.LBB2_4:
0x11: {  	_ =	swait.ge [sflag:s19], $0x2800  }
0x12: {  	[sflag:s19] =	ssyncset.done $0x0  }
0x13: {  	[sflag:s19] =	ssyncadd.s32 $0xFFFFD800  }
0x14: {  	_ =	swait.ge [sflag:s20], $0x2800  }
0x15: {  	[sflag:s20] =	ssyncset.done $0x0  }
0x16: {  	[sflag:s20] =	ssyncadd.s32 $0xFFFFD800  }
0x17: {  	_ =	swait.ge [sflag:s21], $0x2800  }
0x18: {  	[sflag:s21] =	ssyncset.done $0x0  }
0x19: {  	s24 =	sadd.s32 $0x1, s24;
	[sflag:s21] =	ssyncadd.s32 $0xFFFFD800  }
0x1a: {  	p0 =	sne.s32 s24, s5;
	_ =	swait.ge [sflag:s22], $0x2800  }
.Ltmp1:
0x1b: {  	[sflag:s22] =	ssyncset.done $0x0;
	(pc) =	sbr.rel @!p0 .LBB2_5-.Ltmp1, $4  }
0x1c: {  	[sflag:s22] =	ssyncadd.s32 $0xFFFFD800  }
0x1d: {  	_ =	swait.ge [sflag:s23], $0x2800  }
0x1e: {  	[sflag:s23] =	ssyncset.done $0x0  }
0x1f: {  	[sflag:s23] =	ssyncadd.s32 $0xFFFFD800  }
.LBB2_1:
0x20: {  	[tilespmem:s2], [sflag:$0xB] =	stream.linear.gather [hbm4b:s4+s2], $0x7D0, $0x38;
	[tilespmem:$0xD000] =	vst v63  }
0x21: {  	_ =	swait.ge [sflag:s7], $0x7D0  }
0x22: {  	[sflag:s7] =	ssyncset.done $0x0  }
0x23: {  	[sflag:s7] =	ssyncadd.s32 $0xFFFFF830  }
0x24: {  	[tilespmem:s9], [sflag:$0x1] =	stream.indirect.gather [hbm4b:s3+s8], $0x80, s2, s8, $0xb8;
	[tilespmem:$0xD000] =	vst v63  }
0x25: {  	s25 =	smov.u32 s6;
	s26 =	simm.s32 $0x0  }
0x26: {  	[tilespmem:s10], [sflag:$0x2] =	stream.indirect.gather [hbm4b:s3+s8], $0x80, s8, s8, $0xb8;
	[tilespmem:$0xD000] =	vst v63  }
.LBB2_2:
0x27: {  	_ =	swait.ge [sflag:s11], $0x2800  }
0x28: {  	p0 =	seq.s32 s26, $0x0;
	[sflag:s11] =	ssyncset.done $0x0  }
0x29: {  	s29 =	simm.s32 @!p0 $0x8;
	[sflag:s11] =	ssyncadd.s32 $0xFFFFD800  }
0x2a: {  	[hbm4b:s25+s2] =	stream.linear.scatter [tilespmem:s9], [sflag:$0x6], $0x2800, $0x38;
	[tilespmem:$0xD000] =	vst v63  }
0x2b: {  	_ =	swait.ge @!p0 [sflag:s29], $0x2800  }
0x2c: {  	s28 =	sshra.s32 s26, $0x2;
	[sflag:s29] =	ssyncset.done @!p0 $0x0  }
0x2d: {  	s31 =	sadd.s32 $0xA0, s28;
	[sflag:s29] =	ssyncadd.s32 @!p0 $0xFFFFD800  }
0x2e: {  	[tilespmem:s12], [sflag:$0x3] =	stream.indirect.gather [hbm4b:s3+s8], $0x80, s31, s8, $0xb8;
	[tilespmem:$0xD000] =	vst v63  }
0x2f: {  	_ =	swait.ge [sflag:s13], $0x2800  }
0x30: {  	[sflag:s13] =	ssyncset.done $0x0  }
0x31: {  	s30 =	sadd.s32 $0x500, s25;
	s29 =	simm.s32 @!p0 $0x9;
	[sflag:s13] =	ssyncadd.s32 $0xFFFFD800  }
0x32: {  	[hbm4b:s30+s2] =	stream.linear.scatter [tilespmem:s10], [sflag:$0x7], $0x2800, $0x38;
	[tilespmem:$0xD000] =	vst v63  }
0x33: {  	_ =	swait.ge @!p0 [sflag:s29], $0x2800  }
0x34: {  	[sflag:s29] =	ssyncset.done @!p0 $0x0  }
0x35: {  	s31 =	sadd.s32 $0xF0, s28;
	[sflag:s29] =	ssyncadd.s32 @!p0 $0xFFFFD800  }
0x36: {  	[tilespmem:s14], [sflag:$0x4] =	stream.indirect.gather [hbm4b:s3+s8], $0x80, s31, s8, $0xb8;
	[tilespmem:$0xD000] =	vst v63  }
0x37: {  	_ =	swait.ge [sflag:s15], $0x2800  }
0x38: {  	[sflag:s15] =	ssyncset.done $0x0  }
0x39: {  	s30 =	sadd.s32 $0xA00, s25;
	s29 =	simm.s32 @!p0 $0xA;
	[sflag:s15] =	ssyncadd.s32 $0xFFFFD800  }
0x3a: {  	[hbm4b:s30+s2] =	stream.linear.scatter [tilespmem:s12], [sflag:$0x8], $0x2800, $0x38;
	[tilespmem:$0xD000] =	vst v63  }
0x3b: {  	_ =	swait.ge @!p0 [sflag:s29], $0x2800  }
0x3c: {  	[sflag:s29] =	ssyncset.done @!p0 $0x0  }
0x3d: {  	s31 =	sadd.s32 $0x140, s28;
	[sflag:s29] =	ssyncadd.s32 @!p0 $0xFFFFD800  }
0x3e: {  	[tilespmem:s16], [sflag:$0x5] =	stream.indirect.gather [hbm4b:s3+s8], $0x80, s31, s8, $0xb8;
	[tilespmem:$0xD000] =	vst v63  }
0x3f: {  	_ =	swait.ge [sflag:s17], $0x2800  }
0x40: {  	p0 =	seq.s32 s26, $0x1900;
	[sflag:s17] =	ssyncset.done $0x0  }
0x41: {  	s30 =	sadd.s32 $0xF00, s25;
	s29 =	simm.s32 @!p0 $0x6;
	[sflag:s17] =	ssyncadd.s32 $0xFFFFD800  }
0x42: {  	[hbm4b:s30+s2] =	stream.linear.scatter [tilespmem:s14], [sflag:$0x9], $0x2800, $0x38;
	[tilespmem:$0xD000] =	vst v63  }
0x43: {  	_ =	swait.ge @!p0 [sflag:s29], $0x2800  }
0x44: {  	[sflag:s29] =	ssyncset.done @!p0 $0x0  }
0x45: {  	[sflag:s29] =	ssyncadd.s32 @!p0 $0xFFFFD800;
	s29 =	sshra.s32 @!p0 s26, $0x2  }
0x46: {  	s31 =	simm.s32 @!p0 $0x800;
	s30 =	simm.s32 @!p0 $0x50;
	s29 =	sadd.s32 @!p0 $0x190, s29  }
0x47: {  	[tilespmem:s31], [sflag:$0x1] =	stream.indirect.gather @!p0 [hbm4b:s3+s30], $0x80, s29, s30, $0xb8;
	[tilespmem:$0xD000] =	vst v63  }
.Ltmp2:
0x48: {  	_ = 	snop;
	(pc) =	sbr.rel @p0 .LBB2_4-.Ltmp2, $4  }
0x49: {  	_ =	swait.ge [sflag:s18], $0x2800  }
0x4a: {  	[sflag:s18] =	ssyncset.done $0x0  }
0x4b: {  	s31 =	sadd.s32 $0x1400, s25;
	[sflag:s18] =	ssyncadd.s32 $0xFFFFD800  }
0x4c: {  	[hbm4b:s31+s2] =	stream.linear.scatter [tilespmem:s16], [sflag:$0xA], $0x2800, $0x38;
	[tilespmem:$0xD000] =	vst v63  }
.Ltmp3:
0x4d: {  	(pc) =	sbr.rel .LBB2_2-.Ltmp3, $4  }
0x4e: {  	_ =	swait.ge [sflag:s20], $0x2800  }
0x4f: {  	s28 =	sadd.s32 $0x1E0, s28;
	[sflag:s20] =	ssyncset.done $0x0  }
0x50: {  	s26 =	sadd.s32 $0x640, s26;
	s25 =	sadd.s32 $0x1900, s25;
	[sflag:s20] =	ssyncadd.s32 $0xFFFFD800  }
0x51: {  	[tilespmem:s10], [sflag:$0x2] =	stream.indirect.gather [hbm4b:s3+s8], $0x80, s28, s8, $0xb8;
	[tilespmem:$0xD000] =	vst v63  }
.LBB2_5:
0x52: {  	_ =	sfence.sel $0x180000  }
0x53: {  	[bflag:$0x0] =	sbarrier.arrive $0xFFFF  }
0x54: {  	p0 =	sne.s32 s1, $0x0;
	_ =	strace $0x9000004D  }
0x55: {  	s0 =	sadd.s32 @!p0 $0x100000, s0;
	[bflag:$0x2] =	sbarrier.arrive $0xFFFF  }
0x56: {  	[sflag:s0] =	ssyncadd.tile.s32 @!p0 $0x1;
	_ =	shalt  }
.Lfunc_end2:
_tile_overlayer_lowered:
.L_overlay_start_2:
0x57: {  	(tag) =	ssettag $0x2  }
0x58: {  	s0 =	rddreg [dreg:$0x0];
	s2 =	stileid.u32  }
0x59: {  	s1 =	rddreg [dreg:$0x1];
	p0 =	sne.s32 s2, $0x0  }
0x5a: {  	s3 =	rddreg [dreg:$0x2];
	[bflag:$0x3] =	sbarrier.arrive $0xFFFF;
	s2 =	simm.s32 @!p0 $0x1C0B  }
0x5b: {  	[timem:s3], [sflag:s2] =	dma.local @!p0 [hbm:s0], s1  }
0x5c: {  	s0 =	simm.s32 @!p0 $0xB  }
0x5d: {  	_ =	swait.ge @!p0 [sflag:s0], s1  }
0x5e: {  	s1 =	ssub.s32 @!p0 $0x0, s1;
	[sflag:s0] =	ssyncset.done @!p0 $0x0  }
0x5f: {  	[sflag:s0] =	ssyncadd.s32 @!p0 s1  }
0x60: {  	[bflag:$0x3] =	sbarrier.arrive $0xFFFF  }
0x61: {  	_ =	shalt  }

// kernel: kernel.22.cloned.1.call-start
scs
__scs_entry_jumppad:
0x0: {  	(pc) =	sbr.rel $0x88, $3  }
0x1: {  	(tag) =	ssettag $0x0;
	lr =	simm.s32 $0x1  }
0x2: {  	[smem:$0x3F9C] =	sst lr;
	_ =	strace $0xD0000000  }
0x3: {  	_ = 	snop  }
0x4: {  	_ = 	snop  }
0x5: {  	_ = 	snop  }
0x6: {  	_ = 	snop  }
0x7: {  	_ = 	snop  }
__scs_overlays_trampoline_lowered:
0x8: {  	[smem:$0x3FAB] =	sst s0  }
0x9: {  	[smem:$0x3FAC] =	sst s1  }
0xa: {  	[smem:$0x3FAD] =	sst s2  }
0xb: {  	[smem:$0x3FAE] =	sst s3  }
0xc: {  	[smem:$0x3FAF] =	sst s4  }
0xd: {  	[smem:$0x3FB0] =	sst s5  }
0xe: {  	[smem:$0x3FB1] =	sst s6  }
0xf: {  	[smem:$0x3FB2] =	sst s7  }
0x10: {  	[smem:$0x3FB3] =	sst s8  }
0x11: {  	[smem:$0x3FB4] =	sst s9;
	s0 =	simm.s32 @!p0 $0x0  }
0x12: {  	s1 =	sld [smem:$0x3F9A];
	s0 =	simm.s32 @p0 $0x1  }
0x13: {  	[smem:$0x3FB5] =	sst s0;
	s0 =	simm.s32 @!p1 $0x0  }
0x14: {  	s2 =	sld [smem:$0x3F99];
	s0 =	simm.s32 @p1 $0x1  }
0x15: {  	[smem:$0x3FB6] =	sst s0;
	s0 =	simm.s32 @!p2 $0x0  }
0x16: {  	s3 =	sld [smem:$0x3FDB];
	s0 =	simm.s32 @p2 $0x1  }
0x17: {  	s4 =	simm.s32 $0x1BF5;
	[smem:$0x3FB8] =	sst s0  }
0x18: {  	s0 =	sld [smem:$0x3F9B];
	_ =	swait.ge [sflag:s4], $0x0  }
0x19: {  	s7 =	sld [smem:$0x3F9C]  }
0x1a: {  	s8 =	sadd.s32 $0xFFFFE003, lr  }
0x1b: {  	s9 =	sadd.s32 $0xFFFFFEF7, lr;
	s5 =	simm.s32 $0xFFFFFFFF;
	p2 =	slt.u32 s8, $0xFFFFF086  }
0x1c: {  	p1 =	slt.u32 s9, $0xF7A;
	s5 =	simm.s32 @!p2 $0x0  }
0x1d: {  	s5 =	simm.s32 @p1 $0x1;
	p0 =	seq.s32 s7, s2  }
0x1e: {  	s7 =	smul.u32 @!p0 $0xF7A, s2;
	p2 =	seq.s32 @!p0 s5, $0x0  }
0x1f: {  	s9 =	smul.u32 $0xF7A, s1;
	s8 =	simm.s32 @!p0 $0x1BF5;
	p2 =	por !p2, p0  }
0x20: {  	[sflag:s8] =	ssyncset.s32 @!p0 $0xFFFFF086;
	s6 =	sadd.s32 @!p0 s3, s7;
	s7 =	simm.s32 @!p0 $0x108  }
0x21: {  	s3 =	sadd.s32 s3, s9;
	s6 =	sadd.s32 @!p0 $0x88, s6;
	s7 =	simm.s32 @p2 $0x1082  }
0x22: {  	[simem:s7], [sflag:s8] =	dma.local @!p0 [hbm:s6], $0xF7A  }
0x23: {  	s9 =	sor.u32 $0xD0000000, s2;
	s6 =	simm.s32 $0x108;
	_ =	swait.ge @!p0 [sflag:s8], $0x0  }
0x24: {  	s3 =	sadd.s32 $0x88, s3;
	s6 =	simm.s32 @!p1 $0x1082;
	[sflag:s4] =	ssyncset.s32 $0xFFFFF086  }
0x25: {  	[simem:s6], [sflag:s4] =	dma.local [hbm:s3], $0xF7A  }
0x26: {  	[smem:$0x3F9C] =	sst s1;
	(tag) =	ssettag s2;
	_ =	strace s9  }
0x27: {  	s1 =	sld [smem:$0x3FAC]  }
0x28: {  	s2 =	sld [smem:$0x3FAD]  }
0x29: {  	s4 =	sld [smem:$0x3FAF]  }
0x2a: {  	p0 =	seq.s32 s5, $0x0;
	s5 =	sld [smem:$0x3FB0]  }
0x2b: {  	s6 =	sld [smem:$0x3FB1]  }
0x2c: {  	s7 =	sld [smem:$0x3FB2]  }
0x2d: {  	s3 =	simm.s32 $0x108;
	s8 =	sld [smem:$0x3FB3]  }
0x2e: {  	s3 =	simm.s32 @!p0 $0x1082;
	s9 =	sld [smem:$0x3FB4]  }
0x2f: {  	lr =	sadd.s32 s0, s3;
	s0 =	sld [smem:$0x3FAB]  }
0x30: {  	s3 =	sld [smem:$0x3FAE]  }
0x31: {  	[smem:$0x3FB7] =	sst s10  }
0x32: {  	s10 =	sld [smem:$0x3FB5];
	_ =	sdelay $0x3  }
0x33: {  	p0 =	seq.s32 s10, $0x1;
	s10 =	sld [smem:$0x3FB7];
	_ =	sdelay $0x3  }
0x34: {  	[smem:$0x3FB7] =	sst s10  }
0x35: {  	s10 =	sld [smem:$0x3FB6];
	_ =	sdelay $0x3  }
0x36: {  	p1 =	seq.s32 s10, $0x1;
	s10 =	sld [smem:$0x3FB7];
	_ =	sdelay $0x3  }
0x37: {  	[smem:$0x3FB7] =	sst s10  }
0x38: {  	s10 =	sld [smem:$0x3FB8]  }
0x39: {  	_ = 	snop;
	(pc) =	sbr.ind lr, $3  }
0x3a: {  	_ = 	snop  }
0x3b: {  	_ = 	snop  }
0x3c: {  	p2 =	seq.s32 s10, $0x1;
	s10 =	sld [smem:$0x3FB7]  }
0x3d: {  	_ =	shalt  }
0x3e: {  	_ =	shalt  }
0x3f: {  	_ =	shalt  }
0x40: {  	_ =	shalt  }
0x41: {  	_ =	shalt  }
0x42: {  	_ =	shalt  }
0x43: {  	_ =	shalt  }
0x44: {  	_ =	shalt  }
0x45: {  	_ =	shalt  }
0x46: {  	_ =	shalt  }
0x47: {  	_ =	shalt  }
0x48: {  	_ =	shalt  }
0x49: {  	_ =	shalt  }
0x4a: {  	_ =	shalt  }
0x4b: {  	_ =	shalt  }
0x4c: {  	_ =	shalt  }
0x4d: {  	_ =	shalt  }
0x4e: {  	_ =	shalt  }
0x4f: {  	_ =	shalt  }
0x50: {  	_ =	shalt  }
0x51: {  	_ =	shalt  }
0x52: {  	_ =	shalt  }
0x53: {  	_ =	shalt  }
0x54: {  	_ =	shalt  }
0x55: {  	_ =	shalt  }
0x56: {  	_ =	shalt  }
0x57: {  	_ =	shalt  }
0x58: {  	_ =	shalt  }
0x59: {  	_ =	shalt  }
0x5a: {  	_ =	shalt  }
0x5b: {  	_ =	shalt  }
0x5c: {  	_ =	shalt  }
0x5d: {  	_ =	shalt  }
0x5e: {  	_ =	shalt  }
0x5f: {  	_ =	shalt  }
0x60: {  	_ =	shalt  }
0x61: {  	_ =	shalt  }
0x62: {  	_ =	shalt  }
0x63: {  	_ =	shalt  }
0x64: {  	_ =	shalt  }
0x65: {  	_ =	shalt  }
0x66: {  	_ =	shalt  }
0x67: {  	_ =	shalt  }
0x68: {  	_ =	shalt  }
0x69: {  	_ =	shalt  }
0x6a: {  	_ =	shalt  }
0x6b: {  	_ =	shalt  }
0x6c: {  	_ =	shalt  }
0x6d: {  	_ =	shalt  }
0x6e: {  	_ =	shalt  }
0x6f: {  	_ =	shalt  }
0x70: {  	_ =	shalt  }
0x71: {  	_ =	shalt  }
0x72: {  	_ =	shalt  }
0x73: {  	_ =	shalt  }
0x74: {  	_ =	shalt  }
0x75: {  	_ =	shalt  }
0x76: {  	_ =	shalt  }
0x77: {  	_ =	shalt  }
0x78: {  	_ =	shalt  }
0x79: {  	_ =	shalt  }
0x7a: {  	_ =	shalt  }
0x7b: {  	_ =	shalt  }
0x7c: {  	_ =	shalt  }
0x7d: {  	_ =	shalt  }
0x7e: {  	_ =	shalt  }
0x7f: {  	_ =	shalt  }
0x80: {  	_ =	shalt  }
0x81: {  	_ =	shalt  }
0x82: {  	_ =	shalt  }
0x83: {  	_ =	shalt  }
0x84: {  	_ =	shalt  }
0x85: {  	_ =	shalt  }
0x86: {  	_ =	shalt  }
0x87: {  	_ =	shalt  }
.Lfunc_end0:
.L_simem_size_0:
called_computation.3_lowered:
.L_overlay_start_0:
0x88: {  	s2 =	sld [smem:$0x3FD9]  }
0x89: {  	s3 =	sld [smem:$0x3FFE];
	_ =	sdelay $0x1  }
0x8a: {  	s1 =	srdreg.scid  }
0x8b: {  	s0 =	sand.u32 $0x1, s1  }
0x8c: {  	s17 =	sshll.u32 s0, $0xA;
	s2 =	sadd.s32 s3, s2  }
0x8d: {  	s2 =	sadd.s32 s2, s17  }
0x8e: {  	[smem:$0x3FC3] =	sst s2  }
0x8f: {  	_ = 	snop  }
0x90: {  	(tm) =	ssettm $0x1  }
0x91: {  	s18 =	sld [smem:$0x3FFB];
	_ =	sdelay $0x3  }
0x92: {  	_ =	strace s18  }
0x93: {  	s2 =	sld [smem:$0x3FFC];
	_ =	sdelay $0x3  }
0x94: {  	_ =	strace s2  }
0x95: {  	s2 =	sld [smem:$0x3FFD];
	_ =	sdelay $0x3  }
0x96: {  	_ =	strace s2  }
0x97: {  	_ =	strace $0x8FFFFFFF  }
0x98: {  	s19 =	sld [smem:$0x3FDB];
	_ =	sdelay $0x1  }
0x99: {  	s20 =	simm.s32 $_scs_section_size  }
0x9a: {  	s4 =	simm.s32 $_size__tile_overlayer_lowered;
	s5 =	simm.s32 $_tile_overlayer_lowered  }
0x9b: {  	s6 =	simm.s32 $0x1BFF;
	s21 =	sshll.u32 s5, $0x1;
	s3 =	sadd.s32 s20, s19  }
0x9c: {  	s22 =	simm.s32 $0x0;
	s4 =	sshll.u32 s4, $0x1;
	s5 =	sadd.s32 s21, s3  }
0x9d: {  	[timem:s22], [sflag:s6] =	dma.local [hbm:s5], s4  }
0x9e: {  	_ =	swait.ge [sflag:s6], s4  }
0x9f: {  	s4 =	ssub.s32 $0x0, s4;
	[sflag:s6] =	ssyncset.done $0x0  }
0xa0: {  	[sflag:s6] =	ssyncadd.s32 s4;
	_ =	sdelay $0x1  }
0xa1: {  	s23 =	simm.s32 $0x1B8B  }
0xa2: {  	_ =	swait.ge [sflag:s23], $0x1  }
0xa3: {  	[sflag:s23] =	ssyncset.done $0x0  }
0xa4: {  	[sflag:s23] =	ssyncadd.s32 $0xFFFFFFFF  }
0xa5: {  	s4 =	sld [smem:$0x0]  }
0xa6: {  	s5 =	sand.u32 $0xFFFFFFFE, s1  }
0xa7: {  	p0 =	sne.s32 s1, s5  }
0xa8: {  	s5 =	sshll.u32 @p0 s5, $0xE  }
0xa9: {  	s5 =	sadd.s32 @p0 $0x11B8D, s5;
	s6 =	sshll.u32 @p0 s4, $0x11  }
0xaa: {  	s5 =	sor.u32 @p0 s6, s5  }
0xab: {  	[sflag:s5] =	ssyncadd.remote.s32 @p0 $0x1;
	_ =	sdelay $0x1  }
0xac: {  	s5 =	simm.s32 @p0 $0x1B8D  }
0xad: {  	_ =	swait.eq @p0 [sflag:s5], $0x1  }
0xae: {  	[sflag:s5] =	ssyncadd.s32 @p0 $0xFFFFFFFF  }
0xaf: {  	s6 =	sshll.u32 @!p0 s1, $0xE  }
0xb0: {  	s6 =	sor.u32 @!p0 $0x4000, s6;
	s5 =	simm.s32 @!p0 $0x1B8D  }
0xb1: {  	s4 =	sshll.u32 @!p0 s4, $0x11;
	s6 =	sadd.s32 @!p0 $0x11B8D, s6;
	_ =	swait.eq @!p0 [sflag:s5], $0x1  }
0xb2: {  	s4 =	sor.u32 @!p0 s4, s6;
	[sflag:s5] =	ssyncadd.s32 @!p0 $0xFFFFFFFF  }
0xb3: {  	s25 =	simm.s32 $0x1B8E;
	s24 =	sld [smem:$0x3FFE];
	[sflag:s4] =	ssyncadd.remote.s32 @!p0 $0x1  }
0xb4: {  	s26 =	simm.s32 $execute0_lowered;
	[smem:$0x3FD2] =	sst s25  }
0xb5: {  	s5 =	sshll.u32 s26, $0x1;
	_ =	strace $0x8000004F;
	[dreg:$0x1] =	wrdreg $0xFFFFFFFF  }
0xb6: {  	s28 =	simm.s32 $_size_execute0_lowered;
	s3 =	sadd.s32 s3, s5;
	[dreg:$0x0] =	wrdreg $0x0  }
0xb7: {  	s5 =	sshll.u32 s28, $0x1;
	[dreg:$0x2] =	wrdreg s3  }
0xb8: {  	[dreg:$0x3] =	wrdreg s5  }
0xb9: {  	[dreg:$0x4] =	wrdreg $0xC0  }
0xba: {  	_ =	task [dreg:s22], $0x5FFFF  }
0xbb: {  	[dreg:$0x1] =	wrdreg $0xFFFFFFFF  }
0xbc: {  	[dreg:$0x0] =	wrdreg $0x60  }
0xbd: {  	[dreg:$0x2] =	wrdreg s24  }
0xbe: {  	[dreg:$0x3] =	wrdreg $0xC  }
0xbf: {  	_ =	task.clear_ibuf [dreg:s22], $0x4FFFF;
	_ =	strace $0x9000004F  }
0xc0: {  	s29 =	simm.s32 $0xC;
	_ =	strace $0x80000051  }
0xc1: {  	_ =	swait.ge [sflag:s29], $0x1  }
0xc2: {  	[sflag:s29] =	ssyncadd.s32 $0xFFFFFFFF  }
0xc3: {  	_ =	strace $0x90000051  }
0xc4: {  	_ =	sfence  }
0xc5: {  	s30 =	sld [smem:$0x0];
	_ =	sdelay $0x2  }
0xc6: {  	s31 =	sshll.u32 s1, $0xD;
	s1 =	sshrl.u32 s1, $0x2  }
0xc7: {  	s4 =	sand.u32 $0x4000, s31;
	s1 =	sadd.s32 s1, s30  }
0xc8: {  	s0 =	sor.u32 s4, s0;
	s1 =	sshll.u32 s1, $0x11  }
0xc9: {  	s0 =	sor.u32 s1, s0  }
0xca: {  	s0 =	sadd.s32 $0x8F2B, s0  }
0xcb: {  	[sflag:s0] =	ssyncadd.remote.s32 $0x1  }
0xcc: {  	_ =	sfence.sel $0xFFFF  }
0xcd: {  	[dreg:$0x0] =	wrdreg $0xFFFFFFFF;
	(pc) =	sbr.abs _section_cstart, $3  }
0xce: {  	[dreg:$0x1] =	wrdreg $0xFFFFFFFF  }
0xcf: {  	_ =	task.clear_ibuf [dreg:s22], $0x2FFFF;
	_ =	strace $0x9FFFFFFF  }
0xd0: {  	(tm) =	ssettm $0x7FFFFFFF  }
0xd1: {  	_ =	shalt  }
tec
execute0_lowered:
.L_overlay_start_1:
0x0: {  	(tag) =	ssettag $0x1  }
0x1: {  	s4 =	rddreg [dreg:$0x0]  }
0x2: {  	s0 =	rddreg [dreg:$0x1]  }
0x3: {  	s1 =	stileid.u32;
	s3 =	srdreg.scid  }
0x4: {  	s2 =	simm.s32 $0x0;
	s10 =	simm.s32 $0x3000;
	s11 =	simm.s32 $0x1  }
0x5: {  	s12 =	simm.s32 $0x5800;
	s13 =	simm.s32 $0x2;
	s14 =	simm.s32 $0x8000  }
0x6: {  	s15 =	simm.s32 $0x3;
	s16 =	simm.s32 $0xA800;
	s17 =	simm.s32 $0x4  }
0x7: {  	s18 =	simm.s32 $0x5;
	s19 =	simm.s32 $0x6;
	s20 =	simm.s32 $0x7  }
0x8: {  	s21 =	simm.s32 $0x8;
	s22 =	simm.s32 $0x9;
	s23 =	simm.s32 $0xA  }
0x9: {  	s5 =	sand.u32 $0x1, s3;
	s31 =	sshll.u32 s1, $0x1;
	s6 =	smul.u32 $0xFA00, s1  }
0xa: {  	s3 =	sor.u32 s5, s31;
	s8 =	ssub.s32 $0x2, s5;
	s5 =	smul.u32 $0x7D00, s5  }
0xb: {  	s24 =	simm.s32 $0x0;
	[smem:$0x7FF] =	sst s2;
	s7 =	smul.u32 $0x7D0, s3  }
.Ltmp0:
0xc: {  	_ =	strace $0x80000050;
	s9 =	sshrl.u32 s8, $0x1;
	(pc) =	sbr.rel .LBB2_1-.Ltmp0, $4  }
0xd: {  	s3 =	sadd.s32 $0xCA00, s4;
	s6 =	sadd.s32 s6, s4;
	s8 =	ssub.s32 s8, s9  }
0xe: {  	s6 =	sadd.s32 s5, s6;
	s9 =	simm.s32 $0x800;
	s7 =	sshrl.u32 s7, $0x3  }
0xf: {  	s5 =	smax.u32 s8, $0x1;
	s6 =	sadd.s32 $0x321C00, s6;
	s4 =	sadd.s32 s4, s7  }
0x10: {  	s8 =	simm.s32 $0x50;
	s7 =	simm.s32 $0xB;
	s4 =	sadd.s32 $0x89C0, s4  }
.LBB2_4:
0x11: {  	_ =	swait.ge [sflag:s19], $0x2800  }
0x12: {  	[sflag:s19] =	ssyncset.done $0x0  }
0x13: {  	[sflag:s19] =	ssyncadd.s32 $0xFFFFD800  }
0x14: {  	_ =	swait.ge [sflag:s20], $0x2800  }
0x15: {  	[sflag:s20] =	ssyncset.done $0x0  }
0x16: {  	[sflag:s20] =	ssyncadd.s32 $0xFFFFD800  }
0x17: {  	_ =	swait.ge [sflag:s21], $0x2800  }
0x18: {  	[sflag:s21] =	ssyncset.done $0x0  }
0x19: {  	s24 =	sadd.s32 $0x1, s24;
	[sflag:s21] =	ssyncadd.s32 $0xFFFFD800  }
0x1a: {  	p0 =	sne.s32 s24, s5;
	_ =	swait.ge [sflag:s22], $0x2800  }
.Ltmp1:
0x1b: {  	[sflag:s22] =	ssyncset.done $0x0;
	(pc) =	sbr.rel @!p0 .LBB2_5-.Ltmp1, $4  }
0x1c: {  	[sflag:s22] =	ssyncadd.s32 $0xFFFFD800  }
0x1d: {  	_ =	swait.ge [sflag:s23], $0x2800  }
0x1e: {  	[sflag:s23] =	ssyncset.done $0x0  }
0x1f: {  	[sflag:s23] =	ssyncadd.s32 $0xFFFFD800  }
.LBB2_1:
0x20: {  	[tilespmem:s2], [sflag:$0xB] =	stream.linear.gather [hbm4b:s4+s2], $0x7D0, $0x38;
	[tilespmem:$0xD000] =	vst v63  }
0x21: {  	_ =	swait.ge [sflag:s7], $0x7D0  }
0x22: {  	[sflag:s7] =	ssyncset.done $0x0  }
0x23: {  	[sflag:s7] =	ssyncadd.s32 $0xFFFFF830  }
0x24: {  	[tilespmem:s9], [sflag:$0x1] =	stream.indirect.gather [hbm4b:s3+s8], $0x80, s2, s8, $0xb8;
	[tilespmem:$0xD000] =	vst v63  }
0x25: {  	s25 =	smov.u32 s6;
	s26 =	simm.s32 $0x0  }
0x26: {  	[tilespmem:s10], [sflag:$0x2] =	stream.indirect.gather [hbm4b:s3+s8], $0x80, s8, s8, $0xb8;
	[tilespmem:$0xD000] =	vst v63  }
.LBB2_2:
0x27: {  	_ =	swait.ge [sflag:s11], $0x2800  }
0x28: {  	p0 =	seq.s32 s26, $0x0;
	[sflag:s11] =	ssyncset.done $0x0  }
0x29: {  	s29 =	simm.s32 @!p0 $0x8;
	[sflag:s11] =	ssyncadd.s32 $0xFFFFD800  }
0x2a: {  	[hbm4b:s25+s2] =	stream.linear.scatter [tilespmem:s9], [sflag:$0x6], $0x2800, $0x38;
	[tilespmem:$0xD000] =	vst v63  }
0x2b: {  	_ =	swait.ge @!p0 [sflag:s29], $0x2800  }
0x2c: {  	s28 =	sshra.s32 s26, $0x2;
	[sflag:s29] =	ssyncset.done @!p0 $0x0  }
0x2d: {  	s31 =	sadd.s32 $0xA0, s28;
	[sflag:s29] =	ssyncadd.s32 @!p0 $0xFFFFD800  }
0x2e: {  	[tilespmem:s12], [sflag:$0x3] =	stream.indirect.gather [hbm4b:s3+s8], $0x80, s31, s8, $0xb8;
	[tilespmem:$0xD000] =	vst v63  }
0x2f: {  	_ =	swait.ge [sflag:s13], $0x2800  }
0x30: {  	[sflag:s13] =	ssyncset.done $0x0  }
0x31: {  	s30 =	sadd.s32 $0x500, s25;
	s29 =	simm.s32 @!p0 $0x9;
	[sflag:s13] =	ssyncadd.s32 $0xFFFFD800  }
0x32: {  	[hbm4b:s30+s2] =	stream.linear.scatter [tilespmem:s10], [sflag:$0x7], $0x2800, $0x38;
	[tilespmem:$0xD000] =	vst v63  }
0x33: {  	_ =	swait.ge @!p0 [sflag:s29], $0x2800  }
0x34: {  	[sflag:s29] =	ssyncset.done @!p0 $0x0  }
0x35: {  	s31 =	sadd.s32 $0xF0, s28;
	[sflag:s29] =	ssyncadd.s32 @!p0 $0xFFFFD800  }
0x36: {  	[tilespmem:s14], [sflag:$0x4] =	stream.indirect.gather [hbm4b:s3+s8], $0x80, s31, s8, $0xb8;
	[tilespmem:$0xD000] =	vst v63  }
0x37: {  	_ =	swait.ge [sflag:s15], $0x2800  }
0x38: {  	[sflag:s15] =	ssyncset.done $0x0  }
0x39: {  	s30 =	sadd.s32 $0xA00, s25;
	s29 =	simm.s32 @!p0 $0xA;
	[sflag:s15] =	ssyncadd.s32 $0xFFFFD800  }
0x3a: {  	[hbm4b:s30+s2] =	stream.linear.scatter [tilespmem:s12], [sflag:$0x8], $0x2800, $0x38;
	[tilespmem:$0xD000] =	vst v63  }
0x3b: {  	_ =	swait.ge @!p0 [sflag:s29], $0x2800  }
0x3c: {  	[sflag:s29] =	ssyncset.done @!p0 $0x0  }
0x3d: {  	s31 =	sadd.s32 $0x140, s28;
	[sflag:s29] =	ssyncadd.s32 @!p0 $0xFFFFD800  }
0x3e: {  	[tilespmem:s16], [sflag:$0x5] =	stream.indirect.gather [hbm4b:s3+s8], $0x80, s31, s8, $0xb8;
	[tilespmem:$0xD000] =	vst v63  }
0x3f: {  	_ =	swait.ge [sflag:s17], $0x2800  }
0x40: {  	p0 =	seq.s32 s26, $0x1900;
	[sflag:s17] =	ssyncset.done $0x0  }
0x41: {  	s30 =	sadd.s32 $0xF00, s25;
	s29 =	simm.s32 @!p0 $0x6;
	[sflag:s17] =	ssyncadd.s32 $0xFFFFD800  }
0x42: {  	[hbm4b:s30+s2] =	stream.linear.scatter [tilespmem:s14], [sflag:$0x9], $0x2800, $0x38;
	[tilespmem:$0xD000] =	vst v63  }
0x43: {  	_ =	swait.ge @!p0 [sflag:s29], $0x2800  }
0x44: {  	[sflag:s29] =	ssyncset.done @!p0 $0x0  }
0x45: {  	[sflag:s29] =	ssyncadd.s32 @!p0 $0xFFFFD800;
	s29 =	sshra.s32 @!p0 s26, $0x2  }
0x46: {  	s31 =	simm.s32 @!p0 $0x800;
	s30 =	simm.s32 @!p0 $0x50;
	s29 =	sadd.s32 @!p0 $0x190, s29  }
0x47: {  	[tilespmem:s31], [sflag:$0x1] =	stream.indirect.gather @!p0 [hbm4b:s3+s30], $0x80, s29, s30, $0xb8;
	[tilespmem:$0xD000] =	vst v63  }
.Ltmp2:
0x48: {  	_ = 	snop;
	(pc) =	sbr.rel @p0 .LBB2_4-.Ltmp2, $4  }
0x49: {  	_ =	swait.ge [sflag:s18], $0x2800  }
0x4a: {  	[sflag:s18] =	ssyncset.done $0x0  }
0x4b: {  	s31 =	sadd.s32 $0x1400, s25;
	[sflag:s18] =	ssyncadd.s32 $0xFFFFD800  }
0x4c: {  	[hbm4b:s31+s2] =	stream.linear.scatter [tilespmem:s16], [sflag:$0xA], $0x2800, $0x38;
	[tilespmem:$0xD000] =	vst v63  }
.Ltmp3:
0x4d: {  	(pc) =	sbr.rel .LBB2_2-.Ltmp3, $4  }
0x4e: {  	_ =	swait.ge [sflag:s20], $0x2800  }
0x4f: {  	s28 =	sadd.s32 $0x1E0, s28;
	[sflag:s20] =	ssyncset.done $0x0  }
0x50: {  	s26 =	sadd.s32 $0x640, s26;
	s25 =	sadd.s32 $0x1900, s25;
	[sflag:s20] =	ssyncadd.s32 $0xFFFFD800  }
0x51: {  	[tilespmem:s10], [sflag:$0x2] =	stream.indirect.gather [hbm4b:s3+s8], $0x80, s28, s8, $0xb8;
	[tilespmem:$0xD000] =	vst v63  }
.LBB2_5:
0x52: {  	_ =	sfence.sel $0x180000  }
0x53: {  	[bflag:$0x0] =	sbarrier.arrive $0xFFFF  }
0x54: {  	p0 =	sne.s32 s1, $0x0;
	_ =	strace $0x90000050  }
0x55: {  	s0 =	sadd.s32 @!p0 $0x100000, s0;
	[bflag:$0x2] =	sbarrier.arrive $0xFFFF  }
0x56: {  	[sflag:s0] =	ssyncadd.tile.s32 @!p0 $0x1;
	_ =	shalt  }
.Lfunc_end2:
_tile_overlayer_lowered:
.L_overlay_start_2:
0x57: {  	(tag) =	ssettag $0x2  }
0x58: {  	s0 =	rddreg [dreg:$0x0];
	s2 =	stileid.u32  }
0x59: {  	s1 =	rddreg [dreg:$0x1];
	p0 =	sne.s32 s2, $0x0  }
0x5a: {  	s3 =	rddreg [dreg:$0x2];
	[bflag:$0x3] =	sbarrier.arrive $0xFFFF;
	s2 =	simm.s32 @!p0 $0x1C0B  }
0x5b: {  	[timem:s3], [sflag:s2] =	dma.local @!p0 [hbm:s0], s1  }
0x5c: {  	s0 =	simm.s32 @!p0 $0xB  }
0x5d: {  	_ =	swait.ge @!p0 [sflag:s0], s1  }
0x5e: {  	s1 =	ssub.s32 @!p0 $0x0, s1;
	[sflag:s0] =	ssyncset.done @!p0 $0x0  }
0x5f: {  	[sflag:s0] =	ssyncadd.s32 @!p0 s1  }
0x60: {  	[bflag:$0x3] =	sbarrier.arrive $0xFFFF  }
0x61: {  	_ =	shalt  }

// kernel: kernel.25.cloned.1.call-start
scs
__scs_entry_jumppad:
0x0: {  	(pc) =	sbr.rel $0x88, $3  }
0x1: {  	(tag) =	ssettag $0x0;
	lr =	simm.s32 $0x1  }
0x2: {  	[smem:$0x3F9C] =	sst lr;
	_ =	strace $0xD0000000  }
0x3: {  	_ = 	snop  }
0x4: {  	_ = 	snop  }
0x5: {  	_ = 	snop  }
0x6: {  	_ = 	snop  }
0x7: {  	_ = 	snop  }
__scs_overlays_trampoline_lowered:
0x8: {  	[smem:$0x3FAB] =	sst s0  }
0x9: {  	[smem:$0x3FAC] =	sst s1  }
0xa: {  	[smem:$0x3FAD] =	sst s2  }
0xb: {  	[smem:$0x3FAE] =	sst s3  }
0xc: {  	[smem:$0x3FAF] =	sst s4  }
0xd: {  	[smem:$0x3FB0] =	sst s5  }
0xe: {  	[smem:$0x3FB1] =	sst s6  }
0xf: {  	[smem:$0x3FB2] =	sst s7  }
0x10: {  	[smem:$0x3FB3] =	sst s8  }
0x11: {  	[smem:$0x3FB4] =	sst s9;
	s0 =	simm.s32 @!p0 $0x0  }
0x12: {  	s1 =	sld [smem:$0x3F9A];
	s0 =	simm.s32 @p0 $0x1  }
0x13: {  	[smem:$0x3FB5] =	sst s0;
	s0 =	simm.s32 @!p1 $0x0  }
0x14: {  	s2 =	sld [smem:$0x3F99];
	s0 =	simm.s32 @p1 $0x1  }
0x15: {  	[smem:$0x3FB6] =	sst s0;
	s0 =	simm.s32 @!p2 $0x0  }
0x16: {  	s3 =	sld [smem:$0x3FDB];
	s0 =	simm.s32 @p2 $0x1  }
0x17: {  	s4 =	simm.s32 $0x1BF5;
	[smem:$0x3FB8] =	sst s0  }
0x18: {  	s0 =	sld [smem:$0x3F9B];
	_ =	swait.ge [sflag:s4], $0x0  }
0x19: {  	s7 =	sld [smem:$0x3F9C]  }
0x1a: {  	s8 =	sadd.s32 $0xFFFFE003, lr  }
0x1b: {  	s9 =	sadd.s32 $0xFFFFFEF7, lr;
	s5 =	simm.s32 $0xFFFFFFFF;
	p2 =	slt.u32 s8, $0xFFFFF086  }
0x1c: {  	p1 =	slt.u32 s9, $0xF7A;
	s5 =	simm.s32 @!p2 $0x0  }
0x1d: {  	s5 =	simm.s32 @p1 $0x1;
	p0 =	seq.s32 s7, s2  }
0x1e: {  	s7 =	smul.u32 @!p0 $0xF7A, s2;
	p2 =	seq.s32 @!p0 s5, $0x0  }
0x1f: {  	s9 =	smul.u32 $0xF7A, s1;
	s8 =	simm.s32 @!p0 $0x1BF5;
	p2 =	por !p2, p0  }
0x20: {  	[sflag:s8] =	ssyncset.s32 @!p0 $0xFFFFF086;
	s6 =	sadd.s32 @!p0 s3, s7;
	s7 =	simm.s32 @!p0 $0x108  }
0x21: {  	s3 =	sadd.s32 s3, s9;
	s6 =	sadd.s32 @!p0 $0x88, s6;
	s7 =	simm.s32 @p2 $0x1082  }
0x22: {  	[simem:s7], [sflag:s8] =	dma.local @!p0 [hbm:s6], $0xF7A  }
0x23: {  	s9 =	sor.u32 $0xD0000000, s2;
	s6 =	simm.s32 $0x108;
	_ =	swait.ge @!p0 [sflag:s8], $0x0  }
0x24: {  	s3 =	sadd.s32 $0x88, s3;
	s6 =	simm.s32 @!p1 $0x1082;
	[sflag:s4] =	ssyncset.s32 $0xFFFFF086  }
0x25: {  	[simem:s6], [sflag:s4] =	dma.local [hbm:s3], $0xF7A  }
0x26: {  	[smem:$0x3F9C] =	sst s1;
	(tag) =	ssettag s2;
	_ =	strace s9  }
0x27: {  	s1 =	sld [smem:$0x3FAC]  }
0x28: {  	s2 =	sld [smem:$0x3FAD]  }
0x29: {  	s4 =	sld [smem:$0x3FAF]  }
0x2a: {  	p0 =	seq.s32 s5, $0x0;
	s5 =	sld [smem:$0x3FB0]  }
0x2b: {  	s6 =	sld [smem:$0x3FB1]  }
0x2c: {  	s7 =	sld [smem:$0x3FB2]  }
0x2d: {  	s3 =	simm.s32 $0x108;
	s8 =	sld [smem:$0x3FB3]  }
0x2e: {  	s3 =	simm.s32 @!p0 $0x1082;
	s9 =	sld [smem:$0x3FB4]  }
0x2f: {  	lr =	sadd.s32 s0, s3;
	s0 =	sld [smem:$0x3FAB]  }
0x30: {  	s3 =	sld [smem:$0x3FAE]  }
0x31: {  	[smem:$0x3FB7] =	sst s10  }
0x32: {  	s10 =	sld [smem:$0x3FB5];
	_ =	sdelay $0x3  }
0x33: {  	p0 =	seq.s32 s10, $0x1;
	s10 =	sld [smem:$0x3FB7];
	_ =	sdelay $0x3  }
0x34: {  	[smem:$0x3FB7] =	sst s10  }
0x35: {  	s10 =	sld [smem:$0x3FB6];
	_ =	sdelay $0x3  }
0x36: {  	p1 =	seq.s32 s10, $0x1;
	s10 =	sld [smem:$0x3FB7];
	_ =	sdelay $0x3  }
0x37: {  	[smem:$0x3FB7] =	sst s10  }
0x38: {  	s10 =	sld [smem:$0x3FB8]  }
0x39: {  	_ = 	snop;
	(pc) =	sbr.ind lr, $3  }
0x3a: {  	_ = 	snop  }
0x3b: {  	_ = 	snop  }
0x3c: {  	p2 =	seq.s32 s10, $0x1;
	s10 =	sld [smem:$0x3FB7]  }
0x3d: {  	_ =	shalt  }
0x3e: {  	_ =	shalt  }
0x3f: {  	_ =	shalt  }
0x40: {  	_ =	shalt  }
0x41: {  	_ =	shalt  }
0x42: {  	_ =	shalt  }
0x43: {  	_ =	shalt  }
0x44: {  	_ =	shalt  }
0x45: {  	_ =	shalt  }
0x46: {  	_ =	shalt  }
0x47: {  	_ =	shalt  }
0x48: {  	_ =	shalt  }
0x49: {  	_ =	shalt  }
0x4a: {  	_ =	shalt  }
0x4b: {  	_ =	shalt  }
0x4c: {  	_ =	shalt  }
0x4d: {  	_ =	shalt  }
0x4e: {  	_ =	shalt  }
0x4f: {  	_ =	shalt  }
0x50: {  	_ =	shalt  }
0x51: {  	_ =	shalt  }
0x52: {  	_ =	shalt  }
0x53: {  	_ =	shalt  }
0x54: {  	_ =	shalt  }
0x55: {  	_ =	shalt  }
0x56: {  	_ =	shalt  }
0x57: {  	_ =	shalt  }
0x58: {  	_ =	shalt  }
0x59: {  	_ =	shalt  }
0x5a: {  	_ =	shalt  }
0x5b: {  	_ =	shalt  }
0x5c: {  	_ =	shalt  }
0x5d: {  	_ =	shalt  }
0x5e: {  	_ =	shalt  }
0x5f: {  	_ =	shalt  }
0x60: {  	_ =	shalt  }
0x61: {  	_ =	shalt  }
0x62: {  	_ =	shalt  }
0x63: {  	_ =	shalt  }
0x64: {  	_ =	shalt  }
0x65: {  	_ =	shalt  }
0x66: {  	_ =	shalt  }
0x67: {  	_ =	shalt  }
0x68: {  	_ =	shalt  }
0x69: {  	_ =	shalt  }
0x6a: {  	_ =	shalt  }
0x6b: {  	_ =	shalt  }
0x6c: {  	_ =	shalt  }
0x6d: {  	_ =	shalt  }
0x6e: {  	_ =	shalt  }
0x6f: {  	_ =	shalt  }
0x70: {  	_ =	shalt  }
0x71: {  	_ =	shalt  }
0x72: {  	_ =	shalt  }
0x73: {  	_ =	shalt  }
0x74: {  	_ =	shalt  }
0x75: {  	_ =	shalt  }
0x76: {  	_ =	shalt  }
0x77: {  	_ =	shalt  }
0x78: {  	_ =	shalt  }
0x79: {  	_ =	shalt  }
0x7a: {  	_ =	shalt  }
0x7b: {  	_ =	shalt  }
0x7c: {  	_ =	shalt  }
0x7d: {  	_ =	shalt  }
0x7e: {  	_ =	shalt  }
0x7f: {  	_ =	shalt  }
0x80: {  	_ =	shalt  }
0x81: {  	_ =	shalt  }
0x82: {  	_ =	shalt  }
0x83: {  	_ =	shalt  }
0x84: {  	_ =	shalt  }
0x85: {  	_ =	shalt  }
0x86: {  	_ =	shalt  }
0x87: {  	_ =	shalt  }
.Lfunc_end0:
.L_simem_size_0:
called_computation.4_lowered:
.L_overlay_start_0:
0x88: {  	s2 =	sld [smem:$0x3FD9]  }
0x89: {  	s3 =	sld [smem:$0x3FFE];
	_ =	sdelay $0x1  }
0x8a: {  	s1 =	srdreg.scid  }
0x8b: {  	s0 =	sand.u32 $0x1, s1  }
0x8c: {  	s17 =	sshll.u32 s0, $0xA;
	s2 =	sadd.s32 s3, s2  }
0x8d: {  	s2 =	sadd.s32 s2, s17  }
0x8e: {  	[smem:$0x3FC3] =	sst s2  }
0x8f: {  	_ = 	snop  }
0x90: {  	(tm) =	ssettm $0x1  }
0x91: {  	s18 =	sld [smem:$0x3FFB];
	_ =	sdelay $0x3  }
0x92: {  	_ =	strace s18  }
0x93: {  	s2 =	sld [smem:$0x3FFC];
	_ =	sdelay $0x3  }
0x94: {  	_ =	strace s2  }
0x95: {  	s2 =	sld [smem:$0x3FFD];
	_ =	sdelay $0x3  }
0x96: {  	_ =	strace s2  }
0x97: {  	_ =	strace $0x8FFFFFFF  }
0x98: {  	s19 =	sld [smem:$0x3FDB];
	_ =	sdelay $0x1  }
0x99: {  	s20 =	simm.s32 $_scs_section_size  }
0x9a: {  	s4 =	simm.s32 $_size__tile_overlayer_lowered;
	s5 =	simm.s32 $_tile_overlayer_lowered  }
0x9b: {  	s6 =	simm.s32 $0x1BFF;
	s21 =	sshll.u32 s5, $0x1;
	s3 =	sadd.s32 s20, s19  }
0x9c: {  	s22 =	simm.s32 $0x0;
	s4 =	sshll.u32 s4, $0x1;
	s5 =	sadd.s32 s21, s3  }
0x9d: {  	[timem:s22], [sflag:s6] =	dma.local [hbm:s5], s4  }
0x9e: {  	_ =	swait.ge [sflag:s6], s4  }
0x9f: {  	s4 =	ssub.s32 $0x0, s4;
	[sflag:s6] =	ssyncset.done $0x0  }
0xa0: {  	[sflag:s6] =	ssyncadd.s32 s4;
	_ =	sdelay $0x1  }
0xa1: {  	s23 =	simm.s32 $0x1B8B  }
0xa2: {  	_ =	swait.ge [sflag:s23], $0x1  }
0xa3: {  	[sflag:s23] =	ssyncset.done $0x0  }
0xa4: {  	[sflag:s23] =	ssyncadd.s32 $0xFFFFFFFF  }
0xa5: {  	s4 =	sld [smem:$0x0]  }
0xa6: {  	s5 =	sand.u32 $0xFFFFFFFE, s1  }
0xa7: {  	p0 =	sne.s32 s1, s5  }
0xa8: {  	s5 =	sshll.u32 @p0 s5, $0xE  }
0xa9: {  	s5 =	sadd.s32 @p0 $0x11B8D, s5;
	s6 =	sshll.u32 @p0 s4, $0x11  }
0xaa: {  	s5 =	sor.u32 @p0 s6, s5  }
0xab: {  	[sflag:s5] =	ssyncadd.remote.s32 @p0 $0x1;
	_ =	sdelay $0x1  }
0xac: {  	s5 =	simm.s32 @p0 $0x1B8D  }
0xad: {  	_ =	swait.eq @p0 [sflag:s5], $0x1  }
0xae: {  	[sflag:s5] =	ssyncadd.s32 @p0 $0xFFFFFFFF  }
0xaf: {  	s6 =	sshll.u32 @!p0 s1, $0xE  }
0xb0: {  	s6 =	sor.u32 @!p0 $0x4000, s6;
	s5 =	simm.s32 @!p0 $0x1B8D  }
0xb1: {  	s4 =	sshll.u32 @!p0 s4, $0x11;
	s6 =	sadd.s32 @!p0 $0x11B8D, s6;
	_ =	swait.eq @!p0 [sflag:s5], $0x1  }
0xb2: {  	s4 =	sor.u32 @!p0 s4, s6;
	[sflag:s5] =	ssyncadd.s32 @!p0 $0xFFFFFFFF  }
0xb3: {  	s25 =	simm.s32 $0x1B8E;
	s24 =	sld [smem:$0x3FFE];
	[sflag:s4] =	ssyncadd.remote.s32 @!p0 $0x1  }
0xb4: {  	s26 =	simm.s32 $execute0_lowered;
	[smem:$0x3FD2] =	sst s25  }
0xb5: {  	s5 =	sshll.u32 s26, $0x1;
	_ =	strace $0x80000052;
	[dreg:$0x1] =	wrdreg $0xFFFFFFFF  }
0xb6: {  	s28 =	simm.s32 $_size_execute0_lowered;
	s3 =	sadd.s32 s3, s5;
	[dreg:$0x0] =	wrdreg $0x0  }
0xb7: {  	s5 =	sshll.u32 s28, $0x1;
	[dreg:$0x2] =	wrdreg s3  }
0xb8: {  	[dreg:$0x3] =	wrdreg s5  }
0xb9: {  	[dreg:$0x4] =	wrdreg $0xC0  }
0xba: {  	_ =	task [dreg:s22], $0x5FFFF  }
0xbb: {  	[dreg:$0x1] =	wrdreg $0xFFFFFFFF  }
0xbc: {  	[dreg:$0x0] =	wrdreg $0x60  }
0xbd: {  	[dreg:$0x2] =	wrdreg s24  }
0xbe: {  	[dreg:$0x3] =	wrdreg $0xD  }
0xbf: {  	_ =	task.clear_ibuf [dreg:s22], $0x4FFFF;
	_ =	strace $0x90000052  }
0xc0: {  	s29 =	simm.s32 $0xD;
	_ =	strace $0x80000054  }
0xc1: {  	_ =	swait.ge [sflag:s29], $0x1  }
0xc2: {  	[sflag:s29] =	ssyncadd.s32 $0xFFFFFFFF  }
0xc3: {  	_ =	strace $0x90000054  }
0xc4: {  	_ =	sfence  }
0xc5: {  	s30 =	sld [smem:$0x0];
	_ =	sdelay $0x2  }
0xc6: {  	s31 =	sshll.u32 s1, $0xD;
	s1 =	sshrl.u32 s1, $0x2  }
0xc7: {  	s4 =	sand.u32 $0x4000, s31;
	s1 =	sadd.s32 s1, s30  }
0xc8: {  	s0 =	sor.u32 s4, s0;
	s1 =	sshll.u32 s1, $0x11  }
0xc9: {  	s0 =	sor.u32 s1, s0  }
0xca: {  	s0 =	sadd.s32 $0x8F2B, s0  }
0xcb: {  	[sflag:s0] =	ssyncadd.remote.s32 $0x1  }
0xcc: {  	_ =	sfence.sel $0xFFFF  }
0xcd: {  	[dreg:$0x0] =	wrdreg $0xFFFFFFFF;
	(pc) =	sbr.abs _section_cstart, $3  }
0xce: {  	[dreg:$0x1] =	wrdreg $0xFFFFFFFF  }
0xcf: {  	_ =	task.clear_ibuf [dreg:s22], $0x2FFFF;
	_ =	strace $0x9FFFFFFF  }
0xd0: {  	(tm) =	ssettm $0x7FFFFFFF  }
0xd1: {  	_ =	shalt  }
tec
execute0_lowered:
.L_overlay_start_1:
0x0: {  	(tag) =	ssettag $0x1  }
0x1: {  	s4 =	rddreg [dreg:$0x0]  }
0x2: {  	s0 =	rddreg [dreg:$0x1]  }
0x3: {  	s1 =	stileid.u32;
	s3 =	srdreg.scid  }
0x4: {  	s2 =	simm.s32 $0x0;
	s10 =	simm.s32 $0x3000;
	s11 =	simm.s32 $0x1  }
0x5: {  	s12 =	simm.s32 $0x5800;
	s13 =	simm.s32 $0x2;
	s14 =	simm.s32 $0x8000  }
0x6: {  	s15 =	simm.s32 $0x3;
	s16 =	simm.s32 $0xA800;
	s17 =	simm.s32 $0x4  }
0x7: {  	s18 =	simm.s32 $0x5;
	s19 =	simm.s32 $0x6;
	s20 =	simm.s32 $0x7  }
0x8: {  	s21 =	simm.s32 $0x8;
	s22 =	simm.s32 $0x9;
	s23 =	simm.s32 $0xA  }
0x9: {  	s5 =	sand.u32 $0x1, s3;
	s31 =	sshll.u32 s1, $0x1;
	s6 =	smul.u32 $0xFA00, s1  }
0xa: {  	s3 =	sor.u32 s5, s31;
	s8 =	ssub.s32 $0x2, s5;
	s5 =	smul.u32 $0x7D00, s5  }
0xb: {  	s24 =	simm.s32 $0x0;
	[smem:$0x7FF] =	sst s2;
	s7 =	smul.u32 $0x7D0, s3  }
.Ltmp0:
0xc: {  	_ =	strace $0x80000053;
	s9 =	sshrl.u32 s8, $0x1;
	(pc) =	sbr.rel .LBB2_1-.Ltmp0, $4  }
0xd: {  	s3 =	sadd.s32 $0xCA00, s4;
	s6 =	sadd.s32 s6, s4;
	s8 =	ssub.s32 s8, s9  }
0xe: {  	s6 =	sadd.s32 s5, s6;
	s9 =	simm.s32 $0x800;
	s7 =	sshrl.u32 s7, $0x3  }
0xf: {  	s5 =	smax.u32 s8, $0x1;
	s6 =	sadd.s32 $0x41BC00, s6;
	s4 =	sadd.s32 s4, s7  }
0x10: {  	s8 =	simm.s32 $0x50;
	s7 =	simm.s32 $0xB;
	s4 =	sadd.s32 $0xA900, s4  }
.LBB2_4:
0x11: {  	_ =	swait.ge [sflag:s19], $0x2800  }
0x12: {  	[sflag:s19] =	ssyncset.done $0x0  }
0x13: {  	[sflag:s19] =	ssyncadd.s32 $0xFFFFD800  }
0x14: {  	_ =	swait.ge [sflag:s20], $0x2800  }
0x15: {  	[sflag:s20] =	ssyncset.done $0x0  }
0x16: {  	[sflag:s20] =	ssyncadd.s32 $0xFFFFD800  }
0x17: {  	_ =	swait.ge [sflag:s21], $0x2800  }
0x18: {  	[sflag:s21] =	ssyncset.done $0x0  }
0x19: {  	s24 =	sadd.s32 $0x1, s24;
	[sflag:s21] =	ssyncadd.s32 $0xFFFFD800  }
0x1a: {  	p0 =	sne.s32 s24, s5;
	_ =	swait.ge [sflag:s22], $0x2800  }
.Ltmp1:
0x1b: {  	[sflag:s22] =	ssyncset.done $0x0;
	(pc) =	sbr.rel @!p0 .LBB2_5-.Ltmp1, $4  }
0x1c: {  	[sflag:s22] =	ssyncadd.s32 $0xFFFFD800  }
0x1d: {  	_ =	swait.ge [sflag:s23], $0x2800  }
0x1e: {  	[sflag:s23] =	ssyncset.done $0x0  }
0x1f: {  	[sflag:s23] =	ssyncadd.s32 $0xFFFFD800  }
.LBB2_1:
0x20: {  	[tilespmem:s2], [sflag:$0xB] =	stream.linear.gather [hbm4b:s4+s2], $0x7D0, $0x38;
	[tilespmem:$0xD000] =	vst v63  }
0x21: {  	_ =	swait.ge [sflag:s7], $0x7D0  }
0x22: {  	[sflag:s7] =	ssyncset.done $0x0  }
0x23: {  	[sflag:s7] =	ssyncadd.s32 $0xFFFFF830  }
0x24: {  	[tilespmem:s9], [sflag:$0x1] =	stream.indirect.gather [hbm4b:s3+s8], $0x80, s2, s8, $0xb8;
	[tilespmem:$0xD000] =	vst v63  }
0x25: {  	s25 =	smov.u32 s6;
	s26 =	simm.s32 $0x0  }
0x26: {  	[tilespmem:s10], [sflag:$0x2] =	stream.indirect.gather [hbm4b:s3+s8], $0x80, s8, s8, $0xb8;
	[tilespmem:$0xD000] =	vst v63  }
.LBB2_2:
0x27: {  	_ =	swait.ge [sflag:s11], $0x2800  }
0x28: {  	p0 =	seq.s32 s26, $0x0;
	[sflag:s11] =	ssyncset.done $0x0  }
0x29: {  	s29 =	simm.s32 @!p0 $0x8;
	[sflag:s11] =	ssyncadd.s32 $0xFFFFD800  }
0x2a: {  	[hbm4b:s25+s2] =	stream.linear.scatter [tilespmem:s9], [sflag:$0x6], $0x2800, $0x38;
	[tilespmem:$0xD000] =	vst v63  }
0x2b: {  	_ =	swait.ge @!p0 [sflag:s29], $0x2800  }
0x2c: {  	s28 =	sshra.s32 s26, $0x2;
	[sflag:s29] =	ssyncset.done @!p0 $0x0  }
0x2d: {  	s31 =	sadd.s32 $0xA0, s28;
	[sflag:s29] =	ssyncadd.s32 @!p0 $0xFFFFD800  }
0x2e: {  	[tilespmem:s12], [sflag:$0x3] =	stream.indirect.gather [hbm4b:s3+s8], $0x80, s31, s8, $0xb8;
	[tilespmem:$0xD000] =	vst v63  }
0x2f: {  	_ =	swait.ge [sflag:s13], $0x2800  }
0x30: {  	[sflag:s13] =	ssyncset.done $0x0  }
0x31: {  	s30 =	sadd.s32 $0x500, s25;
	s29 =	simm.s32 @!p0 $0x9;
	[sflag:s13] =	ssyncadd.s32 $0xFFFFD800  }
0x32: {  	[hbm4b:s30+s2] =	stream.linear.scatter [tilespmem:s10], [sflag:$0x7], $0x2800, $0x38;
	[tilespmem:$0xD000] =	vst v63  }
0x33: {  	_ =	swait.ge @!p0 [sflag:s29], $0x2800  }
0x34: {  	[sflag:s29] =	ssyncset.done @!p0 $0x0  }
0x35: {  	s31 =	sadd.s32 $0xF0, s28;
	[sflag:s29] =	ssyncadd.s32 @!p0 $0xFFFFD800  }
0x36: {  	[tilespmem:s14], [sflag:$0x4] =	stream.indirect.gather [hbm4b:s3+s8], $0x80, s31, s8, $0xb8;
	[tilespmem:$0xD000] =	vst v63  }
0x37: {  	_ =	swait.ge [sflag:s15], $0x2800  }
0x38: {  	[sflag:s15] =	ssyncset.done $0x0  }
0x39: {  	s30 =	sadd.s32 $0xA00, s25;
	s29 =	simm.s32 @!p0 $0xA;
	[sflag:s15] =	ssyncadd.s32 $0xFFFFD800  }
0x3a: {  	[hbm4b:s30+s2] =	stream.linear.scatter [tilespmem:s12], [sflag:$0x8], $0x2800, $0x38;
	[tilespmem:$0xD000] =	vst v63  }
0x3b: {  	_ =	swait.ge @!p0 [sflag:s29], $0x2800  }
0x3c: {  	[sflag:s29] =	ssyncset.done @!p0 $0x0  }
0x3d: {  	s31 =	sadd.s32 $0x140, s28;
	[sflag:s29] =	ssyncadd.s32 @!p0 $0xFFFFD800  }
0x3e: {  	[tilespmem:s16], [sflag:$0x5] =	stream.indirect.gather [hbm4b:s3+s8], $0x80, s31, s8, $0xb8;
	[tilespmem:$0xD000] =	vst v63  }
0x3f: {  	_ =	swait.ge [sflag:s17], $0x2800  }
0x40: {  	p0 =	seq.s32 s26, $0x1900;
	[sflag:s17] =	ssyncset.done $0x0  }
0x41: {  	s30 =	sadd.s32 $0xF00, s25;
	s29 =	simm.s32 @!p0 $0x6;
	[sflag:s17] =	ssyncadd.s32 $0xFFFFD800  }
0x42: {  	[hbm4b:s30+s2] =	stream.linear.scatter [tilespmem:s14], [sflag:$0x9], $0x2800, $0x38;
	[tilespmem:$0xD000] =	vst v63  }
0x43: {  	_ =	swait.ge @!p0 [sflag:s29], $0x2800  }
0x44: {  	[sflag:s29] =	ssyncset.done @!p0 $0x0  }
0x45: {  	[sflag:s29] =	ssyncadd.s32 @!p0 $0xFFFFD800;
	s29 =	sshra.s32 @!p0 s26, $0x2  }
0x46: {  	s31 =	simm.s32 @!p0 $0x800;
	s30 =	simm.s32 @!p0 $0x50;
	s29 =	sadd.s32 @!p0 $0x190, s29  }
0x47: {  	[tilespmem:s31], [sflag:$0x1] =	stream.indirect.gather @!p0 [hbm4b:s3+s30], $0x80, s29, s30, $0xb8;
	[tilespmem:$0xD000] =	vst v63  }
.Ltmp2:
0x48: {  	_ = 	snop;
	(pc) =	sbr.rel @p0 .LBB2_4-.Ltmp2, $4  }
0x49: {  	_ =	swait.ge [sflag:s18], $0x2800  }
0x4a: {  	[sflag:s18] =	ssyncset.done $0x0  }
0x4b: {  	s31 =	sadd.s32 $0x1400, s25;
	[sflag:s18] =	ssyncadd.s32 $0xFFFFD800  }
0x4c: {  	[hbm4b:s31+s2] =	stream.linear.scatter [tilespmem:s16], [sflag:$0xA], $0x2800, $0x38;
	[tilespmem:$0xD000] =	vst v63  }
.Ltmp3:
0x4d: {  	(pc) =	sbr.rel .LBB2_2-.Ltmp3, $4  }
0x4e: {  	_ =	swait.ge [sflag:s20], $0x2800  }
0x4f: {  	s28 =	sadd.s32 $0x1E0, s28;
	[sflag:s20] =	ssyncset.done $0x0  }
0x50: {  	s26 =	sadd.s32 $0x640, s26;
	s25 =	sadd.s32 $0x1900, s25;
	[sflag:s20] =	ssyncadd.s32 $0xFFFFD800  }
0x51: {  	[tilespmem:s10], [sflag:$0x2] =	stream.indirect.gather [hbm4b:s3+s8], $0x80, s28, s8, $0xb8;
	[tilespmem:$0xD000] =	vst v63  }
.LBB2_5:
0x52: {  	_ =	sfence.sel $0x180000  }
0x53: {  	[bflag:$0x0] =	sbarrier.arrive $0xFFFF  }
0x54: {  	p0 =	sne.s32 s1, $0x0;
	_ =	strace $0x90000053  }
0x55: {  	s0 =	sadd.s32 @!p0 $0x100000, s0;
	[bflag:$0x2] =	sbarrier.arrive $0xFFFF  }
0x56: {  	[sflag:s0] =	ssyncadd.tile.s32 @!p0 $0x1;
	_ =	shalt  }
.Lfunc_end2:
_tile_overlayer_lowered:
.L_overlay_start_2:
0x57: {  	(tag) =	ssettag $0x2  }
0x58: {  	s0 =	rddreg [dreg:$0x0];
	s2 =	stileid.u32  }
0x59: {  	s1 =	rddreg [dreg:$0x1];
	p0 =	sne.s32 s2, $0x0  }
0x5a: {  	s3 =	rddreg [dreg:$0x2];
	[bflag:$0x3] =	sbarrier.arrive $0xFFFF;
	s2 =	simm.s32 @!p0 $0x1C0B  }
0x5b: {  	[timem:s3], [sflag:s2] =	dma.local @!p0 [hbm:s0], s1  }
0x5c: {  	s0 =	simm.s32 @!p0 $0xB  }
0x5d: {  	_ =	swait.ge @!p0 [sflag:s0], s1  }
0x5e: {  	s1 =	ssub.s32 @!p0 $0x0, s1;
	[sflag:s0] =	ssyncset.done @!p0 $0x0  }
0x5f: {  	[sflag:s0] =	ssyncadd.s32 @!p0 s1  }
0x60: {  	[bflag:$0x3] =	sbarrier.arrive $0xFFFF  }
0x61: {  	_ =	shalt  }

</sc_bundles>
